<compile_context>
chip_gen: v7x
topology: tpu7x:2x2x1
jax: 0.10.2.dev20260603
libtpu: 0.0.44.dev20260713+nightly
codegen_flags: <defaults>
</compile_context>

<pallas_src>
import jax
import jax.numpy as jnp
from jax import lax
from jax.experimental import pallas as pl
from jax.experimental.pallas import tpu as pltpu
from jax.experimental.pallas import tpu_sc as plsc

N = 50000
E = 2000000
D = 32
NP = 50176
ROWS_T = NP // 16
BLK = 1000
NBLK = N // BLK
CA = 2000
NCHA = E // CA
CB = 800
NCHB = E // CB
PREP = 896
NW = 32
TMP = 2048
NEG = float("-inf")
MASK_HI = -65536


def _elu(v):
    return jnp.where(v > 0.0, v, jnp.exp(v) - 1.0)


def _tc1_body(x_ref, w1_ref, b1_ref, w2_ref, b2_ref, h_ref, sum_ref, sq_ref):
    i = pl.program_id(0)
    h = _elu(x_ref[...] @ w1_ref[...] + b1_ref[...])
    h = _elu(h @ w2_ref[...] + b2_ref[...])
    h_ref[...] = h
    csum = jnp.sum(h, axis=0, keepdims=True)
    csq = jnp.sum(h * h, axis=0, keepdims=True)

    @pl.when(i == 0)
    def _():
        sum_ref[...] = csum
        sq_ref[...] = csq

    @pl.when(i != 0)
    def _():
        sum_ref[...] += csum
        sq_ref[...] += csq


def _tc1(x, w1, b1, w2, b2):
    return pl.pallas_call(
        _tc1_body,
        grid=(NBLK,),
        in_specs=[
            pl.BlockSpec((BLK, 128), lambda i: (i, 0)),
            pl.BlockSpec((128, D), lambda i: (0, 0)),
            pl.BlockSpec((1, D), lambda i: (0, 0)),
            pl.BlockSpec((D, D), lambda i: (0, 0)),
            pl.BlockSpec((1, D), lambda i: (0, 0)),
        ],
        out_specs=[
            pl.BlockSpec((BLK, D), lambda i: (i, 0)),
            pl.BlockSpec((1, D), lambda i: (0, 0)),
            pl.BlockSpec((1, D), lambda i: (0, 0)),
        ],
        out_shape=[
            jax.ShapeDtypeStruct((NP, D), jnp.float32),
            jax.ShapeDtypeStruct((1, D), jnp.float32),
            jax.ShapeDtypeStruct((1, D), jnp.float32),
        ],
    )(x, w1, b1, w2, b2)


def _tc2_body(h_ref, sum_ref, sq_ref, g_ref, b_ref, ws8_ref, bs8_ref,
              wh_ref, bh_ref, hb_ref, s8_ref, featT_ref, sT_ref):
    mean = sum_ref[...] / N
    var = sq_ref[...] / N - mean * mean
    rstd = lax.rsqrt(var + 1e-5)
    hb = (h_ref[...] - mean) * rstd * g_ref[...] + b_ref[...]
    hb_ref[...] = hb
    s8 = hb @ ws8_ref[...] + bs8_ref[...]
    s8_ref[...] = s8
    featT_ref[...] = (hb @ wh_ref[...] + bh_ref[...]).T
    sT_ref[...] = s8.T


def _tc2(h, hsum, hsq, g, b, ws8, bs8, wh, bh):
    return pl.pallas_call(
        _tc2_body,
        grid=(NP // 128,),
        in_specs=[
            pl.BlockSpec((128, D), lambda i: (i, 0)),
            pl.BlockSpec((1, D), lambda i: (0, 0)),
            pl.BlockSpec((1, D), lambda i: (0, 0)),
            pl.BlockSpec((1, D), lambda i: (0, 0)),
            pl.BlockSpec((1, D), lambda i: (0, 0)),
            pl.BlockSpec((D, 8), lambda i: (0, 0)),
            pl.BlockSpec((1, 8), lambda i: (0, 0)),
            pl.BlockSpec((D, D), lambda i: (0, 0)),
            pl.BlockSpec((1, D), lambda i: (0, 0)),
        ],
        out_specs=[
            pl.BlockSpec((128, D), lambda i: (i, 0)),
            pl.BlockSpec((128, 8), lambda i: (i, 0)),
            pl.BlockSpec((D, 128), lambda i: (0, i)),
            pl.BlockSpec((8, 128), lambda i: (0, i)),
        ],
        out_shape=[
            jax.ShapeDtypeStruct((NP, D), jnp.float32),
            jax.ShapeDtypeStruct((NP, 8), jnp.float32),
            jax.ShapeDtypeStruct((D, NP), jnp.float32),
            jax.ShapeDtypeStruct((8, NP), jnp.float32),
        ],
    )(h, hsum, hsq, g, b, ws8, bs8, wh, bh)


def _tcT_body2(a_ref, b_ref, oa_ref, ob_ref):
    oa_ref[...] = a_ref[...].T
    ob_ref[...] = b_ref[...].T


def _tcT2(sT, mT):
    return pl.pallas_call(
        _tcT_body2,
        grid=(NP // 128,),
        in_specs=[pl.BlockSpec((D, 128), lambda i: (0, i)),
                  pl.BlockSpec((D, 128), lambda i: (0, i))],
        out_specs=[pl.BlockSpec((128, D), lambda i: (i, 0)),
                   pl.BlockSpec((128, D), lambda i: (i, 0))],
        out_shape=[jax.ShapeDtypeStruct((NP, D), jnp.float32),
                   jax.ShapeDtypeStruct((NP, D), jnp.float32)],
    )(sT, mT)


def _sca_body(src_hbm, dst_hbm, sx_hbm, sy_hbm, sz_hbm,
              w_out, pk_out, cnt_out,
              src_v, dst_v, axs_v, ays_v, azs_v, axd_v, ayd_v, azd_v,
              w_v, pk_v, ones_v, zc_v, cnt_sh, sem):
    cid = lax.axis_index("c")
    sid = lax.axis_index("s")
    wid = sid * 2 + cid

    def zinit(r, _):
        zc_v[pl.ds(r * 16, 16)] = jnp.zeros((16,), jnp.float32)
        return 0

    lax.fori_loop(0, ROWS_T // 16, zinit, 0)

    def oinit(r, _):
        ones_v[pl.ds(r * 16, 16)] = jnp.ones((16,), jnp.float32)
        return 0

    lax.fori_loop(0, CA // 16, oinit, 0)

    pltpu.sync_copy(zc_v, cnt_sh.at[pl.ds(sid * ROWS_T, ROWS_T)])
    plsc.subcore_barrier()

    nchunks_w = (NCHA - wid + NW - 1) // NW

    def chunk_body(i, _):
        base = (i * NW + wid) * CA
        pltpu.sync_copy(src_hbm.at[pl.ds(base, CA)], src_v)
        pltpu.sync_copy(dst_hbm.at[pl.ds(base, CA)], dst_v)
        c1 = pltpu.async_copy(sx_hbm.at[src_v], axs_v, sem)
        c2 = pltpu.async_copy(sy_hbm.at[src_v], ays_v, sem)
        c3 = pltpu.async_copy(sz_hbm.at[src_v], azs_v, sem)
        c4 = pltpu.async_copy(sx_hbm.at[dst_v], axd_v, sem)
        c5 = pltpu.async_copy(sy_hbm.at[dst_v], ayd_v, sem)
        c6 = pltpu.async_copy(sz_hbm.at[dst_v], azd_v, sem)
        c1.wait(); c2.wait(); c3.wait(); c4.wait(); c5.wait(); c6.wait()

        def wgrp(j, _):
            sl = pl.ds(j * 16, 16)
            dx = axs_v[sl] - axd_v[sl]
            dy = ays_v[sl] - ayd_v[sl]
            dz = azs_v[sl] - azd_v[sl]
            d2 = dx * dx + dy * dy + dz * dz
            w_v[sl] = jnp.exp(-10.0 * d2)
            pk = jnp.bitwise_or(src_v[sl],
                                lax.shift_left(dst_v[sl], 16))
            pk_v[sl] = plsc.bitcast(pk, jnp.float32)
            return 0

        lax.fori_loop(0, CA // 16, wgrp, 0)
        pltpu.sync_copy(w_v, w_out.at[pl.ds(base, CA)])
        pltpu.sync_copy(pk_v, pk_out.at[pl.ds(base, CA)])
        pltpu.sync_copy(ones_v, cnt_sh.at[dst_v], add=True)
        return 0

    lax.fori_loop(0, nchunks_w, chunk_body, 0)
    plsc.subcore_barrier()

    pltpu.sync_copy(cnt_sh.at[pl.ds(sid * ROWS_T, ROWS_T)], zc_v)
    pltpu.sync_copy(zc_v, cnt_out.at[pl.ds(cid * NP + sid * ROWS_T, ROWS_T)])


def _sca(src, dst, sx, sy, sz):
    mesh = plsc.VectorSubcoreMesh(core_axis_name="c", subcore_axis_name="s")
    f = pl.kernel(
        _sca_body,
        out_type=[
            jax.ShapeDtypeStruct((E,), jnp.float32),
            jax.ShapeDtypeStruct((E,), jnp.float32),
            jax.ShapeDtypeStruct((2 * NP,), jnp.float32),
        ],
        mesh=mesh,
        scratch_types=[
            pltpu.VMEM((CA,), jnp.int32),
            pltpu.VMEM((CA,), jnp.int32),
            pltpu.VMEM((CA,), jnp.float32),
            pltpu.VMEM((CA,), jnp.float32),
            pltpu.VMEM((CA,), jnp.float32),
            pltpu.VMEM((CA,), jnp.float32),
            pltpu.VMEM((CA,), jnp.float32),
            pltpu.VMEM((CA,), jnp.float32),
            pltpu.VMEM((CA,), jnp.float32),
            pltpu.VMEM((CA,), jnp.float32),
            pltpu.VMEM((CA,), jnp.float32),
            pltpu.VMEM((ROWS_T,), jnp.float32),
            pltpu.VMEM_SHARED((NP,), jnp.float32),
            pltpu.SemaphoreType.DMA,
        ],
        compiler_params=pltpu.CompilerParams(needs_layout_passes=False),
    )
    return f(src, dst, sx, sy, sz)


def _scb_body(pk_hbm, w_hbm, ftT_hbm, sum_out, max_out,
              pka_v, pkb_v, wa_v, wb_v, db_v, vb_v, ftp_v, accs_v, accm_v,
              sema, semb):
    cid = lax.axis_index("c")
    sid = lax.axis_index("s")
    wid = sid * 2 + cid
    iota = lax.iota(jnp.int32, 16)

    def prep(k, _):
        pltpu.sync_copy(ftT_hbm.at[pl.ds(wid * NP + k * PREP, PREP)],
                        pka_v.at[pl.ds(0, PREP)])

        def packg(g, _):
            ev = plsc.load_gather(pka_v, [32 * g + 2 * iota])
            od = plsc.load_gather(pka_v, [32 * g + 2 * iota + 1])
            word = jnp.bitwise_or(
                jnp.bitwise_and(plsc.bitcast(ev, jnp.int32),
                                jnp.int32(MASK_HI)),
                lax.shift_right_logical(plsc.bitcast(od, jnp.int32), 16))
            ftp_v[pl.ds(k * (PREP // 2) + g * 16, 16)] = plsc.bitcast(
                word, jnp.float32)
            return 0

        lax.fori_loop(0, PREP // 32, packg, 0)
        return 0

    lax.fori_loop(0, NP // PREP, prep, 0)

    def ainit(r, _):
        accs_v[pl.ds(r * 16, 16)] = jnp.zeros((16,), jnp.float32)
        accm_v[pl.ds(r * 16, 16)] = jnp.full((16,), NEG, jnp.float32)
        return 0

    lax.fori_loop(0, N // 16, ainit, 0)

    start = (wid * NCHB) // NW

    def _edge_vals(pk_v, w_v, j):
        sl = pl.ds(j * 16, 16)
        p = plsc.bitcast(pk_v[sl], jnp.int32)
        sidx = jnp.bitwise_and(p, jnp.int32(0xFFFF))
        didx = lax.shift_right_logical(p, 16)
        word = plsc.bitcast(
            plsc.load_gather(ftp_v, [lax.shift_right_logical(sidx, 1)]),
            jnp.int32)
        odd = jnp.bitwise_and(sidx, 1) == 1
        bits = jnp.where(odd, lax.shift_left(word, 16),
                         jnp.bitwise_and(word, jnp.int32(MASK_HI)))
        val = plsc.bitcast(bits, jnp.float32) * w_v[sl]
        return didx, val

    def _process(pk_v, w_v, db_v, vb_v):
        @plsc.parallel_loop(0, CB // 16, carry=jnp.zeros((16,), jnp.int32))
        def p1(j, resid):
            didx, val = _edge_vals(pk_v, w_v, j)
            plsc.addupdate_scatter(accs_v, [didx], val)
            _, last1 = plsc.scan_count(didx)
            sl = pl.ds(j * 16, 16)
            db_v[sl] = jnp.bitwise_or(
                didx, jnp.where(last1, jnp.int32(-2147483648), 0))
            vb_v[sl] = val
            return jnp.bitwise_or(resid, jnp.where(last1, 0, 1))

        resid = p1

        def p2(j, _):
            sl = pl.ds(j * 16, 16)
            b = db_v[sl]
            didx = jnp.bitwise_and(b, jnp.int32(0xFFFF))
            win = b < 0
            val = vb_v[sl]
            old = plsc.load_gather(accm_v, [didx])
            plsc.store_scatter(accm_v, [didx], jnp.maximum(old, val),
                               mask=win)
            return 0

        lax.fori_loop(0, CB // 16, p2, 0, unroll=8)

        @pl.when(jnp.max(resid, axis=0) > 0)
        def _fb():
            def fgrp(j, _):
                sl = pl.ds(j * 16, 16)
                didx = jnp.bitwise_and(db_v[sl], jnp.int32(0xFFFF))
                val = vb_v[sl]
                for lane in range(16):
                    m = iota == lane
                    oldm = plsc.load_gather(accm_v, [didx])
                    plsc.store_scatter(accm_v, [didx],
                                       jnp.maximum(oldm, val), mask=m)
                return 0

            lax.fori_loop(0, CB // 16, fgrp, 0)

    def _fetch(i, pk_v, w_v, sem):
        base = lax.rem(start + i, NCHB) * CB
        d1 = pltpu.async_copy(pk_hbm.at[pl.ds(base, CB)],
                              pk_v.at[pl.ds(0, CB)], sem)
        d2 = pltpu.async_copy(w_hbm.at[pl.ds(base, CB)], w_v, sem)
        return d1, d2

    base0 = lax.rem(start, NCHB) * CB
    pltpu.sync_copy(pk_hbm.at[pl.ds(base0, CB)], pka_v.at[pl.ds(0, CB)])
    pltpu.sync_copy(w_hbm.at[pl.ds(base0, CB)], wa_v)

    def pair(i, _):
        b1, b2 = _fetch(2 * i + 1, pkb_v, wb_v, semb)
        _process(pka_v, wa_v, db_v, vb_v)
        a1, a2 = _fetch(2 * i + 2, pka_v, wa_v, sema)
        b1.wait(); b2.wait()
        _process(pkb_v, wb_v, db_v, vb_v)
        a1.wait(); a2.wait()
        return 0

    lax.fori_loop(0, NCHB // 2, pair, 0)

    pltpu.sync_copy(accs_v, sum_out.at[pl.ds(wid * NP, N)])
    pltpu.sync_copy(accm_v, max_out.at[pl.ds(wid * NP, N)])


def _scb(pk, w, ftT_flat):
    mesh = plsc.VectorSubcoreMesh(core_axis_name="c", subcore_axis_name="s")
    f = pl.kernel(
        _scb_body,
        out_type=[
            jax.ShapeDtypeStruct((D * NP,), jnp.float32),
            jax.ShapeDtypeStruct((D * NP,), jnp.float32),
        ],
        mesh=mesh,
        scratch_types=[
            pltpu.VMEM((PREP,), jnp.float32),
            pltpu.VMEM((PREP,), jnp.float32),
            pltpu.VMEM((CB,), jnp.float32),
            pltpu.VMEM((CB,), jnp.float32),
            pltpu.VMEM((CB,), jnp.int32),
            pltpu.VMEM((CB,), jnp.float32),
            pltpu.VMEM((NP // 2,), jnp.float32),
            pltpu.VMEM((N,), jnp.float32),
            pltpu.VMEM((N,), jnp.float32),
            pltpu.SemaphoreType.DMA,
            pltpu.SemaphoreType.DMA,
        ],
        compiler_params=pltpu.CompilerParams(needs_layout_passes=False),
    )
    return f(pk, w, ftT_flat)


def _tc3_body(hb_ref, s8_ref, sumN_ref, cnt0_ref, cnt1_ref,
              maxN_ref, wh_ref, wm_ref, wx_ref, bo_ref,
              wpo_ref, wps_ref, wph_ref, bp1_ref, w2_ref, b2_ref,
              p2_ref, sum_ref, sq_ref):
    i = pl.program_id(0)
    cnt = cnt0_ref[...] + cnt1_ref[...]
    inv = 1.0 / jnp.maximum(cnt, 1.0)
    mean = sumN_ref[...] * inv
    maxv = jnp.where(cnt > 0.0, maxN_ref[...], 0.0)
    hb = hb_ref[...]
    out = (hb @ wh_ref[...] + mean @ wm_ref[...] + maxv @ wx_ref[...]
           + bo_ref[...])
    p = _elu(out @ wpo_ref[...] + s8_ref[...] @ wps_ref[...]
             + hb @ wph_ref[...] + bp1_ref[...])
    p2 = _elu(p @ w2_ref[...] + b2_ref[...])
    p2_ref[...] = p2
    csum = jnp.sum(p2, axis=0, keepdims=True)
    csq = jnp.sum(p2 * p2, axis=0, keepdims=True)

    @pl.when(i == 0)
    def _():
        sum_ref[...] = csum
        sq_ref[...] = csq

    @pl.when(i != 0)
    def _():
        sum_ref[...] += csum
        sq_ref[...] += csq


def _tc3(hb, s8, sumN, cnt0, cnt1, maxN, wh, wm, wx, bo,
         wpo, wps, wph, bp1, w2, b2):
    full = lambda a, b: pl.BlockSpec((a, b), lambda i: (0, 0))
    return pl.pallas_call(
        _tc3_body,
        grid=(NBLK,),
        in_specs=[
            pl.BlockSpec((BLK, D), lambda i: (i, 0)),
            pl.BlockSpec((BLK, 8), lambda i: (i, 0)),
            pl.BlockSpec((BLK, D), lambda i: (i, 0)),
            pl.BlockSpec((BLK, 1), lambda i: (i, 0)),
            pl.BlockSpec((BLK, 1), lambda i: (i, 0)),
            pl.BlockSpec((BLK, D), lambda i: (i, 0)),
            full(D, D), full(D, D), full(D, D), full(1, D),
            full(D, D), full(8, D), full(D, D), full(1, D),
            full(D, D), full(1, D),
        ],
        out_specs=[
            pl.BlockSpec((BLK, D), lambda i: (i, 0)),
            pl.BlockSpec((1, D), lambda i: (0, 0)),
            pl.BlockSpec((1, D), lambda i: (0, 0)),
        ],
        out_shape=[
            jax.ShapeDtypeStruct((N, D), jnp.float32),
            jax.ShapeDtypeStruct((1, D), jnp.float32),
            jax.ShapeDtypeStruct((1, D), jnp.float32),
        ],
    )(hb, s8, sumN, cnt0, cnt1, maxN, wh, wm, wx, bo,
      wpo, wps, wph, bp1, w2, b2)


def _tc4_body(p2_ref, sum_ref, sq_ref, g_ref, b_ref, o_ref):
    mean = sum_ref[...] / N
    var = sq_ref[...] / N - mean * mean
    rstd = lax.rsqrt(var + 1e-5)
    o_ref[...] = (p2_ref[...] - mean) * rstd * g_ref[...] + b_ref[...]


def _tc4(p2, psum, psq, g, b):
    return pl.pallas_call(
        _tc4_body,
        grid=(NBLK,),
        in_specs=[
            pl.BlockSpec((BLK, D), lambda i: (i, 0)),
            pl.BlockSpec((1, D), lambda i: (0, 0)),
            pl.BlockSpec((1, D), lambda i: (0, 0)),
            pl.BlockSpec((1, D), lambda i: (0, 0)),
            pl.BlockSpec((1, D), lambda i: (0, 0)),
        ],
        out_specs=pl.BlockSpec((BLK, D), lambda i: (i, 0)),
        out_shape=jax.ShapeDtypeStruct((N, D), jnp.float32),
    )(p2, psum, psq, g, b)


def kernel(x, edge_index, pre1_W, pre1_b, pre2_W, pre2_b, bn1_g, bn1_b,
           lin_s_W, lin_s_b, lin_h_W, lin_h_b, lin_out_W, lin_out_b,
           post1_W, post1_b, post2_W, post2_b, bn2_g, bn2_b):
    src = edge_index[0]
    dst = edge_index[1]

    ws8 = jnp.pad(lin_s_W, ((0, 0), (0, 5)))
    bs8 = jnp.pad(lin_s_b, (0, 5)).reshape(1, 8)

    h, hsum, hsq = _tc1(x, pre1_W, pre1_b.reshape(1, D), pre2_W,
                        pre2_b.reshape(1, D))
    hb, s8, featT, sT = _tc2(h, hsum, hsq, bn1_g.reshape(1, D),
                             bn1_b.reshape(1, D), ws8, bs8, lin_h_W,
                             lin_h_b.reshape(1, D))
    featT_flat = featT.reshape(-1)

    w, pk, cnts = _sca(src, dst, sT[0], sT[1], sT[2])
    sumT_flat, maxT_flat = _scb(pk, w, featT_flat)

    sumN, maxN = _tcT2(sumT_flat.reshape(D, NP), maxT_flat.reshape(D, NP))
    cnt0 = cnts[:N].reshape(N, 1)
    cnt1 = cnts[NP:NP + N].reshape(N, 1)

    wh = lin_out_W[:D]
    wm = lin_out_W[D:2 * D]
    wx = lin_out_W[2 * D:]
    wpo = post1_W[:D]
    wps = jnp.pad(post1_W[D:D + 3], ((0, 5), (0, 0)))
    wph = post1_W[D + 3:]

    p2, psum, psq = _tc3(hb, s8, sumN, cnt0, cnt1, maxN,
                         wh, wm, wx, lin_out_b.reshape(1, D),
                         wpo, wps, wph, post1_b.reshape(1, D),
                         post2_W, post2_b.reshape(1, D))
    return _tc4(p2, psum, psq, bn2_g.reshape(1, D), bn2_b.reshape(1, D))

# --- scband reference (transcript-rebuilt; emitter-appended) ---
"""Pipeline reference for scband-gravnet-model-50216757625458 (READ-ONLY COPY).

The authoritative reference and input builder live on the scoring server;
editing this copy changes nothing except your own understanding.
"""

import jax, jax.numpy as jnp
import numpy as np

N = 50000
E = 2000000
D_IN = 128
D = 32
S_DIM = 3

def _glorot(key, shape):
    lim = np.sqrt(6.0 / (shape[0] + shape[1]))
    return jax.random.uniform(key, shape, jnp.float32, -lim, lim)

def setup_inputs(seed: int = 0):
    key = jax.random.key(seed)
    ks = jax.random.split(key, 16)
    inp = {}
    inp["x"] = jax.random.normal(ks[0], (N, D_IN), dtype=jnp.float32)
    inp["edge_index"] = jax.random.randint(ks[1], (2, E), 0, N, dtype=jnp.int32)
    inp["pre1_W"] = _glorot(ks[2], (D_IN, D)); inp["pre1_b"] = jnp.zeros((D,), jnp.float32)
    inp["pre2_W"] = _glorot(ks[3], (D, D)); inp["pre2_b"] = jnp.zeros((D,), jnp.float32)
    inp["bn1_g"] = jnp.ones((D,), jnp.float32); inp["bn1_b"] = jnp.zeros((D,), jnp.float32)
    inp["lin_s_W"] = _glorot(ks[4], (D, S_DIM)); inp["lin_s_b"] = jnp.zeros((S_DIM,), jnp.float32)
    inp["lin_h_W"] = _glorot(ks[5], (D, D)); inp["lin_h_b"] = jnp.zeros((D,), jnp.float32)
    inp["lin_out_W"] = _glorot(ks[6], (3 * D, D)); inp["lin_out_b"] = jnp.zeros((D,), jnp.float32)
    inp["post1_W"] = _glorot(ks[7], (D + S_DIM + D, D)); inp["post1_b"] = jnp.zeros((D,), jnp.float32)
    inp["post2_W"] = _glorot(ks[8], (D, D)); inp["post2_b"] = jnp.zeros((D,), jnp.float32)
    inp["bn2_g"] = jnp.ones((D,), jnp.float32); inp["bn2_b"] = jnp.zeros((D,), jnp.float32)
    return inp

def _bn(h, g, b):
    m = jnp.mean(h, axis=0)
    v = jnp.var(h, axis=0)
    return (h - m) / jnp.sqrt(v + 1e-5) * g + b

def reference(x, edge_index, pre1_W, pre1_b, pre2_W, pre2_b, bn1_g, bn1_b, lin_s_W, lin_s_b, lin_h_W, lin_h_b, lin_out_W, lin_out_b, post1_W, post1_b, post2_W, post2_b, bn2_g, bn2_b):
    # pre_gravnet MLP (Linear -> ELU -> Linear -> ELU)
    h = jax.nn.elu(x @ pre1_W + pre1_b)
    h = jax.nn.elu(h @ pre2_W + pre2_b)
    # batchnorm_gravnet1 (training-mode batch stats)
    h = _bn(h, bn1_g, bn1_b)
    # GravNetConv: learned space coords + propagated features
    s = h @ lin_s_W + lin_s_b
    feat = h @ lin_h_W + lin_h_b
    src = edge_index[0]
    dst = edge_index[1]
    d2 = jnp.sum((s[src] - s[dst]) ** 2, axis=-1)
    w = jnp.exp(-10.0 * d2)
    msg = feat[src] * w[:, None]
    agg_sum = jax.ops.segment_sum(msg, dst, num_segments=N)
    cnt = jax.ops.segment_sum(jnp.ones_like(w), dst, num_segments=N)
    agg_mean = agg_sum / jnp.maximum(cnt, 1.0)[:, None]
    agg_max = jax.ops.segment_max(msg, dst, num_segments=N)
    agg_max = jnp.where(cnt[:, None] > 0, agg_max, 0.0)
    out = jnp.concatenate([h, agg_mean, agg_max], axis=1) @ lin_out_W + lin_out_b
    # post_gravnet on cat(gravnet_out, space_coords, pre_features)
    p = jnp.concatenate([out, s, h], axis=1)
    p = jax.nn.elu(p @ post1_W + post1_b)
    p = jax.nn.elu(p @ post2_W + post2_b)
    # batchnorm_gravnet2
    p = _bn(p, bn2_g, bn2_b)
    return p

if __name__ == "__main__":
    import jax
    _d = setup_inputs()
    print(jax.jit(kernel)(*tuple(_d.values())))

</pallas_src>

<mosaic_0001>
#map = affine_map<(d0, d1) -> (0)>
module attributes {stable_mosaic.version = 14 : i64} {
  func.func @_scb_body(%arg0: i32, %arg1: i32, %arg2: memref<2000000xf32, #tpu.memory_space<hbm>>, %arg3: memref<2000000xf32, #tpu.memory_space<hbm>>, %arg4: memref<1605632xf32, #tpu.memory_space<hbm>>, %arg5: memref<1605632xf32, #tpu.memory_space<hbm>>, %arg6: memref<1605632xf32, #tpu.memory_space<hbm>>, %arg7: memref<896xf32, #tpu.memory_space<vmem>>, %arg8: memref<896xf32, #tpu.memory_space<vmem>>, %arg9: memref<800xf32, #tpu.memory_space<vmem>>, %arg10: memref<800xf32, #tpu.memory_space<vmem>>, %arg11: memref<800xi32, #tpu.memory_space<vmem>>, %arg12: memref<800xf32, #tpu.memory_space<vmem>>, %arg13: memref<25088xf32, #tpu.memory_space<vmem>>, %arg14: memref<50000xf32, #tpu.memory_space<vmem>>, %arg15: memref<50000xf32, #tpu.memory_space<vmem>>, %arg16: memref<!tpu.dma_semaphore, #tpu.memory_space<semaphore_mem>>, %arg17: memref<!tpu.dma_semaphore, #tpu.memory_space<semaphore_mem>>) attributes {dimension_semantics = [#tpu.dimension_semantics<core_parallel>, #tpu.dimension_semantics<subcore_parallel>], iteration_bounds = array<i64: 2, 16>, scalar_prefetch = 0 : i64, scratch_operands = 11 : i64, tpu.core_type = #tpu.core_type<sc_vector_subcore>, window_params = [{transform_indices = #map}, {transform_indices = #map}, {transform_indices = #map}, {transform_indices = #map}, {transform_indices = #map}]} {
    %mul3A = arith.constant 2 : i32
    %mul3A_0 = arith.muli %arg1, %mul3A : i32
    %add3A = arith.addi %mul3A_0, %arg0 : i32
    %iota3A = tpu.iota {dimensions = array<i32: 0>} : vector<16xi32>
    %scan3A = arith.constant 0 : i32
    %scan3A_1 = arith.constant 0 : i32
    %scan3A_2 = arith.constant 56 : i32
    %scan3A_3 = arith.addi %scan3A_1, %scan3A_2 : i32
    %scan3A_4 = arith.constant 1 : i32
    %scan3A_5 = scf.for %scan3A_47 = %scan3A_1 to %scan3A_3 step %scan3A_4 iter_args(%scan3A_48 = %scan3A) -> (i32)  : i32 {
      %mul3A_49 = arith.constant 50176 : i32
      %mul3A_50 = arith.muli %add3A, %mul3A_49 : i32
      %mul3A_51 = arith.constant 896 : i32
      %mul3A_52 = arith.muli %scan3A_47, %mul3A_51 : i32
      %add3A_53 = arith.addi %mul3A_50, %mul3A_52 : i32
      "tpu.region"() ({
        %run_scoped3A = tpu.sem_alloc : memref<!tpu.dma_semaphore, #tpu.memory_space<semaphore_mem>>
        %dma_start3A = arith.constant 0 : i32
        %dma_start3A_62 = tpu.memref_slice %arg7[%dma_start3A] : memref<896xf32, #tpu.memory_space<vmem>> -> memref<896xf32, #tpu.memory_space<vmem>>
        %dma_start3A_63 = tpu.memref_slice %arg4[%add3A_53] : memref<1605632xf32, #tpu.memory_space<hbm>> -> memref<896xf32, #tpu.memory_space<hbm>>
        %dma_start3A_64 = arith.constant 0 : i32
        %dma_start3A_65 = tpu.memref_slice %arg7[%dma_start3A_64] : memref<896xf32, #tpu.memory_space<vmem>> -> memref<896xf32, #tpu.memory_space<vmem>>
        %dma_start3A_66 = tpu.memref_slice %arg4[%add3A_53] : memref<1605632xf32, #tpu.memory_space<hbm>> -> memref<896xf32, #tpu.memory_space<hbm>>
        tpu.enqueue_dma source(%dma_start3A_66 : memref<896xf32, #tpu.memory_space<hbm>>) target(%dma_start3A_65 : memref<896xf32, #tpu.memory_space<vmem>>) target_semaphore(%run_scoped3A : memref<!tpu.dma_semaphore, #tpu.memory_space<semaphore_mem>>)
        %dma_wait3A = arith.constant 0 : i32
        %dma_wait3A_67 = tpu.memref_slice %arg7[%dma_wait3A] : memref<896xf32, #tpu.memory_space<vmem>> -> memref<896xf32, #tpu.memory_space<vmem>>
        %dma_wait3A_68 = tpu.memref_slice %arg4[%add3A_53] : memref<1605632xf32, #tpu.memory_space<hbm>> -> memref<896xf32, #tpu.memory_space<hbm>>
        %dma_wait3A_69 = arith.constant 0 : i32
        %dma_wait3A_70 = tpu.memref_slice %arg7[%dma_wait3A_69] : memref<896xf32, #tpu.memory_space<vmem>> -> memref<896xf32, #tpu.memory_space<vmem>>
        %dma_wait3A_71 = tpu.memref_slice %arg4[%add3A_53] : memref<1605632xf32, #tpu.memory_space<hbm>> -> memref<896xf32, #tpu.memory_space<hbm>>
        tpu.wait_dma2 semaphore(%run_scoped3A : memref<!tpu.dma_semaphore, #tpu.memory_space<semaphore_mem>>) src(%dma_wait3A_71 : memref<896xf32, #tpu.memory_space<hbm>>) dst(%dma_wait3A_70 : memref<896xf32, #tpu.memory_space<vmem>>)
        tpu.yield
      }) : () -> ()
      %scan3A_54 = arith.constant 0 : i32
      %scan3A_55 = arith.constant 0 : i32
      %scan3A_56 = arith.constant 28 : i32
      %scan3A_57 = arith.addi %scan3A_55, %scan3A_56 : i32
      %scan3A_58 = arith.constant 1 : i32
      %scan3A_59 = scf.for %scan3A_62 = %scan3A_55 to %scan3A_57 step %scan3A_58 iter_args(%scan3A_63 = %scan3A_54) -> (i32)  : i32 {
        %mul3A_64 = arith.constant 32 : i32
        %mul3A_65 = arith.muli %mul3A_64, %scan3A_62 : i32
        %mul3A_66 = arith.constant 2 : i32
        %mul3A_67 = vector.broadcast %mul3A_66 : i32 to vector<16xi32>
        %mul3A_68 = arith.muli %mul3A_67, %iota3A : vector<16xi32>
        %add3A_69 = vector.broadcast %mul3A_65 : i32 to vector<16xi32>
        %add3A_70 = arith.addi %add3A_69, %mul3A_68 : vector<16xi32>
        %gather3A = tpu.vector_load_idx %arg7[%add3A_70] : memref<896xf32, #tpu.memory_space<vmem>>[vector<16xi32>], vector<16xf32>,
        %mul3A_71 = arith.constant 32 : i32
        %mul3A_72 = arith.muli %mul3A_71, %scan3A_62 : i32
        %mul3A_73 = arith.constant 2 : i32
        %mul3A_74 = vector.broadcast %mul3A_73 : i32 to vector<16xi32>
        %mul3A_75 = arith.muli %mul3A_74, %iota3A : vector<16xi32>
        %add3A_76 = vector.broadcast %mul3A_72 : i32 to vector<16xi32>
        %add3A_77 = arith.addi %add3A_76, %mul3A_75 : vector<16xi32>
        %add3A_78 = arith.constant 1 : i32
        %add3A_79 = vector.broadcast %add3A_78 : i32 to vector<16xi32>
        %add3A_80 = arith.addi %add3A_77, %add3A_79 : vector<16xi32>
        %gather3A_81 = tpu.vector_load_idx %arg7[%add3A_80] : memref<896xf32, #tpu.memory_space<vmem>>[vector<16xi32>], vector<16xf32>,
        %bitcast3A = vector.bitcast %gather3A : vector<16xf32> to vector<16xi32>
        %and3A_82 = arith.constant -65536 : i32
        %and3A_83 = vector.broadcast %and3A_82 : i32 to vector<16xi32>
        %and3A_84 = arith.andi %bitcast3A, %and3A_83 : vector<16xi32>
        %bitcast3A_85 = vector.bitcast %gather3A_81 : vector<16xf32> to vector<16xi32>
        %shift_right_logical3A = arith.constant 16 : i32
        %shift_right_logical3A_86 = vector.broadcast %shift_right_logical3A : i32 to vector<16xi32>
        %shift_right_logical3A_87 = arith.shrui %bitcast3A_85, %shift_right_logical3A_86 : vector<16xi32>
        %or3A = arith.ori %and3A_84, %shift_right_logical3A_87 : vector<16xi32>
        %bitcast3A_88 = vector.bitcast %or3A : vector<16xi32> to vector<16xf32>
        %mul3A_89 = arith.constant 448 : i32
        %mul3A_90 = arith.muli %scan3A_47, %mul3A_89 : i32
        %mul3A_91 = arith.constant 16 : i32
        %mul3A_92 = arith.muli %scan3A_62, %mul3A_91 : i32
        %add3A_93 = arith.addi %mul3A_90, %mul3A_92 : i32
        %swap3A = arith.index_cast %add3A_93 : i32 to index
        %swap3A_94 = tpu.vector_load %arg13[%swap3A] {strides = array<i32>} : memref<25088xf32, #tpu.memory_space<vmem>>, vector<16xf32>,
        tpu.vector_store %arg13[%swap3A], %bitcast3A_88 {strides = array<i32>} : memref<25088xf32, #tpu.memory_space<vmem>>, vector<16xf32>,
        %scan3A_95 = arith.constant 0 : i32
        scf.yield %scan3A_95 : i32
      }
      %scan3A_60 = arith.constant 28 : i32
      %scan3A_61 = arith.constant 0 : i32
      scf.yield %scan3A_61 : i32
    }
    %scan3A_6 = arith.constant 56 : i32
    %scan3A_7 = arith.constant 0 : i32
    %scan3A_8 = arith.constant 0 : i32
    %scan3A_9 = arith.constant 3125 : i32
    %scan3A_10 = arith.addi %scan3A_8, %scan3A_9 : i32
    %scan3A_11 = arith.constant 1 : i32
    %scan3A_12 = scf.for %scan3A_47 = %scan3A_8 to %scan3A_10 step %scan3A_11 iter_args(%scan3A_48 = %scan3A_7) -> (i32)  : i32 {
      %broadcast_in_dim3A = arith.constant 0.000000e+00 : f32
      %broadcast_in_dim3A_49 = vector.broadcast %broadcast_in_dim3A : f32 to vector<16xf32>
      %mul3A_50 = arith.constant 16 : i32
      %mul3A_51 = arith.muli %scan3A_47, %mul3A_50 : i32
      %swap3A = arith.index_cast %mul3A_51 : i32 to index
      %swap3A_52 = tpu.vector_load %arg14[%swap3A] {strides = array<i32>} : memref<50000xf32, #tpu.memory_space<vmem>>, vector<16xf32>,
      tpu.vector_store %arg14[%swap3A], %broadcast_in_dim3A_49 {strides = array<i32>} : memref<50000xf32, #tpu.memory_space<vmem>>, vector<16xf32>,
      %broadcast_in_dim3A_53 = arith.constant 0xFF800000 : f32
      %broadcast_in_dim3A_54 = vector.broadcast %broadcast_in_dim3A_53 : f32 to vector<16xf32>
      %mul3A_55 = arith.constant 16 : i32
      %mul3A_56 = arith.muli %scan3A_47, %mul3A_55 : i32
      %swap3A_57 = arith.index_cast %mul3A_56 : i32 to index
      %swap3A_58 = tpu.vector_load %arg15[%swap3A_57] {strides = array<i32>} : memref<50000xf32, #tpu.memory_space<vmem>>, vector<16xf32>,
      tpu.vector_store %arg15[%swap3A_57], %broadcast_in_dim3A_54 {strides = array<i32>} : memref<50000xf32, #tpu.memory_space<vmem>>, vector<16xf32>,
      %scan3A_59 = arith.constant 0 : i32
      scf.yield %scan3A_59 : i32
    }
    %scan3A_13 = arith.constant 3125 : i32
    %mul3A_14 = arith.constant 2500 : i32
    %mul3A_15 = arith.muli %add3A, %mul3A_14 : i32
    %jit3A = arith.constant 32 : i32
    %div3A = arith.divsi %mul3A_15, %jit3A : i32
    %sign3A = arith.constant 0 : i32
    %sign3A_16 = arith.cmpi sgt, %mul3A_15, %sign3A : i32
    %sign3A_17 = arith.extui %sign3A_16 : i1 to i32
    %sign3A_18 = arith.constant 0 : i32
    %sign3A_19 = arith.cmpi slt, %mul3A_15, %sign3A_18 : i32
    %sign3A_20 = arith.extui %sign3A_19 : i1 to i32
    %sign3A_21 = arith.subi %sign3A_17, %sign3A_20 : i32
    %sign3A_22 = arith.constant 0 : i32
    %sign3A_23 = arith.cmpi sgt, %jit3A, %sign3A_22 : i32
    %sign3A_24 = arith.extui %sign3A_23 : i1 to i32
    %sign3A_25 = arith.constant 0 : i32
    %sign3A_26 = arith.cmpi slt, %jit3A, %sign3A_25 : i32
    %sign3A_27 = arith.extui %sign3A_26 : i1 to i32
    %sign3A_28 = arith.subi %sign3A_24, %sign3A_27 : i32
    %ne3A = arith.cmpi ne, %sign3A_21, %sign3A_28 : i32
    %rem3A = arith.remsi %mul3A_15, %jit3A : i32
    %ne3A_29 = arith.constant 0 : i32
    %ne3A_30 = arith.cmpi ne, %rem3A, %ne3A_29 : i32
    %and3A = arith.andi %ne3A, %ne3A_30 : i1
    %sub3A = arith.constant 1 : i32
    %sub3A_31 = arith.subi %div3A, %sub3A : i32
    %select_n3A = arith.select %and3A, %sub3A_31, %div3A : i32
    %rem3A_32 = arith.constant 2500 : i32
    %rem3A_33 = arith.remsi %select_n3A, %rem3A_32 : i32
    %mul3A_34 = arith.constant 800 : i32
    %mul3A_35 = arith.muli %rem3A_33, %mul3A_34 : i32
    "tpu.region"() ({
      %run_scoped3A = tpu.sem_alloc : memref<!tpu.dma_semaphore, #tpu.memory_space<semaphore_mem>>
      %dma_start3A = arith.constant 0 : i32
      %dma_start3A_47 = tpu.memref_slice %arg7[%dma_start3A] : memref<896xf32, #tpu.memory_space<vmem>> -> memref<800xf32, #tpu.memory_space<vmem>>
      %dma_start3A_48 = tpu.memref_slice %arg2[%mul3A_35] : memref<2000000xf32, #tpu.memory_space<hbm>> -> memref<800xf32, #tpu.memory_space<hbm>>
      %dma_start3A_49 = arith.constant 0 : i32
      %dma_start3A_50 = tpu.memref_slice %arg7[%dma_start3A_49] : memref<896xf32, #tpu.memory_space<vmem>> -> memref<800xf32, #tpu.memory_space<vmem>>
      %dma_start3A_51 = tpu.memref_slice %arg2[%mul3A_35] : memref<2000000xf32, #tpu.memory_space<hbm>> -> memref<800xf32, #tpu.memory_space<hbm>>
      tpu.enqueue_dma source(%dma_start3A_51 : memref<800xf32, #tpu.memory_space<hbm>>) target(%dma_start3A_50 : memref<800xf32, #tpu.memory_space<vmem>>) target_semaphore(%run_scoped3A : memref<!tpu.dma_semaphore, #tpu.memory_space<semaphore_mem>>)
      %dma_wait3A = arith.constant 0 : i32
      %dma_wait3A_52 = tpu.memref_slice %arg7[%dma_wait3A] : memref<896xf32, #tpu.memory_space<vmem>> -> memref<800xf32, #tpu.memory_space<vmem>>
      %dma_wait3A_53 = tpu.memref_slice %arg2[%mul3A_35] : memref<2000000xf32, #tpu.memory_space<hbm>> -> memref<800xf32, #tpu.memory_space<hbm>>
      %dma_wait3A_54 = arith.constant 0 : i32
      %dma_wait3A_55 = tpu.memref_slice %arg7[%dma_wait3A_54] : memref<896xf32, #tpu.memory_space<vmem>> -> memref<800xf32, #tpu.memory_space<vmem>>
      %dma_wait3A_56 = tpu.memref_slice %arg2[%mul3A_35] : memref<2000000xf32, #tpu.memory_space<hbm>> -> memref<800xf32, #tpu.memory_space<hbm>>
      tpu.wait_dma2 semaphore(%run_scoped3A : memref<!tpu.dma_semaphore, #tpu.memory_space<semaphore_mem>>) src(%dma_wait3A_56 : memref<800xf32, #tpu.memory_space<hbm>>) dst(%dma_wait3A_55 : memref<800xf32, #tpu.memory_space<vmem>>)
      tpu.yield
    }) : () -> ()
    "tpu.region"() ({
      %run_scoped3A = tpu.sem_alloc : memref<!tpu.dma_semaphore, #tpu.memory_space<semaphore_mem>>
      %dma_start3A = tpu.memref_slice %arg3[%mul3A_35] : memref<2000000xf32, #tpu.memory_space<hbm>> -> memref<800xf32, #tpu.memory_space<hbm>>
      %dma_start3A_47 = tpu.memref_slice %arg3[%mul3A_35] : memref<2000000xf32, #tpu.memory_space<hbm>> -> memref<800xf32, #tpu.memory_space<hbm>>
      tpu.enqueue_dma source(%dma_start3A_47 : memref<800xf32, #tpu.memory_space<hbm>>) target(%arg9 : memref<800xf32, #tpu.memory_space<vmem>>) target_semaphore(%run_scoped3A : memref<!tpu.dma_semaphore, #tpu.memory_space<semaphore_mem>>)
      %dma_wait3A = tpu.memref_slice %arg3[%mul3A_35] : memref<2000000xf32, #tpu.memory_space<hbm>> -> memref<800xf32, #tpu.memory_space<hbm>>
      %dma_wait3A_48 = tpu.memref_slice %arg3[%mul3A_35] : memref<2000000xf32, #tpu.memory_space<hbm>> -> memref<800xf32, #tpu.memory_space<hbm>>
      tpu.wait_dma2 semaphore(%run_scoped3A : memref<!tpu.dma_semaphore, #tpu.memory_space<semaphore_mem>>) src(%dma_wait3A_48 : memref<800xf32, #tpu.memory_space<hbm>>) dst(%arg9 : memref<800xf32, #tpu.memory_space<vmem>>)
      tpu.yield
    }) : () -> ()
    %scan3A_36 = arith.constant 0 : i32
    %scan3A_37 = arith.constant 0 : i32
    %scan3A_38 = arith.constant 1250 : i32
    %scan3A_39 = arith.addi %scan3A_37, %scan3A_38 : i32
    %scan3A_40 = arith.constant 1 : i32
    %scan3A_41 = scf.for %scan3A_47 = %scan3A_37 to %scan3A_39 step %scan3A_40 iter_args(%scan3A_48 = %scan3A_36) -> (i32)  : i32 {
      %mul3A_49 = arith.constant 2 : i32
      %mul3A_50 = arith.muli %mul3A_49, %scan3A_47 : i32
      %add3A_51 = arith.constant 1 : i32
      %add3A_52 = arith.addi %mul3A_50, %add3A_51 : i32
      %add3A_53 = arith.addi %select_n3A, %add3A_52 : i32
      %rem3A_54 = arith.constant 2500 : i32
      %rem3A_55 = arith.remsi %add3A_53, %rem3A_54 : i32
      %mul3A_56 = arith.constant 800 : i32
      %mul3A_57 = arith.muli %rem3A_55, %mul3A_56 : i32
      %dma_start3A = arith.constant 0 : i32
      %dma_start3A_58 = tpu.memref_slice %arg8[%dma_start3A] : memref<896xf32, #tpu.memory_space<vmem>> -> memref<800xf32, #tpu.memory_space<vmem>>
      %dma_start3A_59 = tpu.memref_slice %arg2[%mul3A_57] : memref<2000000xf32, #tpu.memory_space<hbm>> -> memref<800xf32, #tpu.memory_space<hbm>>
      %dma_start3A_60 = arith.constant 0 : i32
      %dma_start3A_61 = tpu.memref_slice %arg8[%dma_start3A_60] : memref<896xf32, #tpu.memory_space<vmem>> -> memref<800xf32, #tpu.memory_space<vmem>>
      %dma_start3A_62 = tpu.memref_slice %arg2[%mul3A_57] : memref<2000000xf32, #tpu.memory_space<hbm>> -> memref<800xf32, #tpu.memory_space<hbm>>
      tpu.enqueue_dma source(%dma_start3A_62 : memref<800xf32, #tpu.memory_space<hbm>>) target(%dma_start3A_61 : memref<800xf32, #tpu.memory_space<vmem>>) target_semaphore(%arg17 : memref<!tpu.dma_semaphore, #tpu.memory_space<semaphore_mem>>)
      %dma_start3A_63 = tpu.memref_slice %arg3[%mul3A_57] : memref<2000000xf32, #tpu.memory_space<hbm>> -> memref<800xf32, #tpu.memory_space<hbm>>
      %dma_start3A_64 = tpu.memref_slice %arg3[%mul3A_57] : memref<2000000xf32, #tpu.memory_space<hbm>> -> memref<800xf32, #tpu.memory_space<hbm>>
      tpu.enqueue_dma source(%dma_start3A_64 : memref<800xf32, #tpu.memory_space<hbm>>) target(%arg10 : memref<800xf32, #tpu.memory_space<vmem>>) target_semaphore(%arg17 : memref<!tpu.dma_semaphore, #tpu.memory_space<semaphore_mem>>)
      %broadcast_in_dim3A = arith.constant 0 : i32
      %broadcast_in_dim3A_65 = vector.broadcast %broadcast_in_dim3A : i32 to vector<16xi32>
      %parallel_loop3A = arith.constant 0 : i32
      %parallel_loop3A_66 = arith.constant 50 : i32
      %parallel_loop3A_67 = arith.constant 1 : i32
      %parallel_loop3A_68 = scf.for %parallel_loop3A_208 = %parallel_loop3A to %parallel_loop3A_66 step %parallel_loop3A_67 iter_args(%parallel_loop3A_209 = %broadcast_in_dim3A_65) -> (vector<16xi32>)  : i32 {
        %parallel_loop3A_210 = arith.constant 16 : i32
        %parallel_loop3A_211 = arith.muli %parallel_loop3A_208, %parallel_loop3A_210 : i32
        %parallel_loop3A_212 = arith.index_cast %parallel_loop3A_211 : i32 to index
        %parallel_loop3A_213 = tpu.vector_load %arg7[%parallel_loop3A_212] {strides = array<i32>} : memref<896xf32, #tpu.memory_space<vmem>>, vector<16xf32>,
        %parallel_loop3A_214 = vector.bitcast %parallel_loop3A_213 : vector<16xf32> to vector<16xi32>
        %parallel_loop3A_215 = arith.constant 65535 : i32
        %parallel_loop3A_216 = vector.broadcast %parallel_loop3A_215 : i32 to vector<16xi32>
        %parallel_loop3A_217 = arith.andi %parallel_loop3A_214, %parallel_loop3A_216 : vector<16xi32>
        %parallel_loop3A_218 = arith.constant 16 : i32
        %parallel_loop3A_219 = vector.broadcast %parallel_loop3A_218 : i32 to vector<16xi32>
        %parallel_loop3A_220 = arith.shrui %parallel_loop3A_214, %parallel_loop3A_219 : vector<16xi32>
        %parallel_loop3A_221 = arith.constant 1 : i32
        %parallel_loop3A_222 = vector.broadcast %parallel_loop3A_221 : i32 to vector<16xi32>
        %parallel_loop3A_223 = arith.shrui %parallel_loop3A_217, %parallel_loop3A_222 : vector<16xi32>
        %parallel_loop3A_224 = tpu.vector_load_idx %arg13[%parallel_loop3A_223] : memref<25088xf32, #tpu.memory_space<vmem>>[vector<16xi32>], vector<16xf32>,
        %parallel_loop3A_225 = vector.bitcast %parallel_loop3A_224 : vector<16xf32> to vector<16xi32>
        %parallel_loop3A_226 = arith.constant 1 : i32
        %parallel_loop3A_227 = vector.broadcast %parallel_loop3A_226 : i32 to vector<16xi32>
        %parallel_loop3A_228 = arith.andi %parallel_loop3A_217, %parallel_loop3A_227 : vector<16xi32>
        %parallel_loop3A_229 = arith.constant 1 : i32
        %parallel_loop3A_230 = vector.broadcast %parallel_loop3A_229 : i32 to vector<16xi32>
        %parallel_loop3A_231 = arith.cmpi eq, %parallel_loop3A_228, %parallel_loop3A_230 : vector<16xi32>
        %parallel_loop3A_232 = arith.constant 16 : i32
        %parallel_loop3A_233 = vector.broadcast %parallel_loop3A_232 : i32 to vector<16xi32>
        %parallel_loop3A_234 = arith.shli %parallel_loop3A_225, %parallel_loop3A_233 : vector<16xi32>
        %parallel_loop3A_235 = arith.constant -65536 : i32
        %parallel_loop3A_236 = vector.broadcast %parallel_loop3A_235 : i32 to vector<16xi32>
        %parallel_loop3A_237 = arith.andi %parallel_loop3A_225, %parallel_loop3A_236 : vector<16xi32>
        %parallel_loop3A_238 = arith.select %parallel_loop3A_231, %parallel_loop3A_234, %parallel_loop3A_237 : vector<16xi1>, vector<16xi32>
        %parallel_loop3A_239 = vector.bitcast %parallel_loop3A_238 : vector<16xi32> to vector<16xf32>
        %parallel_loop3A_240 = arith.index_cast %parallel_loop3A_211 : i32 to index
        %parallel_loop3A_241 = tpu.vector_load %arg9[%parallel_loop3A_240] {strides = array<i32>} : memref<800xf32, #tpu.memory_space<vmem>>, vector<16xf32>,
        %parallel_loop3A_242 = arith.mulf %parallel_loop3A_239, %parallel_loop3A_241 : vector<16xf32>
        tpu.vector_store_idx %arg14[%parallel_loop3A_220], %parallel_loop3A_242 {add = true} : memref<50000xf32, #tpu.memory_space<vmem>>[vector<16xi32>], vector<16xf32>,
        %parallel_loop3A_243 = arith.constant true
        %parallel_loop3A_244 = vector.broadcast %parallel_loop3A_243 : i1 to vector<16xi1>
        %parallel_loop3A_245, %parallel_loop3A_246 = tpu.scan_count mask(%parallel_loop3A_244 : vector<16xi1>) value(%parallel_loop3A_220 : vector<16xi32>) : vector<16xi1>, vector<16xi32>
        %parallel_loop3A_247 = arith.constant 16 : i32
        %parallel_loop3A_248 = arith.muli %parallel_loop3A_208, %parallel_loop3A_247 : i32
        %parallel_loop3A_249 = arith.constant -2147483648 : i32
        %parallel_loop3A_250 = arith.constant 0 : i32
        %parallel_loop3A_251 = vector.broadcast %parallel_loop3A_249 : i32 to vector<16xi32>
        %parallel_loop3A_252 = vector.broadcast %parallel_loop3A_250 : i32 to vector<16xi32>
        %parallel_loop3A_253 = arith.select %parallel_loop3A_245, %parallel_loop3A_251, %parallel_loop3A_252 : vector<16xi1>, vector<16xi32>
        %parallel_loop3A_254 = arith.ori %parallel_loop3A_220, %parallel_loop3A_253 : vector<16xi32>
        %parallel_loop3A_255 = arith.index_cast %parallel_loop3A_248 : i32 to index
        %parallel_loop3A_256 = tpu.vector_load %arg11[%parallel_loop3A_255] {strides = array<i32>} : memref<800xi32, #tpu.memory_space<vmem>>, vector<16xi32>,
        tpu.vector_store %arg11[%parallel_loop3A_255], %parallel_loop3A_254 {strides = array<i32>} : memref<800xi32, #tpu.memory_space<vmem>>, vector<16xi32>,
        %parallel_loop3A_257 = arith.index_cast %parallel_loop3A_248 : i32 to index
        %parallel_loop3A_258 = tpu.vector_load %arg12[%parallel_loop3A_257] {strides = array<i32>} : memref<800xf32, #tpu.memory_space<vmem>>, vector<16xf32>,
        tpu.vector_store %arg12[%parallel_loop3A_257], %parallel_loop3A_242 {strides = array<i32>} : memref<800xf32, #tpu.memory_space<vmem>>, vector<16xf32>,
        %parallel_loop3A_259 = arith.constant 0 : i32
        %parallel_loop3A_260 = arith.constant 1 : i32
        %parallel_loop3A_261 = vector.broadcast %parallel_loop3A_259 : i32 to vector<16xi32>
        %parallel_loop3A_262 = vector.broadcast %parallel_loop3A_260 : i32 to vector<16xi32>
        %parallel_loop3A_263 = arith.select %parallel_loop3A_245, %parallel_loop3A_261, %parallel_loop3A_262 : vector<16xi1>, vector<16xi32>
        %parallel_loop3A_264 = arith.ori %parallel_loop3A_209, %parallel_loop3A_263 : vector<16xi32>
        scf.yield %parallel_loop3A_264 : vector<16xi32>
      } {sc.loop_unroll_factor = 1 : i64, sc.parallel_access}
      %scan3A_69 = arith.constant 0 : i32
      %scan3A_70 = arith.constant 0 : i32
      %scan3A_71 = arith.constant 48 : i32
      %scan3A_72 = arith.addi %scan3A_70, %scan3A_71 : i32
      %scan3A_73 = arith.constant 8 : i32
      %scan3A_74 = scf.for %scan3A_208 = %scan3A_70 to %scan3A_72 step %scan3A_73 iter_args(%scan3A_209 = %scan3A_69) -> (i32)  : i32 {
        %mul3A_210 = arith.constant 16 : i32
        %mul3A_211 = arith.muli %scan3A_208, %mul3A_210 : i32
        %get3A_212 = arith.index_cast %mul3A_211 : i32 to index
        %get3A_213 = tpu.vector_load %arg11[%get3A_212] {strides = array<i32>} : memref<800xi32, #tpu.memory_space<vmem>>, vector<16xi32>,
        %and3A_214 = arith.constant 65535 : i32
        %and3A_215 = vector.broadcast %and3A_214 : i32 to vector<16xi32>
        %and3A_216 = arith.andi %get3A_213, %and3A_215 : vector<16xi32>
        %lt3A_217 = arith.constant 0 : i32
        %lt3A_218 = vector.broadcast %lt3A_217 : i32 to vector<16xi32>
        %lt3A_219 = arith.cmpi slt, %get3A_213, %lt3A_218 : vector<16xi32>
        %get3A_220 = arith.index_cast %mul3A_211 : i32 to index
        %get3A_221 = tpu.vector_load %arg12[%get3A_220] {strides = array<i32>} : memref<800xf32, #tpu.memory_space<vmem>>, vector<16xf32>,
        %gather3A_222 = tpu.vector_load_idx %arg15[%and3A_216] : memref<50000xf32, #tpu.memory_space<vmem>>[vector<16xi32>], vector<16xf32>,
        %max3A_223 = arith.maximumf %gather3A_222, %get3A_221 : vector<16xf32>
        tpu.vector_store_idx %arg15[%and3A_216], %max3A_223 masked %lt3A_219 : memref<50000xf32, #tpu.memory_space<vmem>>[vector<16xi32>], vector<16xf32>, vector<16xi1>
        %scan3A_224 = arith.constant 0 : i32
        %scan3A_225 = arith.constant 1 : i32
        %scan3A_226 = arith.addi %scan3A_208, %scan3A_225 : i32
        %mul3A_227 = arith.constant 16 : i32
        %mul3A_228 = arith.muli %scan3A_226, %mul3A_227 : i32
        %get3A_229 = arith.index_cast %mul3A_228 : i32 to index
        %get3A_230 = tpu.vector_load %arg11[%get3A_229] {strides = array<i32>} : memref<800xi32, #tpu.memory_space<vmem>>, vector<16xi32>,
        %and3A_231 = arith.constant 65535 : i32
        %and3A_232 = vector.broadcast %and3A_231 : i32 to vector<16xi32>
        %and3A_233 = arith.andi %get3A_230, %and3A_232 : vector<16xi32>
        %lt3A_234 = arith.constant 0 : i32
        %lt3A_235 = vector.broadcast %lt3A_234 : i32 to vector<16xi32>
        %lt3A_236 = arith.cmpi slt, %get3A_230, %lt3A_235 : vector<16xi32>
        %get3A_237 = arith.index_cast %mul3A_228 : i32 to index
        %get3A_238 = tpu.vector_load %arg12[%get3A_237] {strides = array<i32>} : memref<800xf32, #tpu.memory_space<vmem>>, vector<16xf32>,
        %gather3A_239 = tpu.vector_load_idx %arg15[%and3A_233] : memref<50000xf32, #tpu.memory_space<vmem>>[vector<16xi32>], vector<16xf32>,
        %max3A_240 = arith.maximumf %gather3A_239, %get3A_238 : vector<16xf32>
        tpu.vector_store_idx %arg15[%and3A_233], %max3A_240 masked %lt3A_236 : memref<50000xf32, #tpu.memory_space<vmem>>[vector<16xi32>], vector<16xf32>, vector<16xi1>
        %scan3A_241 = arith.constant 0 : i32
        %scan3A_242 = arith.constant 2 : i32
        %scan3A_243 = arith.addi %scan3A_208, %scan3A_242 : i32
        %mul3A_244 = arith.constant 16 : i32
        %mul3A_245 = arith.muli %scan3A_243, %mul3A_244 : i32
        %get3A_246 = arith.index_cast %mul3A_245 : i32 to index
        %get3A_247 = tpu.vector_load %arg11[%get3A_246] {strides = array<i32>} : memref<800xi32, #tpu.memory_space<vmem>>, vector<16xi32>,
        %and3A_248 = arith.constant 65535 : i32
        %and3A_249 = vector.broadcast %and3A_248 : i32 to vector<16xi32>
        %and3A_250 = arith.andi %get3A_247, %and3A_249 : vector<16xi32>
        %lt3A_251 = arith.constant 0 : i32
        %lt3A_252 = vector.broadcast %lt3A_251 : i32 to vector<16xi32>
        %lt3A_253 = arith.cmpi slt, %get3A_247, %lt3A_252 : vector<16xi32>
        %get3A_254 = arith.index_cast %mul3A_245 : i32 to index
        %get3A_255 = tpu.vector_load %arg12[%get3A_254] {strides = array<i32>} : memref<800xf32, #tpu.memory_space<vmem>>, vector<16xf32>,
        %gather3A_256 = tpu.vector_load_idx %arg15[%and3A_250] : memref<50000xf32, #tpu.memory_space<vmem>>[vector<16xi32>], vector<16xf32>,
        %max3A_257 = arith.maximumf %gather3A_256, %get3A_255 : vector<16xf32>
        tpu.vector_store_idx %arg15[%and3A_250], %max3A_257 masked %lt3A_253 : memref<50000xf32, #tpu.memory_space<vmem>>[vector<16xi32>], vector<16xf32>, vector<16xi1>
        %scan3A_258 = arith.constant 0 : i32
        %scan3A_259 = arith.constant 3 : i32
        %scan3A_260 = arith.addi %scan3A_208, %scan3A_259 : i32
        %mul3A_261 = arith.constant 16 : i32
        %mul3A_262 = arith.muli %scan3A_260, %mul3A_261 : i32
        %get3A_263 = arith.index_cast %mul3A_262 : i32 to index
        %get3A_264 = tpu.vector_load %arg11[%get3A_263] {strides = array<i32>} : memref<800xi32, #tpu.memory_space<vmem>>, vector<16xi32>,
        %and3A_265 = arith.constant 65535 : i32
        %and3A_266 = vector.broadcast %and3A_265 : i32 to vector<16xi32>
        %and3A_267 = arith.andi %get3A_264, %and3A_266 : vector<16xi32>
        %lt3A_268 = arith.constant 0 : i32
        %lt3A_269 = vector.broadcast %lt3A_268 : i32 to vector<16xi32>
        %lt3A_270 = arith.cmpi slt, %get3A_264, %lt3A_269 : vector<16xi32>
        %get3A_271 = arith.index_cast %mul3A_262 : i32 to index
        %get3A_272 = tpu.vector_load %arg12[%get3A_271] {strides = array<i32>} : memref<800xf32, #tpu.memory_space<vmem>>, vector<16xf32>,
        %gather3A_273 = tpu.vector_load_idx %arg15[%and3A_267] : memref<50000xf32, #tpu.memory_space<vmem>>[vector<16xi32>], vector<16xf32>,
        %max3A_274 = arith.maximumf %gather3A_273, %get3A_272 : vector<16xf32>
        tpu.vector_store_idx %arg15[%and3A_267], %max3A_274 masked %lt3A_270 : memref<50000xf32, #tpu.memory_space<vmem>>[vector<16xi32>], vector<16xf32>, vector<16xi1>
        %scan3A_275 = arith.constant 0 : i32
        %scan3A_276 = arith.constant 4 : i32
        %scan3A_277 = arith.addi %scan3A_208, %scan3A_276 : i32
        %mul3A_278 = arith.constant 16 : i32
        %mul3A_279 = arith.muli %scan3A_277, %mul3A_278 : i32
        %get3A_280 = arith.index_cast %mul3A_279 : i32 to index
        %get3A_281 = tpu.vector_load %arg11[%get3A_280] {strides = array<i32>} : memref<800xi32, #tpu.memory_space<vmem>>, vector<16xi32>,
        %and3A_282 = arith.constant 65535 : i32
        %and3A_283 = vector.broadcast %and3A_282 : i32 to vector<16xi32>
        %and3A_284 = arith.andi %get3A_281, %and3A_283 : vector<16xi32>
        %lt3A_285 = arith.constant 0 : i32
        %lt3A_286 = vector.broadcast %lt3A_285 : i32 to vector<16xi32>
        %lt3A_287 = arith.cmpi slt, %get3A_281, %lt3A_286 : vector<16xi32>
        %get3A_288 = arith.index_cast %mul3A_279 : i32 to index
        %get3A_289 = tpu.vector_load %arg12[%get3A_288] {strides = array<i32>} : memref<800xf32, #tpu.memory_space<vmem>>, vector<16xf32>,
        %gather3A_290 = tpu.vector_load_idx %arg15[%and3A_284] : memref<50000xf32, #tpu.memory_space<vmem>>[vector<16xi32>], vector<16xf32>,
        %max3A_291 = arith.maximumf %gather3A_290, %get3A_289 : vector<16xf32>
        tpu.vector_store_idx %arg15[%and3A_284], %max3A_291 masked %lt3A_287 : memref<50000xf32, #tpu.memory_space<vmem>>[vector<16xi32>], vector<16xf32>, vector<16xi1>
        %scan3A_292 = arith.constant 0 : i32
        %scan3A_293 = arith.constant 5 : i32
        %scan3A_294 = arith.addi %scan3A_208, %scan3A_293 : i32
        %mul3A_295 = arith.constant 16 : i32
        %mul3A_296 = arith.muli %scan3A_294, %mul3A_295 : i32
        %get3A_297 = arith.index_cast %mul3A_296 : i32 to index
        %get3A_298 = tpu.vector_load %arg11[%get3A_297] {strides = array<i32>} : memref<800xi32, #tpu.memory_space<vmem>>, vector<16xi32>,
        %and3A_299 = arith.constant 65535 : i32
        %and3A_300 = vector.broadcast %and3A_299 : i32 to vector<16xi32>
        %and3A_301 = arith.andi %get3A_298, %and3A_300 : vector<16xi32>
        %lt3A_302 = arith.constant 0 : i32
        %lt3A_303 = vector.broadcast %lt3A_302 : i32 to vector<16xi32>
        %lt3A_304 = arith.cmpi slt, %get3A_298, %lt3A_303 : vector<16xi32>
        %get3A_305 = arith.index_cast %mul3A_296 : i32 to index
        %get3A_306 = tpu.vector_load %arg12[%get3A_305] {strides = array<i32>} : memref<800xf32, #tpu.memory_space<vmem>>, vector<16xf32>,
        %gather3A_307 = tpu.vector_load_idx %arg15[%and3A_301] : memref<50000xf32, #tpu.memory_space<vmem>>[vector<16xi32>], vector<16xf32>,
        %max3A_308 = arith.maximumf %gather3A_307, %get3A_306 : vector<16xf32>
        tpu.vector_store_idx %arg15[%and3A_301], %max3A_308 masked %lt3A_304 : memref<50000xf32, #tpu.memory_space<vmem>>[vector<16xi32>], vector<16xf32>, vector<16xi1>
        %scan3A_309 = arith.constant 0 : i32
        %scan3A_310 = arith.constant 6 : i32
        %scan3A_311 = arith.addi %scan3A_208, %scan3A_310 : i32
        %mul3A_312 = arith.constant 16 : i32
        %mul3A_313 = arith.muli %scan3A_311, %mul3A_312 : i32
        %get3A_314 = arith.index_cast %mul3A_313 : i32 to index
        %get3A_315 = tpu.vector_load %arg11[%get3A_314] {strides = array<i32>} : memref<800xi32, #tpu.memory_space<vmem>>, vector<16xi32>,
        %and3A_316 = arith.constant 65535 : i32
        %and3A_317 = vector.broadcast %and3A_316 : i32 to vector<16xi32>
        %and3A_318 = arith.andi %get3A_315, %and3A_317 : vector<16xi32>
        %lt3A_319 = arith.constant 0 : i32
        %lt3A_320 = vector.broadcast %lt3A_319 : i32 to vector<16xi32>
        %lt3A_321 = arith.cmpi slt, %get3A_315, %lt3A_320 : vector<16xi32>
        %get3A_322 = arith.index_cast %mul3A_313 : i32 to index
        %get3A_323 = tpu.vector_load %arg12[%get3A_322] {strides = array<i32>} : memref<800xf32, #tpu.memory_space<vmem>>, vector<16xf32>,
        %gather3A_324 = tpu.vector_load_idx %arg15[%and3A_318] : memref<50000xf32, #tpu.memory_space<vmem>>[vector<16xi32>], vector<16xf32>,
        %max3A_325 = arith.maximumf %gather3A_324, %get3A_323 : vector<16xf32>
        tpu.vector_store_idx %arg15[%and3A_318], %max3A_325 masked %lt3A_321 : memref<50000xf32, #tpu.memory_space<vmem>>[vector<16xi32>], vector<16xf32>, vector<16xi1>
        %scan3A_326 = arith.constant 0 : i32
        %scan3A_327 = arith.constant 7 : i32
        %scan3A_328 = arith.addi %scan3A_208, %scan3A_327 : i32
        %mul3A_329 = arith.constant 16 : i32
        %mul3A_330 = arith.muli %scan3A_328, %mul3A_329 : i32
        %get3A_331 = arith.index_cast %mul3A_330 : i32 to index
        %get3A_332 = tpu.vector_load %arg11[%get3A_331] {strides = array<i32>} : memref<800xi32, #tpu.memory_space<vmem>>, vector<16xi32>,
        %and3A_333 = arith.constant 65535 : i32
        %and3A_334 = vector.broadcast %and3A_333 : i32 to vector<16xi32>
        %and3A_335 = arith.andi %get3A_332, %and3A_334 : vector<16xi32>
        %lt3A_336 = arith.constant 0 : i32
        %lt3A_337 = vector.broadcast %lt3A_336 : i32 to vector<16xi32>
        %lt3A_338 = arith.cmpi slt, %get3A_332, %lt3A_337 : vector<16xi32>
        %get3A_339 = arith.index_cast %mul3A_330 : i32 to index
        %get3A_340 = tpu.vector_load %arg12[%get3A_339] {strides = array<i32>} : memref<800xf32, #tpu.memory_space<vmem>>, vector<16xf32>,
        %gather3A_341 = tpu.vector_load_idx %arg15[%and3A_335] : memref<50000xf32, #tpu.memory_space<vmem>>[vector<16xi32>], vector<16xf32>,
        %max3A_342 = arith.maximumf %gather3A_341, %get3A_340 : vector<16xf32>
        tpu.vector_store_idx %arg15[%and3A_335], %max3A_342 masked %lt3A_338 : memref<50000xf32, #tpu.memory_space<vmem>>[vector<16xi32>], vector<16xf32>, vector<16xi1>
        %scan3A_343 = arith.constant 0 : i32
        scf.yield %scan3A_343 : i32
      }
      %scan3A_75 = arith.constant 48 : i32
      %scan3A_76 = arith.addi %scan3A_70, %scan3A_75 : i32
      %mul3A_77 = arith.constant 16 : i32
      %mul3A_78 = arith.muli %scan3A_76, %mul3A_77 : i32
      %get3A = arith.index_cast %mul3A_78 : i32 to index
      %get3A_79 = tpu.vector_load %arg11[%get3A] {strides = array<i32>} : memref<800xi32, #tpu.memory_space<vmem>>, vector<16xi32>,
      %and3A_80 = arith.constant 65535 : i32
      %and3A_81 = vector.broadcast %and3A_80 : i32 to vector<16xi32>
      %and3A_82 = arith.andi %get3A_79, %and3A_81 : vector<16xi32>
      %lt3A = arith.constant 0 : i32
      %lt3A_83 = vector.broadcast %lt3A : i32 to vector<16xi32>
      %lt3A_84 = arith.cmpi slt, %get3A_79, %lt3A_83 : vector<16xi32>
      %get3A_85 = arith.index_cast %mul3A_78 : i32 to index
      %get3A_86 = tpu.vector_load %arg12[%get3A_85] {strides = array<i32>} : memref<800xf32, #tpu.memory_space<vmem>>, vector<16xf32>,
      %gather3A = tpu.vector_load_idx %arg15[%and3A_82] : memref<50000xf32, #tpu.memory_space<vmem>>[vector<16xi32>], vector<16xf32>,
      %max3A = arith.maximumf %gather3A, %get3A_86 : vector<16xf32>
      tpu.vector_store_idx %arg15[%and3A_82], %max3A masked %lt3A_84 : memref<50000xf32, #tpu.memory_space<vmem>>[vector<16xi32>], vector<16xf32>, vector<16xi1>
      %scan3A_87 = arith.constant 0 : i32
      %scan3A_88 = arith.constant 49 : i32
      %scan3A_89 = arith.addi %scan3A_70, %scan3A_88 : i32
      %mul3A_90 = arith.constant 16 : i32
      %mul3A_91 = arith.muli %scan3A_89, %mul3A_90 : i32
      %get3A_92 = arith.index_cast %mul3A_91 : i32 to index
      %get3A_93 = tpu.vector_load %arg11[%get3A_92] {strides = array<i32>} : memref<800xi32, #tpu.memory_space<vmem>>, vector<16xi32>,
      %and3A_94 = arith.constant 65535 : i32
      %and3A_95 = vector.broadcast %and3A_94 : i32 to vector<16xi32>
      %and3A_96 = arith.andi %get3A_93, %and3A_95 : vector<16xi32>
      %lt3A_97 = arith.constant 0 : i32
      %lt3A_98 = vector.broadcast %lt3A_97 : i32 to vector<16xi32>
      %lt3A_99 = arith.cmpi slt, %get3A_93, %lt3A_98 : vector<16xi32>
      %get3A_100 = arith.index_cast %mul3A_91 : i32 to index
      %get3A_101 = tpu.vector_load %arg12[%get3A_100] {strides = array<i32>} : memref<800xf32, #tpu.memory_space<vmem>>, vector<16xf32>,
      %gather3A_102 = tpu.vector_load_idx %arg15[%and3A_96] : memref<50000xf32, #tpu.memory_space<vmem>>[vector<16xi32>], vector<16xf32>,
      %max3A_103 = arith.maximumf %gather3A_102, %get3A_101 : vector<16xf32>
      tpu.vector_store_idx %arg15[%and3A_96], %max3A_103 masked %lt3A_99 : memref<50000xf32, #tpu.memory_space<vmem>>[vector<16xi32>], vector<16xf32>, vector<16xi1>
      %scan3A_104 = arith.constant 0 : i32
      %scan3A_105 = arith.constant 50 : i32
      %reduce_max3A = arith.constant true
      %reduce_max3A_106 = vector.broadcast %reduce_max3A : i1 to vector<16xi1>
      %reduce_max3A_107 = arith.constant -2147483648 : i32
      %reduce_max3A_108 = vector.broadcast %reduce_max3A_107 : i32 to vector<16xi32>
      %reduce_max3A_109 = arith.xori %parallel_loop3A_68, %reduce_max3A_108 : vector<16xi32>
      %reduce_max3A_110 = tpu.scan <max>, %reduce_max3A_109 masked %reduce_max3A_106 : vector<16xi32>, vector<16xi1> -> vector<16xi32>
      %reduce_max3A_111 = arith.xori %reduce_max3A_110, %reduce_max3A_108 : vector<16xi32>
      %reduce_max3A_112 = vector.extract %reduce_max3A_111[15] : i32 from vector<16xi32>
      %gt3A = arith.constant 0 : i32
      %gt3A_113 = arith.cmpi sgt, %reduce_max3A_112, %gt3A : i32
      %convert_element_type3A = arith.extui %gt3A_113 : i1 to i32
      %cond3A = arith.constant 0 : i32
      %cond3A_114 = arith.cmpi ne, %convert_element_type3A, %cond3A : i32
      scf.if %cond3A_114 {
        %scan3A_208 = arith.constant 0 : i32
        %scan3A_209 = arith.constant 0 : i32
        %scan3A_210 = arith.constant 50 : i32
        %scan3A_211 = arith.addi %scan3A_209, %scan3A_210 : i32
        %scan3A_212 = arith.constant 1 : i32
        %scan3A_213 = scf.for %scan3A_215 = %scan3A_209 to %scan3A_211 step %scan3A_212 iter_args(%scan3A_216 = %scan3A_208) -> (i32)  : i32 {
          %mul3A_217 = arith.constant 16 : i32
          %mul3A_218 = arith.muli %scan3A_215, %mul3A_217 : i32
          %get3A_219 = arith.index_cast %mul3A_218 : i32 to index
          %get3A_220 = tpu.vector_load %arg11[%get3A_219] {strides = array<i32>} : memref<800xi32, #tpu.memory_space<vmem>>, vector<16xi32>,
          %and3A_221 = arith.constant 65535 : i32
          %and3A_222 = vector.broadcast %and3A_221 : i32 to vector<16xi32>
          %and3A_223 = arith.andi %get3A_220, %and3A_222 : vector<16xi32>
          %get3A_224 = arith.index_cast %mul3A_218 : i32 to index
          %get3A_225 = tpu.vector_load %arg12[%get3A_224] {strides = array<i32>} : memref<800xf32, #tpu.memory_space<vmem>>, vector<16xf32>,
          %eq3A = arith.constant 0 : i32
          %eq3A_226 = vector.broadcast %eq3A : i32 to vector<16xi32>
          %eq3A_227 = arith.cmpi eq, %iota3A, %eq3A_226 : vector<16xi32>
          %gather3A_228 = tpu.vector_load_idx %arg15[%and3A_223] : memref<50000xf32, #tpu.memory_space<vmem>>[vector<16xi32>], vector<16xf32>,
          %max3A_229 = arith.maximumf %gather3A_228, %get3A_225 : vector<16xf32>
          tpu.vector_store_idx %arg15[%and3A_223], %max3A_229 masked %eq3A_227 : memref<50000xf32, #tpu.memory_space<vmem>>[vector<16xi32>], vector<16xf32>, vector<16xi1>
          %eq3A_230 = arith.constant 1 : i32
          %eq3A_231 = vector.broadcast %eq3A_230 : i32 to vector<16xi32>
          %eq3A_232 = arith.cmpi eq, %iota3A, %eq3A_231 : vector<16xi32>
          %gather3A_233 = tpu.vector_load_idx %arg15[%and3A_223] : memref<50000xf32, #tpu.memory_space<vmem>>[vector<16xi32>], vector<16xf32>,
          %max3A_234 = arith.maximumf %gather3A_233, %get3A_225 : vector<16xf32>
          tpu.vector_store_idx %arg15[%and3A_223], %max3A_234 masked %eq3A_232 : memref<50000xf32, #tpu.memory_space<vmem>>[vector<16xi32>], vector<16xf32>, vector<16xi1>
          %eq3A_235 = arith.constant 2 : i32
          %eq3A_236 = vector.broadcast %eq3A_235 : i32 to vector<16xi32>
          %eq3A_237 = arith.cmpi eq, %iota3A, %eq3A_236 : vector<16xi32>
          %gather3A_238 = tpu.vector_load_idx %arg15[%and3A_223] : memref<50000xf32, #tpu.memory_space<vmem>>[vector<16xi32>], vector<16xf32>,
          %max3A_239 = arith.maximumf %gather3A_238, %get3A_225 : vector<16xf32>
          tpu.vector_store_idx %arg15[%and3A_223], %max3A_239 masked %eq3A_237 : memref<50000xf32, #tpu.memory_space<vmem>>[vector<16xi32>], vector<16xf32>, vector<16xi1>
          %eq3A_240 = arith.constant 3 : i32
          %eq3A_241 = vector.broadcast %eq3A_240 : i32 to vector<16xi32>
          %eq3A_242 = arith.cmpi eq, %iota3A, %eq3A_241 : vector<16xi32>
          %gather3A_243 = tpu.vector_load_idx %arg15[%and3A_223] : memref<50000xf32, #tpu.memory_space<vmem>>[vector<16xi32>], vector<16xf32>,
          %max3A_244 = arith.maximumf %gather3A_243, %get3A_225 : vector<16xf32>
          tpu.vector_store_idx %arg15[%and3A_223], %max3A_244 masked %eq3A_242 : memref<50000xf32, #tpu.memory_space<vmem>>[vector<16xi32>], vector<16xf32>, vector<16xi1>
          %eq3A_245 = arith.constant 4 : i32
          %eq3A_246 = vector.broadcast %eq3A_245 : i32 to vector<16xi32>
          %eq3A_247 = arith.cmpi eq, %iota3A, %eq3A_246 : vector<16xi32>
          %gather3A_248 = tpu.vector_load_idx %arg15[%and3A_223] : memref<50000xf32, #tpu.memory_space<vmem>>[vector<16xi32>], vector<16xf32>,
          %max3A_249 = arith.maximumf %gather3A_248, %get3A_225 : vector<16xf32>
          tpu.vector_store_idx %arg15[%and3A_223], %max3A_249 masked %eq3A_247 : memref<50000xf32, #tpu.memory_space<vmem>>[vector<16xi32>], vector<16xf32>, vector<16xi1>
          %eq3A_250 = arith.constant 5 : i32
          %eq3A_251 = vector.broadcast %eq3A_250 : i32 to vector<16xi32>
          %eq3A_252 = arith.cmpi eq, %iota3A, %eq3A_251 : vector<16xi32>
          %gather3A_253 = tpu.vector_load_idx %arg15[%and3A_223] : memref<50000xf32, #tpu.memory_space<vmem>>[vector<16xi32>], vector<16xf32>,
          %max3A_254 = arith.maximumf %gather3A_253, %get3A_225 : vector<16xf32>
          tpu.vector_store_idx %arg15[%and3A_223], %max3A_254 masked %eq3A_252 : memref<50000xf32, #tpu.memory_space<vmem>>[vector<16xi32>], vector<16xf32>, vector<16xi1>
          %eq3A_255 = arith.constant 6 : i32
          %eq3A_256 = vector.broadcast %eq3A_255 : i32 to vector<16xi32>
          %eq3A_257 = arith.cmpi eq, %iota3A, %eq3A_256 : vector<16xi32>
          %gather3A_258 = tpu.vector_load_idx %arg15[%and3A_223] : memref<50000xf32, #tpu.memory_space<vmem>>[vector<16xi32>], vector<16xf32>,
          %max3A_259 = arith.maximumf %gather3A_258, %get3A_225 : vector<16xf32>
          tpu.vector_store_idx %arg15[%and3A_223], %max3A_259 masked %eq3A_257 : memref<50000xf32, #tpu.memory_space<vmem>>[vector<16xi32>], vector<16xf32>, vector<16xi1>
          %eq3A_260 = arith.constant 7 : i32
          %eq3A_261 = vector.broadcast %eq3A_260 : i32 to vector<16xi32>
          %eq3A_262 = arith.cmpi eq, %iota3A, %eq3A_261 : vector<16xi32>
          %gather3A_263 = tpu.vector_load_idx %arg15[%and3A_223] : memref<50000xf32, #tpu.memory_space<vmem>>[vector<16xi32>], vector<16xf32>,
          %max3A_264 = arith.maximumf %gather3A_263, %get3A_225 : vector<16xf32>
          tpu.vector_store_idx %arg15[%and3A_223], %max3A_264 masked %eq3A_262 : memref<50000xf32, #tpu.memory_space<vmem>>[vector<16xi32>], vector<16xf32>, vector<16xi1>
          %eq3A_265 = arith.constant 8 : i32
          %eq3A_266 = vector.broadcast %eq3A_265 : i32 to vector<16xi32>
          %eq3A_267 = arith.cmpi eq, %iota3A, %eq3A_266 : vector<16xi32>
          %gather3A_268 = tpu.vector_load_idx %arg15[%and3A_223] : memref<50000xf32, #tpu.memory_space<vmem>>[vector<16xi32>], vector<16xf32>,
          %max3A_269 = arith.maximumf %gather3A_268, %get3A_225 : vector<16xf32>
          tpu.vector_store_idx %arg15[%and3A_223], %max3A_269 masked %eq3A_267 : memref<50000xf32, #tpu.memory_space<vmem>>[vector<16xi32>], vector<16xf32>, vector<16xi1>
          %eq3A_270 = arith.constant 9 : i32
          %eq3A_271 = vector.broadcast %eq3A_270 : i32 to vector<16xi32>
          %eq3A_272 = arith.cmpi eq, %iota3A, %eq3A_271 : vector<16xi32>
          %gather3A_273 = tpu.vector_load_idx %arg15[%and3A_223] : memref<50000xf32, #tpu.memory_space<vmem>>[vector<16xi32>], vector<16xf32>,
          %max3A_274 = arith.maximumf %gather3A_273, %get3A_225 : vector<16xf32>
          tpu.vector_store_idx %arg15[%and3A_223], %max3A_274 masked %eq3A_272 : memref<50000xf32, #tpu.memory_space<vmem>>[vector<16xi32>], vector<16xf32>, vector<16xi1>
          %eq3A_275 = arith.constant 10 : i32
          %eq3A_276 = vector.broadcast %eq3A_275 : i32 to vector<16xi32>
          %eq3A_277 = arith.cmpi eq, %iota3A, %eq3A_276 : vector<16xi32>
          %gather3A_278 = tpu.vector_load_idx %arg15[%and3A_223] : memref<50000xf32, #tpu.memory_space<vmem>>[vector<16xi32>], vector<16xf32>,
          %max3A_279 = arith.maximumf %gather3A_278, %get3A_225 : vector<16xf32>
          tpu.vector_store_idx %arg15[%and3A_223], %max3A_279 masked %eq3A_277 : memref<50000xf32, #tpu.memory_space<vmem>>[vector<16xi32>], vector<16xf32>, vector<16xi1>
          %eq3A_280 = arith.constant 11 : i32
          %eq3A_281 = vector.broadcast %eq3A_280 : i32 to vector<16xi32>
          %eq3A_282 = arith.cmpi eq, %iota3A, %eq3A_281 : vector<16xi32>
          %gather3A_283 = tpu.vector_load_idx %arg15[%and3A_223] : memref<50000xf32, #tpu.memory_space<vmem>>[vector<16xi32>], vector<16xf32>,
          %max3A_284 = arith.maximumf %gather3A_283, %get3A_225 : vector<16xf32>
          tpu.vector_store_idx %arg15[%and3A_223], %max3A_284 masked %eq3A_282 : memref<50000xf32, #tpu.memory_space<vmem>>[vector<16xi32>], vector<16xf32>, vector<16xi1>
          %eq3A_285 = arith.constant 12 : i32
          %eq3A_286 = vector.broadcast %eq3A_285 : i32 to vector<16xi32>
          %eq3A_287 = arith.cmpi eq, %iota3A, %eq3A_286 : vector<16xi32>
          %gather3A_288 = tpu.vector_load_idx %arg15[%and3A_223] : memref<50000xf32, #tpu.memory_space<vmem>>[vector<16xi32>], vector<16xf32>,
          %max3A_289 = arith.maximumf %gather3A_288, %get3A_225 : vector<16xf32>
          tpu.vector_store_idx %arg15[%and3A_223], %max3A_289 masked %eq3A_287 : memref<50000xf32, #tpu.memory_space<vmem>>[vector<16xi32>], vector<16xf32>, vector<16xi1>
          %eq3A_290 = arith.constant 13 : i32
          %eq3A_291 = vector.broadcast %eq3A_290 : i32 to vector<16xi32>
          %eq3A_292 = arith.cmpi eq, %iota3A, %eq3A_291 : vector<16xi32>
          %gather3A_293 = tpu.vector_load_idx %arg15[%and3A_223] : memref<50000xf32, #tpu.memory_space<vmem>>[vector<16xi32>], vector<16xf32>,
          %max3A_294 = arith.maximumf %gather3A_293, %get3A_225 : vector<16xf32>
          tpu.vector_store_idx %arg15[%and3A_223], %max3A_294 masked %eq3A_292 : memref<50000xf32, #tpu.memory_space<vmem>>[vector<16xi32>], vector<16xf32>, vector<16xi1>
          %eq3A_295 = arith.constant 14 : i32
          %eq3A_296 = vector.broadcast %eq3A_295 : i32 to vector<16xi32>
          %eq3A_297 = arith.cmpi eq, %iota3A, %eq3A_296 : vector<16xi32>
          %gather3A_298 = tpu.vector_load_idx %arg15[%and3A_223] : memref<50000xf32, #tpu.memory_space<vmem>>[vector<16xi32>], vector<16xf32>,
          %max3A_299 = arith.maximumf %gather3A_298, %get3A_225 : vector<16xf32>
          tpu.vector_store_idx %arg15[%and3A_223], %max3A_299 masked %eq3A_297 : memref<50000xf32, #tpu.memory_space<vmem>>[vector<16xi32>], vector<16xf32>, vector<16xi1>
          %eq3A_300 = arith.constant 15 : i32
          %eq3A_301 = vector.broadcast %eq3A_300 : i32 to vector<16xi32>
          %eq3A_302 = arith.cmpi eq, %iota3A, %eq3A_301 : vector<16xi32>
          %gather3A_303 = tpu.vector_load_idx %arg15[%and3A_223] : memref<50000xf32, #tpu.memory_space<vmem>>[vector<16xi32>], vector<16xf32>,
          %max3A_304 = arith.maximumf %gather3A_303, %get3A_225 : vector<16xf32>
          tpu.vector_store_idx %arg15[%and3A_223], %max3A_304 masked %eq3A_302 : memref<50000xf32, #tpu.memory_space<vmem>>[vector<16xi32>], vector<16xf32>, vector<16xi1>
          %scan3A_305 = arith.constant 0 : i32
          scf.yield %scan3A_305 : i32
        }
        %scan3A_214 = arith.constant 50 : i32
      } else {
      }
      %mul3A_115 = arith.constant 2 : i32
      %mul3A_116 = arith.muli %mul3A_115, %scan3A_47 : i32
      %add3A_117 = arith.constant 2 : i32
      %add3A_118 = arith.addi %mul3A_116, %add3A_117 : i32
      %add3A_119 = arith.addi %select_n3A, %add3A_118 : i32
      %rem3A_120 = arith.constant 2500 : i32
      %rem3A_121 = arith.remsi %add3A_119, %rem3A_120 : i32
      %mul3A_122 = arith.constant 800 : i32
      %mul3A_123 = arith.muli %rem3A_121, %mul3A_122 : i32
      %dma_start3A_124 = arith.constant 0 : i32
      %dma_start3A_125 = tpu.memref_slice %arg7[%dma_start3A_124] : memref<896xf32, #tpu.memory_space<vmem>> -> memref<800xf32, #tpu.memory_space<vmem>>
      %dma_start3A_126 = tpu.memref_slice %arg2[%mul3A_123] : memref<2000000xf32, #tpu.memory_space<hbm>> -> memref<800xf32, #tpu.memory_space<hbm>>
      %dma_start3A_127 = arith.constant 0 : i32
      %dma_start3A_128 = tpu.memref_slice %arg7[%dma_start3A_127] : memref<896xf32, #tpu.memory_space<vmem>> -> memref<800xf32, #tpu.memory_space<vmem>>
      %dma_start3A_129 = tpu.memref_slice %arg2[%mul3A_123] : memref<2000000xf32, #tpu.memory_space<hbm>> -> memref<800xf32, #tpu.memory_space<hbm>>
      tpu.enqueue_dma source(%dma_start3A_129 : memref<800xf32, #tpu.memory_space<hbm>>) target(%dma_start3A_128 : memref<800xf32, #tpu.memory_space<vmem>>) target_semaphore(%arg16 : memref<!tpu.dma_semaphore, #tpu.memory_space<semaphore_mem>>)
      %dma_start3A_130 = tpu.memref_slice %arg3[%mul3A_123] : memref<2000000xf32, #tpu.memory_space<hbm>> -> memref<800xf32, #tpu.memory_space<hbm>>
      %dma_start3A_131 = tpu.memref_slice %arg3[%mul3A_123] : memref<2000000xf32, #tpu.memory_space<hbm>> -> memref<800xf32, #tpu.memory_space<hbm>>
      tpu.enqueue_dma source(%dma_start3A_131 : memref<800xf32, #tpu.memory_space<hbm>>) target(%arg9 : memref<800xf32, #tpu.memory_space<vmem>>) target_semaphore(%arg16 : memref<!tpu.dma_semaphore, #tpu.memory_space<semaphore_mem>>)
      %dma_wait3A = arith.constant 0 : i32
      %dma_wait3A_132 = tpu.memref_slice %arg8[%dma_wait3A] : memref<896xf32, #tpu.memory_space<vmem>> -> memref<800xf32, #tpu.memory_space<vmem>>
      %dma_wait3A_133 = tpu.memref_slice %arg2[%mul3A_57] : memref<2000000xf32, #tpu.memory_space<hbm>> -> memref<800xf32, #tpu.memory_space<hbm>>
      %dma_wait3A_134 = arith.constant 0 : i32
      %dma_wait3A_135 = tpu.memref_slice %arg8[%dma_wait3A_134] : memref<896xf32, #tpu.memory_space<vmem>> -> memref<800xf32, #tpu.memory_space<vmem>>
      %dma_wait3A_136 = tpu.memref_slice %arg2[%mul3A_57] : memref<2000000xf32, #tpu.memory_space<hbm>> -> memref<800xf32, #tpu.memory_space<hbm>>
      tpu.wait_dma2 semaphore(%arg17 : memref<!tpu.dma_semaphore, #tpu.memory_space<semaphore_mem>>) src(%dma_wait3A_136 : memref<800xf32, #tpu.memory_space<hbm>>) dst(%dma_wait3A_135 : memref<800xf32, #tpu.memory_space<vmem>>)
      %dma_wait3A_137 = tpu.memref_slice %arg3[%mul3A_57] : memref<2000000xf32, #tpu.memory_space<hbm>> -> memref<800xf32, #tpu.memory_space<hbm>>
      %dma_wait3A_138 = tpu.memref_slice %arg3[%mul3A_57] : memref<2000000xf32, #tpu.memory_space<hbm>> -> memref<800xf32, #tpu.memory_space<hbm>>
      tpu.wait_dma2 semaphore(%arg17 : memref<!tpu.dma_semaphore, #tpu.memory_space<semaphore_mem>>) src(%dma_wait3A_138 : memref<800xf32, #tpu.memory_space<hbm>>) dst(%arg10 : memref<800xf32, #tpu.memory_space<vmem>>)
      %broadcast_in_dim3A_139 = arith.constant 0 : i32
      %broadcast_in_dim3A_140 = vector.broadcast %broadcast_in_dim3A_139 : i32 to vector<16xi32>
      %parallel_loop3A_141 = arith.constant 0 : i32
      %parallel_loop3A_142 = arith.constant 50 : i32
      %parallel_loop3A_143 = arith.constant 1 : i32
      %parallel_loop3A_144 = scf.for %parallel_loop3A_208 = %parallel_loop3A_141 to %parallel_loop3A_142 step %parallel_loop3A_143 iter_args(%parallel_loop3A_209 = %broadcast_in_dim3A_140) -> (vector<16xi32>)  : i32 {
        %parallel_loop3A_210 = arith.constant 16 : i32
        %parallel_loop3A_211 = arith.muli %parallel_loop3A_208, %parallel_loop3A_210 : i32
        %parallel_loop3A_212 = arith.index_cast %parallel_loop3A_211 : i32 to index
        %parallel_loop3A_213 = tpu.vector_load %arg8[%parallel_loop3A_212] {strides = array<i32>} : memref<896xf32, #tpu.memory_space<vmem>>, vector<16xf32>,
        %parallel_loop3A_214 = vector.bitcast %parallel_loop3A_213 : vector<16xf32> to vector<16xi32>
        %parallel_loop3A_215 = arith.constant 65535 : i32
        %parallel_loop3A_216 = vector.broadcast %parallel_loop3A_215 : i32 to vector<16xi32>
        %parallel_loop3A_217 = arith.andi %parallel_loop3A_214, %parallel_loop3A_216 : vector<16xi32>
        %parallel_loop3A_218 = arith.constant 16 : i32
        %parallel_loop3A_219 = vector.broadcast %parallel_loop3A_218 : i32 to vector<16xi32>
        %parallel_loop3A_220 = arith.shrui %parallel_loop3A_214, %parallel_loop3A_219 : vector<16xi32>
        %parallel_loop3A_221 = arith.constant 1 : i32
        %parallel_loop3A_222 = vector.broadcast %parallel_loop3A_221 : i32 to vector<16xi32>
        %parallel_loop3A_223 = arith.shrui %parallel_loop3A_217, %parallel_loop3A_222 : vector<16xi32>
        %parallel_loop3A_224 = tpu.vector_load_idx %arg13[%parallel_loop3A_223] : memref<25088xf32, #tpu.memory_space<vmem>>[vector<16xi32>], vector<16xf32>,
        %parallel_loop3A_225 = vector.bitcast %parallel_loop3A_224 : vector<16xf32> to vector<16xi32>
        %parallel_loop3A_226 = arith.constant 1 : i32
        %parallel_loop3A_227 = vector.broadcast %parallel_loop3A_226 : i32 to vector<16xi32>
        %parallel_loop3A_228 = arith.andi %parallel_loop3A_217, %parallel_loop3A_227 : vector<16xi32>
        %parallel_loop3A_229 = arith.constant 1 : i32
        %parallel_loop3A_230 = vector.broadcast %parallel_loop3A_229 : i32 to vector<16xi32>
        %parallel_loop3A_231 = arith.cmpi eq, %parallel_loop3A_228, %parallel_loop3A_230 : vector<16xi32>
        %parallel_loop3A_232 = arith.constant 16 : i32
        %parallel_loop3A_233 = vector.broadcast %parallel_loop3A_232 : i32 to vector<16xi32>
        %parallel_loop3A_234 = arith.shli %parallel_loop3A_225, %parallel_loop3A_233 : vector<16xi32>
        %parallel_loop3A_235 = arith.constant -65536 : i32
        %parallel_loop3A_236 = vector.broadcast %parallel_loop3A_235 : i32 to vector<16xi32>
        %parallel_loop3A_237 = arith.andi %parallel_loop3A_225, %parallel_loop3A_236 : vector<16xi32>
        %parallel_loop3A_238 = arith.select %parallel_loop3A_231, %parallel_loop3A_234, %parallel_loop3A_237 : vector<16xi1>, vector<16xi32>
        %parallel_loop3A_239 = vector.bitcast %parallel_loop3A_238 : vector<16xi32> to vector<16xf32>
        %parallel_loop3A_240 = arith.index_cast %parallel_loop3A_211 : i32 to index
        %parallel_loop3A_241 = tpu.vector_load %arg10[%parallel_loop3A_240] {strides = array<i32>} : memref<800xf32, #tpu.memory_space<vmem>>, vector<16xf32>,
        %parallel_loop3A_242 = arith.mulf %parallel_loop3A_239, %parallel_loop3A_241 : vector<16xf32>
        tpu.vector_store_idx %arg14[%parallel_loop3A_220], %parallel_loop3A_242 {add = true} : memref<50000xf32, #tpu.memory_space<vmem>>[vector<16xi32>], vector<16xf32>,
        %parallel_loop3A_243 = arith.constant true
        %parallel_loop3A_244 = vector.broadcast %parallel_loop3A_243 : i1 to vector<16xi1>
        %parallel_loop3A_245, %parallel_loop3A_246 = tpu.scan_count mask(%parallel_loop3A_244 : vector<16xi1>) value(%parallel_loop3A_220 : vector<16xi32>) : vector<16xi1>, vector<16xi32>
        %parallel_loop3A_247 = arith.constant 16 : i32
        %parallel_loop3A_248 = arith.muli %parallel_loop3A_208, %parallel_loop3A_247 : i32
        %parallel_loop3A_249 = arith.constant -2147483648 : i32
        %parallel_loop3A_250 = arith.constant 0 : i32
        %parallel_loop3A_251 = vector.broadcast %parallel_loop3A_249 : i32 to vector<16xi32>
        %parallel_loop3A_252 = vector.broadcast %parallel_loop3A_250 : i32 to vector<16xi32>
        %parallel_loop3A_253 = arith.select %parallel_loop3A_245, %parallel_loop3A_251, %parallel_loop3A_252 : vector<16xi1>, vector<16xi32>
        %parallel_loop3A_254 = arith.ori %parallel_loop3A_220, %parallel_loop3A_253 : vector<16xi32>
        %parallel_loop3A_255 = arith.index_cast %parallel_loop3A_248 : i32 to index
        %parallel_loop3A_256 = tpu.vector_load %arg11[%parallel_loop3A_255] {strides = array<i32>} : memref<800xi32, #tpu.memory_space<vmem>>, vector<16xi32>,
        tpu.vector_store %arg11[%parallel_loop3A_255], %parallel_loop3A_254 {strides = array<i32>} : memref<800xi32, #tpu.memory_space<vmem>>, vector<16xi32>,
        %parallel_loop3A_257 = arith.index_cast %parallel_loop3A_248 : i32 to index
        %parallel_loop3A_258 = tpu.vector_load %arg12[%parallel_loop3A_257] {strides = array<i32>} : memref<800xf32, #tpu.memory_space<vmem>>, vector<16xf32>,
        tpu.vector_store %arg12[%parallel_loop3A_257], %parallel_loop3A_242 {strides = array<i32>} : memref<800xf32, #tpu.memory_space<vmem>>, vector<16xf32>,
        %parallel_loop3A_259 = arith.constant 0 : i32
        %parallel_loop3A_260 = arith.constant 1 : i32
        %parallel_loop3A_261 = vector.broadcast %parallel_loop3A_259 : i32 to vector<16xi32>
        %parallel_loop3A_262 = vector.broadcast %parallel_loop3A_260 : i32 to vector<16xi32>
        %parallel_loop3A_263 = arith.select %parallel_loop3A_245, %parallel_loop3A_261, %parallel_loop3A_262 : vector<16xi1>, vector<16xi32>
        %parallel_loop3A_264 = arith.ori %parallel_loop3A_209, %parallel_loop3A_263 : vector<16xi32>
        scf.yield %parallel_loop3A_264 : vector<16xi32>
      } {sc.loop_unroll_factor = 1 : i64, sc.parallel_access}
      %scan3A_145 = arith.constant 0 : i32
      %scan3A_146 = arith.constant 0 : i32
      %scan3A_147 = arith.constant 48 : i32
      %scan3A_148 = arith.addi %scan3A_146, %scan3A_147 : i32
      %scan3A_149 = arith.constant 8 : i32
      %scan3A_150 = scf.for %scan3A_208 = %scan3A_146 to %scan3A_148 step %scan3A_149 iter_args(%scan3A_209 = %scan3A_145) -> (i32)  : i32 {
        %mul3A_210 = arith.constant 16 : i32
        %mul3A_211 = arith.muli %scan3A_208, %mul3A_210 : i32
        %get3A_212 = arith.index_cast %mul3A_211 : i32 to index
        %get3A_213 = tpu.vector_load %arg11[%get3A_212] {strides = array<i32>} : memref<800xi32, #tpu.memory_space<vmem>>, vector<16xi32>,
        %and3A_214 = arith.constant 65535 : i32
        %and3A_215 = vector.broadcast %and3A_214 : i32 to vector<16xi32>
        %and3A_216 = arith.andi %get3A_213, %and3A_215 : vector<16xi32>
        %lt3A_217 = arith.constant 0 : i32
        %lt3A_218 = vector.broadcast %lt3A_217 : i32 to vector<16xi32>
        %lt3A_219 = arith.cmpi slt, %get3A_213, %lt3A_218 : vector<16xi32>
        %get3A_220 = arith.index_cast %mul3A_211 : i32 to index
        %get3A_221 = tpu.vector_load %arg12[%get3A_220] {strides = array<i32>} : memref<800xf32, #tpu.memory_space<vmem>>, vector<16xf32>,
        %gather3A_222 = tpu.vector_load_idx %arg15[%and3A_216] : memref<50000xf32, #tpu.memory_space<vmem>>[vector<16xi32>], vector<16xf32>,
        %max3A_223 = arith.maximumf %gather3A_222, %get3A_221 : vector<16xf32>
        tpu.vector_store_idx %arg15[%and3A_216], %max3A_223 masked %lt3A_219 : memref<50000xf32, #tpu.memory_space<vmem>>[vector<16xi32>], vector<16xf32>, vector<16xi1>
        %scan3A_224 = arith.constant 0 : i32
        %scan3A_225 = arith.constant 1 : i32
        %scan3A_226 = arith.addi %scan3A_208, %scan3A_225 : i32
        %mul3A_227 = arith.constant 16 : i32
        %mul3A_228 = arith.muli %scan3A_226, %mul3A_227 : i32
        %get3A_229 = arith.index_cast %mul3A_228 : i32 to index
        %get3A_230 = tpu.vector_load %arg11[%get3A_229] {strides = array<i32>} : memref<800xi32, #tpu.memory_space<vmem>>, vector<16xi32>,
        %and3A_231 = arith.constant 65535 : i32
        %and3A_232 = vector.broadcast %and3A_231 : i32 to vector<16xi32>
        %and3A_233 = arith.andi %get3A_230, %and3A_232 : vector<16xi32>
        %lt3A_234 = arith.constant 0 : i32
        %lt3A_235 = vector.broadcast %lt3A_234 : i32 to vector<16xi32>
        %lt3A_236 = arith.cmpi slt, %get3A_230, %lt3A_235 : vector<16xi32>
        %get3A_237 = arith.index_cast %mul3A_228 : i32 to index
        %get3A_238 = tpu.vector_load %arg12[%get3A_237] {strides = array<i32>} : memref<800xf32, #tpu.memory_space<vmem>>, vector<16xf32>,
        %gather3A_239 = tpu.vector_load_idx %arg15[%and3A_233] : memref<50000xf32, #tpu.memory_space<vmem>>[vector<16xi32>], vector<16xf32>,
        %max3A_240 = arith.maximumf %gather3A_239, %get3A_238 : vector<16xf32>
        tpu.vector_store_idx %arg15[%and3A_233], %max3A_240 masked %lt3A_236 : memref<50000xf32, #tpu.memory_space<vmem>>[vector<16xi32>], vector<16xf32>, vector<16xi1>
        %scan3A_241 = arith.constant 0 : i32
        %scan3A_242 = arith.constant 2 : i32
        %scan3A_243 = arith.addi %scan3A_208, %scan3A_242 : i32
        %mul3A_244 = arith.constant 16 : i32
        %mul3A_245 = arith.muli %scan3A_243, %mul3A_244 : i32
        %get3A_246 = arith.index_cast %mul3A_245 : i32 to index
        %get3A_247 = tpu.vector_load %arg11[%get3A_246] {strides = array<i32>} : memref<800xi32, #tpu.memory_space<vmem>>, vector<16xi32>,
        %and3A_248 = arith.constant 65535 : i32
        %and3A_249 = vector.broadcast %and3A_248 : i32 to vector<16xi32>
        %and3A_250 = arith.andi %get3A_247, %and3A_249 : vector<16xi32>
        %lt3A_251 = arith.constant 0 : i32
        %lt3A_252 = vector.broadcast %lt3A_251 : i32 to vector<16xi32>
        %lt3A_253 = arith.cmpi slt, %get3A_247, %lt3A_252 : vector<16xi32>
        %get3A_254 = arith.index_cast %mul3A_245 : i32 to index
        %get3A_255 = tpu.vector_load %arg12[%get3A_254] {strides = array<i32>} : memref<800xf32, #tpu.memory_space<vmem>>, vector<16xf32>,
        %gather3A_256 = tpu.vector_load_idx %arg15[%and3A_250] : memref<50000xf32, #tpu.memory_space<vmem>>[vector<16xi32>], vector<16xf32>,
        %max3A_257 = arith.maximumf %gather3A_256, %get3A_255 : vector<16xf32>
        tpu.vector_store_idx %arg15[%and3A_250], %max3A_257 masked %lt3A_253 : memref<50000xf32, #tpu.memory_space<vmem>>[vector<16xi32>], vector<16xf32>, vector<16xi1>
        %scan3A_258 = arith.constant 0 : i32
        %scan3A_259 = arith.constant 3 : i32
        %scan3A_260 = arith.addi %scan3A_208, %scan3A_259 : i32
        %mul3A_261 = arith.constant 16 : i32
        %mul3A_262 = arith.muli %scan3A_260, %mul3A_261 : i32
        %get3A_263 = arith.index_cast %mul3A_262 : i32 to index
        %get3A_264 = tpu.vector_load %arg11[%get3A_263] {strides = array<i32>} : memref<800xi32, #tpu.memory_space<vmem>>, vector<16xi32>,
        %and3A_265 = arith.constant 65535 : i32
        %and3A_266 = vector.broadcast %and3A_265 : i32 to vector<16xi32>
        %and3A_267 = arith.andi %get3A_264, %and3A_266 : vector<16xi32>
        %lt3A_268 = arith.constant 0 : i32
        %lt3A_269 = vector.broadcast %lt3A_268 : i32 to vector<16xi32>
        %lt3A_270 = arith.cmpi slt, %get3A_264, %lt3A_269 : vector<16xi32>
        %get3A_271 = arith.index_cast %mul3A_262 : i32 to index
        %get3A_272 = tpu.vector_load %arg12[%get3A_271] {strides = array<i32>} : memref<800xf32, #tpu.memory_space<vmem>>, vector<16xf32>,
        %gather3A_273 = tpu.vector_load_idx %arg15[%and3A_267] : memref<50000xf32, #tpu.memory_space<vmem>>[vector<16xi32>], vector<16xf32>,
        %max3A_274 = arith.maximumf %gather3A_273, %get3A_272 : vector<16xf32>
        tpu.vector_store_idx %arg15[%and3A_267], %max3A_274 masked %lt3A_270 : memref<50000xf32, #tpu.memory_space<vmem>>[vector<16xi32>], vector<16xf32>, vector<16xi1>
        %scan3A_275 = arith.constant 0 : i32
        %scan3A_276 = arith.constant 4 : i32
        %scan3A_277 = arith.addi %scan3A_208, %scan3A_276 : i32
        %mul3A_278 = arith.constant 16 : i32
        %mul3A_279 = arith.muli %scan3A_277, %mul3A_278 : i32
        %get3A_280 = arith.index_cast %mul3A_279 : i32 to index
        %get3A_281 = tpu.vector_load %arg11[%get3A_280] {strides = array<i32>} : memref<800xi32, #tpu.memory_space<vmem>>, vector<16xi32>,
        %and3A_282 = arith.constant 65535 : i32
        %and3A_283 = vector.broadcast %and3A_282 : i32 to vector<16xi32>
        %and3A_284 = arith.andi %get3A_281, %and3A_283 : vector<16xi32>
        %lt3A_285 = arith.constant 0 : i32
        %lt3A_286 = vector.broadcast %lt3A_285 : i32 to vector<16xi32>
        %lt3A_287 = arith.cmpi slt, %get3A_281, %lt3A_286 : vector<16xi32>
        %get3A_288 = arith.index_cast %mul3A_279 : i32 to index
        %get3A_289 = tpu.vector_load %arg12[%get3A_288] {strides = array<i32>} : memref<800xf32, #tpu.memory_space<vmem>>, vector<16xf32>,
        %gather3A_290 = tpu.vector_load_idx %arg15[%and3A_284] : memref<50000xf32, #tpu.memory_space<vmem>>[vector<16xi32>], vector<16xf32>,
        %max3A_291 = arith.maximumf %gather3A_290, %get3A_289 : vector<16xf32>
        tpu.vector_store_idx %arg15[%and3A_284], %max3A_291 masked %lt3A_287 : memref<50000xf32, #tpu.memory_space<vmem>>[vector<16xi32>], vector<16xf32>, vector<16xi1>
        %scan3A_292 = arith.constant 0 : i32
        %scan3A_293 = arith.constant 5 : i32
        %scan3A_294 = arith.addi %scan3A_208, %scan3A_293 : i32
        %mul3A_295 = arith.constant 16 : i32
        %mul3A_296 = arith.muli %scan3A_294, %mul3A_295 : i32
        %get3A_297 = arith.index_cast %mul3A_296 : i32 to index
        %get3A_298 = tpu.vector_load %arg11[%get3A_297] {strides = array<i32>} : memref<800xi32, #tpu.memory_space<vmem>>, vector<16xi32>,
        %and3A_299 = arith.constant 65535 : i32
        %and3A_300 = vector.broadcast %and3A_299 : i32 to vector<16xi32>
        %and3A_301 = arith.andi %get3A_298, %and3A_300 : vector<16xi32>
        %lt3A_302 = arith.constant 0 : i32
        %lt3A_303 = vector.broadcast %lt3A_302 : i32 to vector<16xi32>
        %lt3A_304 = arith.cmpi slt, %get3A_298, %lt3A_303 : vector<16xi32>
        %get3A_305 = arith.index_cast %mul3A_296 : i32 to index
        %get3A_306 = tpu.vector_load %arg12[%get3A_305] {strides = array<i32>} : memref<800xf32, #tpu.memory_space<vmem>>, vector<16xf32>,
        %gather3A_307 = tpu.vector_load_idx %arg15[%and3A_301] : memref<50000xf32, #tpu.memory_space<vmem>>[vector<16xi32>], vector<16xf32>,
        %max3A_308 = arith.maximumf %gather3A_307, %get3A_306 : vector<16xf32>
        tpu.vector_store_idx %arg15[%and3A_301], %max3A_308 masked %lt3A_304 : memref<50000xf32, #tpu.memory_space<vmem>>[vector<16xi32>], vector<16xf32>, vector<16xi1>
        %scan3A_309 = arith.constant 0 : i32
        %scan3A_310 = arith.constant 6 : i32
        %scan3A_311 = arith.addi %scan3A_208, %scan3A_310 : i32
        %mul3A_312 = arith.constant 16 : i32
        %mul3A_313 = arith.muli %scan3A_311, %mul3A_312 : i32
        %get3A_314 = arith.index_cast %mul3A_313 : i32 to index
        %get3A_315 = tpu.vector_load %arg11[%get3A_314] {strides = array<i32>} : memref<800xi32, #tpu.memory_space<vmem>>, vector<16xi32>,
        %and3A_316 = arith.constant 65535 : i32
        %and3A_317 = vector.broadcast %and3A_316 : i32 to vector<16xi32>
        %and3A_318 = arith.andi %get3A_315, %and3A_317 : vector<16xi32>
        %lt3A_319 = arith.constant 0 : i32
        %lt3A_320 = vector.broadcast %lt3A_319 : i32 to vector<16xi32>
        %lt3A_321 = arith.cmpi slt, %get3A_315, %lt3A_320 : vector<16xi32>
        %get3A_322 = arith.index_cast %mul3A_313 : i32 to index
        %get3A_323 = tpu.vector_load %arg12[%get3A_322] {strides = array<i32>} : memref<800xf32, #tpu.memory_space<vmem>>, vector<16xf32>,
        %gather3A_324 = tpu.vector_load_idx %arg15[%and3A_318] : memref<50000xf32, #tpu.memory_space<vmem>>[vector<16xi32>], vector<16xf32>,
        %max3A_325 = arith.maximumf %gather3A_324, %get3A_323 : vector<16xf32>
        tpu.vector_store_idx %arg15[%and3A_318], %max3A_325 masked %lt3A_321 : memref<50000xf32, #tpu.memory_space<vmem>>[vector<16xi32>], vector<16xf32>, vector<16xi1>
        %scan3A_326 = arith.constant 0 : i32
        %scan3A_327 = arith.constant 7 : i32
        %scan3A_328 = arith.addi %scan3A_208, %scan3A_327 : i32
        %mul3A_329 = arith.constant 16 : i32
        %mul3A_330 = arith.muli %scan3A_328, %mul3A_329 : i32
        %get3A_331 = arith.index_cast %mul3A_330 : i32 to index
        %get3A_332 = tpu.vector_load %arg11[%get3A_331] {strides = array<i32>} : memref<800xi32, #tpu.memory_space<vmem>>, vector<16xi32>,
        %and3A_333 = arith.constant 65535 : i32
        %and3A_334 = vector.broadcast %and3A_333 : i32 to vector<16xi32>
        %and3A_335 = arith.andi %get3A_332, %and3A_334 : vector<16xi32>
        %lt3A_336 = arith.constant 0 : i32
        %lt3A_337 = vector.broadcast %lt3A_336 : i32 to vector<16xi32>
        %lt3A_338 = arith.cmpi slt, %get3A_332, %lt3A_337 : vector<16xi32>
        %get3A_339 = arith.index_cast %mul3A_330 : i32 to index
        %get3A_340 = tpu.vector_load %arg12[%get3A_339] {strides = array<i32>} : memref<800xf32, #tpu.memory_space<vmem>>, vector<16xf32>,
        %gather3A_341 = tpu.vector_load_idx %arg15[%and3A_335] : memref<50000xf32, #tpu.memory_space<vmem>>[vector<16xi32>], vector<16xf32>,
        %max3A_342 = arith.maximumf %gather3A_341, %get3A_340 : vector<16xf32>
        tpu.vector_store_idx %arg15[%and3A_335], %max3A_342 masked %lt3A_338 : memref<50000xf32, #tpu.memory_space<vmem>>[vector<16xi32>], vector<16xf32>, vector<16xi1>
        %scan3A_343 = arith.constant 0 : i32
        scf.yield %scan3A_343 : i32
      }
      %scan3A_151 = arith.constant 48 : i32
      %scan3A_152 = arith.addi %scan3A_146, %scan3A_151 : i32
      %mul3A_153 = arith.constant 16 : i32
      %mul3A_154 = arith.muli %scan3A_152, %mul3A_153 : i32
      %get3A_155 = arith.index_cast %mul3A_154 : i32 to index
      %get3A_156 = tpu.vector_load %arg11[%get3A_155] {strides = array<i32>} : memref<800xi32, #tpu.memory_space<vmem>>, vector<16xi32>,
      %and3A_157 = arith.constant 65535 : i32
      %and3A_158 = vector.broadcast %and3A_157 : i32 to vector<16xi32>
      %and3A_159 = arith.andi %get3A_156, %and3A_158 : vector<16xi32>
      %lt3A_160 = arith.constant 0 : i32
      %lt3A_161 = vector.broadcast %lt3A_160 : i32 to vector<16xi32>
      %lt3A_162 = arith.cmpi slt, %get3A_156, %lt3A_161 : vector<16xi32>
      %get3A_163 = arith.index_cast %mul3A_154 : i32 to index
      %get3A_164 = tpu.vector_load %arg12[%get3A_163] {strides = array<i32>} : memref<800xf32, #tpu.memory_space<vmem>>, vector<16xf32>,
      %gather3A_165 = tpu.vector_load_idx %arg15[%and3A_159] : memref<50000xf32, #tpu.memory_space<vmem>>[vector<16xi32>], vector<16xf32>,
      %max3A_166 = arith.maximumf %gather3A_165, %get3A_164 : vector<16xf32>
      tpu.vector_store_idx %arg15[%and3A_159], %max3A_166 masked %lt3A_162 : memref<50000xf32, #tpu.memory_space<vmem>>[vector<16xi32>], vector<16xf32>, vector<16xi1>
      %scan3A_167 = arith.constant 0 : i32
      %scan3A_168 = arith.constant 49 : i32
      %scan3A_169 = arith.addi %scan3A_146, %scan3A_168 : i32
      %mul3A_170 = arith.constant 16 : i32
      %mul3A_171 = arith.muli %scan3A_169, %mul3A_170 : i32
      %get3A_172 = arith.index_cast %mul3A_171 : i32 to index
      %get3A_173 = tpu.vector_load %arg11[%get3A_172] {strides = array<i32>} : memref<800xi32, #tpu.memory_space<vmem>>, vector<16xi32>,
      %and3A_174 = arith.constant 65535 : i32
      %and3A_175 = vector.broadcast %and3A_174 : i32 to vector<16xi32>
      %and3A_176 = arith.andi %get3A_173, %and3A_175 : vector<16xi32>
      %lt3A_177 = arith.constant 0 : i32
      %lt3A_178 = vector.broadcast %lt3A_177 : i32 to vector<16xi32>
      %lt3A_179 = arith.cmpi slt, %get3A_173, %lt3A_178 : vector<16xi32>
      %get3A_180 = arith.index_cast %mul3A_171 : i32 to index
      %get3A_181 = tpu.vector_load %arg12[%get3A_180] {strides = array<i32>} : memref<800xf32, #tpu.memory_space<vmem>>, vector<16xf32>,
      %gather3A_182 = tpu.vector_load_idx %arg15[%and3A_176] : memref<50000xf32, #tpu.memory_space<vmem>>[vector<16xi32>], vector<16xf32>,
      %max3A_183 = arith.maximumf %gather3A_182, %get3A_181 : vector<16xf32>
      tpu.vector_store_idx %arg15[%and3A_176], %max3A_183 masked %lt3A_179 : memref<50000xf32, #tpu.memory_space<vmem>>[vector<16xi32>], vector<16xf32>, vector<16xi1>
      %scan3A_184 = arith.constant 0 : i32
      %scan3A_185 = arith.constant 50 : i32
      %reduce_max3A_186 = arith.constant true
      %reduce_max3A_187 = vector.broadcast %reduce_max3A_186 : i1 to vector<16xi1>
      %reduce_max3A_188 = arith.constant -2147483648 : i32
      %reduce_max3A_189 = vector.broadcast %reduce_max3A_188 : i32 to vector<16xi32>
      %reduce_max3A_190 = arith.xori %parallel_loop3A_144, %reduce_max3A_189 : vector<16xi32>
      %reduce_max3A_191 = tpu.scan <max>, %reduce_max3A_190 masked %reduce_max3A_187 : vector<16xi32>, vector<16xi1> -> vector<16xi32>
      %reduce_max3A_192 = arith.xori %reduce_max3A_191, %reduce_max3A_189 : vector<16xi32>
      %reduce_max3A_193 = vector.extract %reduce_max3A_192[15] : i32 from vector<16xi32>
      %gt3A_194 = arith.constant 0 : i32
      %gt3A_195 = arith.cmpi sgt, %reduce_max3A_193, %gt3A_194 : i32
      %convert_element_type3A_196 = arith.extui %gt3A_195 : i1 to i32
      %cond3A_197 = arith.constant 0 : i32
      %cond3A_198 = arith.cmpi ne, %convert_element_type3A_196, %cond3A_197 : i32
      scf.if %cond3A_198 {
        %scan3A_208 = arith.constant 0 : i32
        %scan3A_209 = arith.constant 0 : i32
        %scan3A_210 = arith.constant 50 : i32
        %scan3A_211 = arith.addi %scan3A_209, %scan3A_210 : i32
        %scan3A_212 = arith.constant 1 : i32
        %scan3A_213 = scf.for %scan3A_215 = %scan3A_209 to %scan3A_211 step %scan3A_212 iter_args(%scan3A_216 = %scan3A_208) -> (i32)  : i32 {
          %mul3A_217 = arith.constant 16 : i32
          %mul3A_218 = arith.muli %scan3A_215, %mul3A_217 : i32
          %get3A_219 = arith.index_cast %mul3A_218 : i32 to index
          %get3A_220 = tpu.vector_load %arg11[%get3A_219] {strides = array<i32>} : memref<800xi32, #tpu.memory_space<vmem>>, vector<16xi32>,
          %and3A_221 = arith.constant 65535 : i32
          %and3A_222 = vector.broadcast %and3A_221 : i32 to vector<16xi32>
          %and3A_223 = arith.andi %get3A_220, %and3A_222 : vector<16xi32>
          %get3A_224 = arith.index_cast %mul3A_218 : i32 to index
          %get3A_225 = tpu.vector_load %arg12[%get3A_224] {strides = array<i32>} : memref<800xf32, #tpu.memory_space<vmem>>, vector<16xf32>,
          %eq3A = arith.constant 0 : i32
          %eq3A_226 = vector.broadcast %eq3A : i32 to vector<16xi32>
          %eq3A_227 = arith.cmpi eq, %iota3A, %eq3A_226 : vector<16xi32>
          %gather3A_228 = tpu.vector_load_idx %arg15[%and3A_223] : memref<50000xf32, #tpu.memory_space<vmem>>[vector<16xi32>], vector<16xf32>,
          %max3A_229 = arith.maximumf %gather3A_228, %get3A_225 : vector<16xf32>
          tpu.vector_store_idx %arg15[%and3A_223], %max3A_229 masked %eq3A_227 : memref<50000xf32, #tpu.memory_space<vmem>>[vector<16xi32>], vector<16xf32>, vector<16xi1>
          %eq3A_230 = arith.constant 1 : i32
          %eq3A_231 = vector.broadcast %eq3A_230 : i32 to vector<16xi32>
          %eq3A_232 = arith.cmpi eq, %iota3A, %eq3A_231 : vector<16xi32>
          %gather3A_233 = tpu.vector_load_idx %arg15[%and3A_223] : memref<50000xf32, #tpu.memory_space<vmem>>[vector<16xi32>], vector<16xf32>,
          %max3A_234 = arith.maximumf %gather3A_233, %get3A_225 : vector<16xf32>
          tpu.vector_store_idx %arg15[%and3A_223], %max3A_234 masked %eq3A_232 : memref<50000xf32, #tpu.memory_space<vmem>>[vector<16xi32>], vector<16xf32>, vector<16xi1>
          %eq3A_235 = arith.constant 2 : i32
          %eq3A_236 = vector.broadcast %eq3A_235 : i32 to vector<16xi32>
          %eq3A_237 = arith.cmpi eq, %iota3A, %eq3A_236 : vector<16xi32>
          %gather3A_238 = tpu.vector_load_idx %arg15[%and3A_223] : memref<50000xf32, #tpu.memory_space<vmem>>[vector<16xi32>], vector<16xf32>,
          %max3A_239 = arith.maximumf %gather3A_238, %get3A_225 : vector<16xf32>
          tpu.vector_store_idx %arg15[%and3A_223], %max3A_239 masked %eq3A_237 : memref<50000xf32, #tpu.memory_space<vmem>>[vector<16xi32>], vector<16xf32>, vector<16xi1>
          %eq3A_240 = arith.constant 3 : i32
          %eq3A_241 = vector.broadcast %eq3A_240 : i32 to vector<16xi32>
          %eq3A_242 = arith.cmpi eq, %iota3A, %eq3A_241 : vector<16xi32>
          %gather3A_243 = tpu.vector_load_idx %arg15[%and3A_223] : memref<50000xf32, #tpu.memory_space<vmem>>[vector<16xi32>], vector<16xf32>,
          %max3A_244 = arith.maximumf %gather3A_243, %get3A_225 : vector<16xf32>
          tpu.vector_store_idx %arg15[%and3A_223], %max3A_244 masked %eq3A_242 : memref<50000xf32, #tpu.memory_space<vmem>>[vector<16xi32>], vector<16xf32>, vector<16xi1>
          %eq3A_245 = arith.constant 4 : i32
          %eq3A_246 = vector.broadcast %eq3A_245 : i32 to vector<16xi32>
          %eq3A_247 = arith.cmpi eq, %iota3A, %eq3A_246 : vector<16xi32>
          %gather3A_248 = tpu.vector_load_idx %arg15[%and3A_223] : memref<50000xf32, #tpu.memory_space<vmem>>[vector<16xi32>], vector<16xf32>,
          %max3A_249 = arith.maximumf %gather3A_248, %get3A_225 : vector<16xf32>
          tpu.vector_store_idx %arg15[%and3A_223], %max3A_249 masked %eq3A_247 : memref<50000xf32, #tpu.memory_space<vmem>>[vector<16xi32>], vector<16xf32>, vector<16xi1>
          %eq3A_250 = arith.constant 5 : i32
          %eq3A_251 = vector.broadcast %eq3A_250 : i32 to vector<16xi32>
          %eq3A_252 = arith.cmpi eq, %iota3A, %eq3A_251 : vector<16xi32>
          %gather3A_253 = tpu.vector_load_idx %arg15[%and3A_223] : memref<50000xf32, #tpu.memory_space<vmem>>[vector<16xi32>], vector<16xf32>,
          %max3A_254 = arith.maximumf %gather3A_253, %get3A_225 : vector<16xf32>
          tpu.vector_store_idx %arg15[%and3A_223], %max3A_254 masked %eq3A_252 : memref<50000xf32, #tpu.memory_space<vmem>>[vector<16xi32>], vector<16xf32>, vector<16xi1>
          %eq3A_255 = arith.constant 6 : i32
          %eq3A_256 = vector.broadcast %eq3A_255 : i32 to vector<16xi32>
          %eq3A_257 = arith.cmpi eq, %iota3A, %eq3A_256 : vector<16xi32>
          %gather3A_258 = tpu.vector_load_idx %arg15[%and3A_223] : memref<50000xf32, #tpu.memory_space<vmem>>[vector<16xi32>], vector<16xf32>,
          %max3A_259 = arith.maximumf %gather3A_258, %get3A_225 : vector<16xf32>
          tpu.vector_store_idx %arg15[%and3A_223], %max3A_259 masked %eq3A_257 : memref<50000xf32, #tpu.memory_space<vmem>>[vector<16xi32>], vector<16xf32>, vector<16xi1>
          %eq3A_260 = arith.constant 7 : i32
          %eq3A_261 = vector.broadcast %eq3A_260 : i32 to vector<16xi32>
          %eq3A_262 = arith.cmpi eq, %iota3A, %eq3A_261 : vector<16xi32>
          %gather3A_263 = tpu.vector_load_idx %arg15[%and3A_223] : memref<50000xf32, #tpu.memory_space<vmem>>[vector<16xi32>], vector<16xf32>,
          %max3A_264 = arith.maximumf %gather3A_263, %get3A_225 : vector<16xf32>
          tpu.vector_store_idx %arg15[%and3A_223], %max3A_264 masked %eq3A_262 : memref<50000xf32, #tpu.memory_space<vmem>>[vector<16xi32>], vector<16xf32>, vector<16xi1>
          %eq3A_265 = arith.constant 8 : i32
          %eq3A_266 = vector.broadcast %eq3A_265 : i32 to vector<16xi32>
          %eq3A_267 = arith.cmpi eq, %iota3A, %eq3A_266 : vector<16xi32>
          %gather3A_268 = tpu.vector_load_idx %arg15[%and3A_223] : memref<50000xf32, #tpu.memory_space<vmem>>[vector<16xi32>], vector<16xf32>,
          %max3A_269 = arith.maximumf %gather3A_268, %get3A_225 : vector<16xf32>
          tpu.vector_store_idx %arg15[%and3A_223], %max3A_269 masked %eq3A_267 : memref<50000xf32, #tpu.memory_space<vmem>>[vector<16xi32>], vector<16xf32>, vector<16xi1>
          %eq3A_270 = arith.constant 9 : i32
          %eq3A_271 = vector.broadcast %eq3A_270 : i32 to vector<16xi32>
          %eq3A_272 = arith.cmpi eq, %iota3A, %eq3A_271 : vector<16xi32>
          %gather3A_273 = tpu.vector_load_idx %arg15[%and3A_223] : memref<50000xf32, #tpu.memory_space<vmem>>[vector<16xi32>], vector<16xf32>,
          %max3A_274 = arith.maximumf %gather3A_273, %get3A_225 : vector<16xf32>
          tpu.vector_store_idx %arg15[%and3A_223], %max3A_274 masked %eq3A_272 : memref<50000xf32, #tpu.memory_space<vmem>>[vector<16xi32>], vector<16xf32>, vector<16xi1>
          %eq3A_275 = arith.constant 10 : i32
          %eq3A_276 = vector.broadcast %eq3A_275 : i32 to vector<16xi32>
          %eq3A_277 = arith.cmpi eq, %iota3A, %eq3A_276 : vector<16xi32>
          %gather3A_278 = tpu.vector_load_idx %arg15[%and3A_223] : memref<50000xf32, #tpu.memory_space<vmem>>[vector<16xi32>], vector<16xf32>,
          %max3A_279 = arith.maximumf %gather3A_278, %get3A_225 : vector<16xf32>
          tpu.vector_store_idx %arg15[%and3A_223], %max3A_279 masked %eq3A_277 : memref<50000xf32, #tpu.memory_space<vmem>>[vector<16xi32>], vector<16xf32>, vector<16xi1>
          %eq3A_280 = arith.constant 11 : i32
          %eq3A_281 = vector.broadcast %eq3A_280 : i32 to vector<16xi32>
          %eq3A_282 = arith.cmpi eq, %iota3A, %eq3A_281 : vector<16xi32>
          %gather3A_283 = tpu.vector_load_idx %arg15[%and3A_223] : memref<50000xf32, #tpu.memory_space<vmem>>[vector<16xi32>], vector<16xf32>,
          %max3A_284 = arith.maximumf %gather3A_283, %get3A_225 : vector<16xf32>
          tpu.vector_store_idx %arg15[%and3A_223], %max3A_284 masked %eq3A_282 : memref<50000xf32, #tpu.memory_space<vmem>>[vector<16xi32>], vector<16xf32>, vector<16xi1>
          %eq3A_285 = arith.constant 12 : i32
          %eq3A_286 = vector.broadcast %eq3A_285 : i32 to vector<16xi32>
          %eq3A_287 = arith.cmpi eq, %iota3A, %eq3A_286 : vector<16xi32>
          %gather3A_288 = tpu.vector_load_idx %arg15[%and3A_223] : memref<50000xf32, #tpu.memory_space<vmem>>[vector<16xi32>], vector<16xf32>,
          %max3A_289 = arith.maximumf %gather3A_288, %get3A_225 : vector<16xf32>
          tpu.vector_store_idx %arg15[%and3A_223], %max3A_289 masked %eq3A_287 : memref<50000xf32, #tpu.memory_space<vmem>>[vector<16xi32>], vector<16xf32>, vector<16xi1>
          %eq3A_290 = arith.constant 13 : i32
          %eq3A_291 = vector.broadcast %eq3A_290 : i32 to vector<16xi32>
          %eq3A_292 = arith.cmpi eq, %iota3A, %eq3A_291 : vector<16xi32>
          %gather3A_293 = tpu.vector_load_idx %arg15[%and3A_223] : memref<50000xf32, #tpu.memory_space<vmem>>[vector<16xi32>], vector<16xf32>,
          %max3A_294 = arith.maximumf %gather3A_293, %get3A_225 : vector<16xf32>
          tpu.vector_store_idx %arg15[%and3A_223], %max3A_294 masked %eq3A_292 : memref<50000xf32, #tpu.memory_space<vmem>>[vector<16xi32>], vector<16xf32>, vector<16xi1>
          %eq3A_295 = arith.constant 14 : i32
          %eq3A_296 = vector.broadcast %eq3A_295 : i32 to vector<16xi32>
          %eq3A_297 = arith.cmpi eq, %iota3A, %eq3A_296 : vector<16xi32>
          %gather3A_298 = tpu.vector_load_idx %arg15[%and3A_223] : memref<50000xf32, #tpu.memory_space<vmem>>[vector<16xi32>], vector<16xf32>,
          %max3A_299 = arith.maximumf %gather3A_298, %get3A_225 : vector<16xf32>
          tpu.vector_store_idx %arg15[%and3A_223], %max3A_299 masked %eq3A_297 : memref<50000xf32, #tpu.memory_space<vmem>>[vector<16xi32>], vector<16xf32>, vector<16xi1>
          %eq3A_300 = arith.constant 15 : i32
          %eq3A_301 = vector.broadcast %eq3A_300 : i32 to vector<16xi32>
          %eq3A_302 = arith.cmpi eq, %iota3A, %eq3A_301 : vector<16xi32>
          %gather3A_303 = tpu.vector_load_idx %arg15[%and3A_223] : memref<50000xf32, #tpu.memory_space<vmem>>[vector<16xi32>], vector<16xf32>,
          %max3A_304 = arith.maximumf %gather3A_303, %get3A_225 : vector<16xf32>
          tpu.vector_store_idx %arg15[%and3A_223], %max3A_304 masked %eq3A_302 : memref<50000xf32, #tpu.memory_space<vmem>>[vector<16xi32>], vector<16xf32>, vector<16xi1>
          %scan3A_305 = arith.constant 0 : i32
          scf.yield %scan3A_305 : i32
        }
        %scan3A_214 = arith.constant 50 : i32
      } else {
      }
      %dma_wait3A_199 = arith.constant 0 : i32
      %dma_wait3A_200 = tpu.memref_slice %arg7[%dma_wait3A_199] : memref<896xf32, #tpu.memory_space<vmem>> -> memref<800xf32, #tpu.memory_space<vmem>>
      %dma_wait3A_201 = tpu.memref_slice %arg2[%mul3A_123] : memref<2000000xf32, #tpu.memory_space<hbm>> -> memref<800xf32, #tpu.memory_space<hbm>>
      %dma_wait3A_202 = arith.constant 0 : i32
      %dma_wait3A_203 = tpu.memref_slice %arg7[%dma_wait3A_202] : memref<896xf32, #tpu.memory_space<vmem>> -> memref<800xf32, #tpu.memory_space<vmem>>
      %dma_wait3A_204 = tpu.memref_slice %arg2[%mul3A_123] : memref<2000000xf32, #tpu.memory_space<hbm>> -> memref<800xf32, #tpu.memory_space<hbm>>
      tpu.wait_dma2 semaphore(%arg16 : memref<!tpu.dma_semaphore, #tpu.memory_space<semaphore_mem>>) src(%dma_wait3A_204 : memref<800xf32, #tpu.memory_space<hbm>>) dst(%dma_wait3A_203 : memref<800xf32, #tpu.memory_space<vmem>>)
      %dma_wait3A_205 = tpu.memref_slice %arg3[%mul3A_123] : memref<2000000xf32, #tpu.memory_space<hbm>> -> memref<800xf32, #tpu.memory_space<hbm>>
      %dma_wait3A_206 = tpu.memref_slice %arg3[%mul3A_123] : memref<2000000xf32, #tpu.memory_space<hbm>> -> memref<800xf32, #tpu.memory_space<hbm>>
      tpu.wait_dma2 semaphore(%arg16 : memref<!tpu.dma_semaphore, #tpu.memory_space<semaphore_mem>>) src(%dma_wait3A_206 : memref<800xf32, #tpu.memory_space<hbm>>) dst(%arg9 : memref<800xf32, #tpu.memory_space<vmem>>)
      %scan3A_207 = arith.constant 0 : i32
      scf.yield %scan3A_207 : i32
    }
    %scan3A_42 = arith.constant 1250 : i32
    %mul3A_43 = arith.constant 50176 : i32
    %mul3A_44 = arith.muli %add3A, %mul3A_43 : i32
    "tpu.region"() ({
      %run_scoped3A = tpu.sem_alloc : memref<!tpu.dma_semaphore, #tpu.memory_space<semaphore_mem>>
      %dma_start3A = tpu.memref_slice %arg5[%mul3A_44] : memref<1605632xf32, #tpu.memory_space<hbm>> -> memref<50000xf32, #tpu.memory_space<hbm>>
      %dma_start3A_47 = tpu.memref_slice %arg5[%mul3A_44] : memref<1605632xf32, #tpu.memory_space<hbm>> -> memref<50000xf32, #tpu.memory_space<hbm>>
      tpu.enqueue_dma source(%arg14 : memref<50000xf32, #tpu.memory_space<vmem>>) target(%dma_start3A_47 : memref<50000xf32, #tpu.memory_space<hbm>>) target_semaphore(%run_scoped3A : memref<!tpu.dma_semaphore, #tpu.memory_space<semaphore_mem>>)
      %dma_wait3A = tpu.memref_slice %arg5[%mul3A_44] : memref<1605632xf32, #tpu.memory_space<hbm>> -> memref<50000xf32, #tpu.memory_space<hbm>>
      %dma_wait3A_48 = tpu.memref_slice %arg5[%mul3A_44] : memref<1605632xf32, #tpu.memory_space<hbm>> -> memref<50000xf32, #tpu.memory_space<hbm>>
      tpu.wait_dma2 semaphore(%run_scoped3A : memref<!tpu.dma_semaphore, #tpu.memory_space<semaphore_mem>>) src(%arg14 : memref<50000xf32, #tpu.memory_space<vmem>>) dst(%dma_wait3A_48 : memref<50000xf32, #tpu.memory_space<hbm>>)
      tpu.yield
    }) : () -> ()
    %mul3A_45 = arith.constant 50176 : i32
    %mul3A_46 = arith.muli %add3A, %mul3A_45 : i32
    "tpu.region"() ({
      %run_scoped3A = tpu.sem_alloc : memref<!tpu.dma_semaphore, #tpu.memory_space<semaphore_mem>>
      %dma_start3A = tpu.memref_slice %arg6[%mul3A_46] : memref<1605632xf32, #tpu.memory_space<hbm>> -> memref<50000xf32, #tpu.memory_space<hbm>>
      %dma_start3A_47 = tpu.memref_slice %arg6[%mul3A_46] : memref<1605632xf32, #tpu.memory_space<hbm>> -> memref<50000xf32, #tpu.memory_space<hbm>>
      tpu.enqueue_dma source(%arg15 : memref<50000xf32, #tpu.memory_space<vmem>>) target(%dma_start3A_47 : memref<50000xf32, #tpu.memory_space<hbm>>) target_semaphore(%run_scoped3A : memref<!tpu.dma_semaphore, #tpu.memory_space<semaphore_mem>>)
      %dma_wait3A = tpu.memref_slice %arg6[%mul3A_46] : memref<1605632xf32, #tpu.memory_space<hbm>> -> memref<50000xf32, #tpu.memory_space<hbm>>
      %dma_wait3A_48 = tpu.memref_slice %arg6[%mul3A_46] : memref<1605632xf32, #tpu.memory_space<hbm>> -> memref<50000xf32, #tpu.memory_space<hbm>>
      tpu.wait_dma2 semaphore(%run_scoped3A : memref<!tpu.dma_semaphore, #tpu.memory_space<semaphore_mem>>) src(%arg15 : memref<50000xf32, #tpu.memory_space<vmem>>) dst(%dma_wait3A_48 : memref<50000xf32, #tpu.memory_space<hbm>>)
      tpu.yield
    }) : () -> ()
    return
  }
}

#map = affine_map<(d0, d1) -> (0)>
module attributes {stable_mosaic.version = 14 : i64} {
  func.func @_sca_body(%arg0: i32, %arg1: i32, %arg2: memref<2000000xi32, #tpu.memory_space<hbm>>, %arg3: memref<2000000xi32, #tpu.memory_space<hbm>>, %arg4: memref<50176xf32, #tpu.memory_space<hbm>>, %arg5: memref<50176xf32, #tpu.memory_space<hbm>>, %arg6: memref<50176xf32, #tpu.memory_space<hbm>>, %arg7: memref<2000000xf32, #tpu.memory_space<hbm>>, %arg8: memref<2000000xf32, #tpu.memory_space<hbm>>, %arg9: memref<100352xf32, #tpu.memory_space<hbm>>, %arg10: memref<2000xi32, #tpu.memory_space<vmem>>, %arg11: memref<2000xi32, #tpu.memory_space<vmem>>, %arg12: memref<2000xf32, #tpu.memory_space<vmem>>, %arg13: memref<2000xf32, #tpu.memory_space<vmem>>, %arg14: memref<2000xf32, #tpu.memory_space<vmem>>, %arg15: memref<2000xf32, #tpu.memory_space<vmem>>, %arg16: memref<2000xf32, #tpu.memory_space<vmem>>, %arg17: memref<2000xf32, #tpu.memory_space<vmem>>, %arg18: memref<2000xf32, #tpu.memory_space<vmem>>, %arg19: memref<2000xf32, #tpu.memory_space<vmem>>, %arg20: memref<2000xf32, #tpu.memory_space<vmem>>, %arg21: memref<3136xf32, #tpu.memory_space<vmem>>, %arg22: memref<50176xf32, #tpu.memory_space<vmem_shared>>, %arg23: memref<!tpu.dma_semaphore, #tpu.memory_space<semaphore_mem>>) attributes {dimension_semantics = [#tpu.dimension_semantics<core_parallel>, #tpu.dimension_semantics<subcore_parallel>], iteration_bounds = array<i64: 2, 16>, scalar_prefetch = 0 : i64, scratch_operands = 14 : i64, tpu.core_type = #tpu.core_type<sc_vector_subcore>, window_params = [{transform_indices = #map}, {transform_indices = #map}, {transform_indices = #map}, {transform_indices = #map}, {transform_indices = #map}, {transform_indices = #map}, {transform_indices = #map}, {transform_indices = #map}]} {
    %mul3A = arith.constant 2 : i32
    %mul3A_0 = arith.muli %arg1, %mul3A : i32
    %add3A = arith.addi %mul3A_0, %arg0 : i32
    %scan3A = arith.constant 0 : i32
    %scan3A_1 = arith.constant 0 : i32
    %scan3A_2 = arith.constant 196 : i32
    %scan3A_3 = arith.addi %scan3A_1, %scan3A_2 : i32
    %scan3A_4 = arith.constant 1 : i32
    %scan3A_5 = scf.for %scan3A_57 = %scan3A_1 to %scan3A_3 step %scan3A_4 iter_args(%scan3A_58 = %scan3A) -> (i32)  : i32 {
      %broadcast_in_dim3A = arith.constant 0.000000e+00 : f32
      %broadcast_in_dim3A_59 = vector.broadcast %broadcast_in_dim3A : f32 to vector<16xf32>
      %mul3A_60 = arith.constant 16 : i32
      %mul3A_61 = arith.muli %scan3A_57, %mul3A_60 : i32
      %swap3A = arith.index_cast %mul3A_61 : i32 to index
      %swap3A_62 = tpu.vector_load %arg21[%swap3A] {strides = array<i32>} : memref<3136xf32, #tpu.memory_space<vmem>>, vector<16xf32>,
      tpu.vector_store %arg21[%swap3A], %broadcast_in_dim3A_59 {strides = array<i32>} : memref<3136xf32, #tpu.memory_space<vmem>>, vector<16xf32>,
      %scan3A_63 = arith.constant 0 : i32
      scf.yield %scan3A_63 : i32
    }
    %scan3A_6 = arith.constant 196 : i32
    %scan3A_7 = arith.constant 0 : i32
    %scan3A_8 = arith.constant 0 : i32
    %scan3A_9 = arith.constant 125 : i32
    %scan3A_10 = arith.addi %scan3A_8, %scan3A_9 : i32
    %scan3A_11 = arith.constant 1 : i32
    %scan3A_12 = scf.for %scan3A_57 = %scan3A_8 to %scan3A_10 step %scan3A_11 iter_args(%scan3A_58 = %scan3A_7) -> (i32)  : i32 {
      %broadcast_in_dim3A = arith.constant 1.000000e+00 : f32
      %broadcast_in_dim3A_59 = vector.broadcast %broadcast_in_dim3A : f32 to vector<16xf32>
      %mul3A_60 = arith.constant 16 : i32
      %mul3A_61 = arith.muli %scan3A_57, %mul3A_60 : i32
      %swap3A = arith.index_cast %mul3A_61 : i32 to index
      %swap3A_62 = tpu.vector_load %arg20[%swap3A] {strides = array<i32>} : memref<2000xf32, #tpu.memory_space<vmem>>, vector<16xf32>,
      tpu.vector_store %arg20[%swap3A], %broadcast_in_dim3A_59 {strides = array<i32>} : memref<2000xf32, #tpu.memory_space<vmem>>, vector<16xf32>,
      %scan3A_63 = arith.constant 0 : i32
      scf.yield %scan3A_63 : i32
    }
    %scan3A_13 = arith.constant 125 : i32
    %mul3A_14 = arith.constant 3136 : i32
    %mul3A_15 = arith.muli %arg1, %mul3A_14 : i32
    "tpu.region"() ({
      %run_scoped3A = tpu.sem_alloc : memref<!tpu.dma_semaphore, #tpu.memory_space<semaphore_mem>>
      %dma_start3A = tpu.memref_slice %arg22[%mul3A_15] : memref<50176xf32, #tpu.memory_space<vmem_shared>> -> memref<3136xf32, #tpu.memory_space<vmem_shared>>
      %dma_start3A_57 = tpu.memref_slice %arg22[%mul3A_15] : memref<50176xf32, #tpu.memory_space<vmem_shared>> -> memref<3136xf32, #tpu.memory_space<vmem_shared>>
      tpu.enqueue_dma source(%arg21 : memref<3136xf32, #tpu.memory_space<vmem>>) target(%dma_start3A_57 : memref<3136xf32, #tpu.memory_space<vmem_shared>>) target_semaphore(%run_scoped3A : memref<!tpu.dma_semaphore, #tpu.memory_space<semaphore_mem>>)
      %dma_wait3A = tpu.memref_slice %arg22[%mul3A_15] : memref<50176xf32, #tpu.memory_space<vmem_shared>> -> memref<3136xf32, #tpu.memory_space<vmem_shared>>
      %dma_wait3A_58 = tpu.memref_slice %arg22[%mul3A_15] : memref<50176xf32, #tpu.memory_space<vmem_shared>> -> memref<3136xf32, #tpu.memory_space<vmem_shared>>
      tpu.wait_dma2 semaphore(%run_scoped3A : memref<!tpu.dma_semaphore, #tpu.memory_space<semaphore_mem>>) src(%arg21 : memref<3136xf32, #tpu.memory_space<vmem>>) dst(%dma_wait3A_58 : memref<3136xf32, #tpu.memory_space<vmem_shared>>)
      tpu.yield
    }) : () -> ()
    %barrier3A = arith.constant 0 : index
    tpu.barrier barrier_id(%barrier3A)
    %sub3A = arith.constant 1000 : i32
    %sub3A_16 = arith.subi %sub3A, %add3A : i32
    %add3A_17 = arith.constant 32 : i32
    %add3A_18 = arith.addi %sub3A_16, %add3A_17 : i32
    %sub3A_19 = arith.constant 1 : i32
    %sub3A_20 = arith.subi %add3A_18, %sub3A_19 : i32
    %jit3A = arith.constant 32 : i32
    %div3A = arith.divsi %sub3A_20, %jit3A : i32
    %sign3A = arith.constant 0 : i32
    %sign3A_21 = arith.cmpi sgt, %sub3A_20, %sign3A : i32
    %sign3A_22 = arith.extui %sign3A_21 : i1 to i32
    %sign3A_23 = arith.constant 0 : i32
    %sign3A_24 = arith.cmpi slt, %sub3A_20, %sign3A_23 : i32
    %sign3A_25 = arith.extui %sign3A_24 : i1 to i32
    %sign3A_26 = arith.subi %sign3A_22, %sign3A_25 : i32
    %sign3A_27 = arith.constant 0 : i32
    %sign3A_28 = arith.cmpi sgt, %jit3A, %sign3A_27 : i32
    %sign3A_29 = arith.extui %sign3A_28 : i1 to i32
    %sign3A_30 = arith.constant 0 : i32
    %sign3A_31 = arith.cmpi slt, %jit3A, %sign3A_30 : i32
    %sign3A_32 = arith.extui %sign3A_31 : i1 to i32
    %sign3A_33 = arith.subi %sign3A_29, %sign3A_32 : i32
    %ne3A = arith.cmpi ne, %sign3A_26, %sign3A_33 : i32
    %rem3A = arith.remsi %sub3A_20, %jit3A : i32
    %ne3A_34 = arith.constant 0 : i32
    %ne3A_35 = arith.cmpi ne, %rem3A, %ne3A_34 : i32
    %and3A = arith.andi %ne3A, %ne3A_35 : i1
    %sub3A_36 = arith.constant 1 : i32
    %sub3A_37 = arith.subi %div3A, %sub3A_36 : i32
    %select_n3A = arith.select %and3A, %sub3A_37, %div3A : i32
    %while3A = arith.constant 0 : i32
    %while3A_38 = arith.constant 0 : i32
    %while3A_39 = arith.subi %select_n3A, %while3A : i32
    %while3A_40 = arith.addi %while3A, %while3A_39 : i32
    %while3A_41 = arith.constant 1 : i32
    %while3A_42 = arith.divsi %while3A_39, %while3A_41 : i32
    %while3A_43 = arith.muli %while3A_42, %while3A_41 : i32
    %while3A_44 = arith.addi %while3A, %while3A_43 : i32
    %while3A_45 = arith.constant 1 : i32
    %while3A_46 = scf.for %while3A_57 = %while3A to %while3A_44 step %while3A_45 iter_args(%while3A_58 = %while3A_38) -> (i32)  : i32 {
      %mul3A_59 = arith.constant 32 : i32
      %mul3A_60 = arith.muli %while3A_57, %mul3A_59 : i32
      %add3A_61 = arith.addi %mul3A_60, %add3A : i32
      %mul3A_62 = arith.constant 2000 : i32
      %mul3A_63 = arith.muli %add3A_61, %mul3A_62 : i32
      "tpu.region"() ({
        %run_scoped3A = tpu.sem_alloc : memref<!tpu.dma_semaphore, #tpu.memory_space<semaphore_mem>>
        %dma_start3A_94 = tpu.memref_slice %arg2[%mul3A_63] : memref<2000000xi32, #tpu.memory_space<hbm>> -> memref<2000xi32, #tpu.memory_space<hbm>>
        %dma_start3A_95 = tpu.memref_slice %arg2[%mul3A_63] : memref<2000000xi32, #tpu.memory_space<hbm>> -> memref<2000xi32, #tpu.memory_space<hbm>>
        tpu.enqueue_dma source(%dma_start3A_95 : memref<2000xi32, #tpu.memory_space<hbm>>) target(%arg10 : memref<2000xi32, #tpu.memory_space<vmem>>) target_semaphore(%run_scoped3A : memref<!tpu.dma_semaphore, #tpu.memory_space<semaphore_mem>>)
        %dma_wait3A_96 = tpu.memref_slice %arg2[%mul3A_63] : memref<2000000xi32, #tpu.memory_space<hbm>> -> memref<2000xi32, #tpu.memory_space<hbm>>
        %dma_wait3A_97 = tpu.memref_slice %arg2[%mul3A_63] : memref<2000000xi32, #tpu.memory_space<hbm>> -> memref<2000xi32, #tpu.memory_space<hbm>>
        tpu.wait_dma2 semaphore(%run_scoped3A : memref<!tpu.dma_semaphore, #tpu.memory_space<semaphore_mem>>) src(%dma_wait3A_97 : memref<2000xi32, #tpu.memory_space<hbm>>) dst(%arg10 : memref<2000xi32, #tpu.memory_space<vmem>>)
        tpu.yield
      }) : () -> ()
      "tpu.region"() ({
        %run_scoped3A = tpu.sem_alloc : memref<!tpu.dma_semaphore, #tpu.memory_space<semaphore_mem>>
        %dma_start3A_94 = tpu.memref_slice %arg3[%mul3A_63] : memref<2000000xi32, #tpu.memory_space<hbm>> -> memref<2000xi32, #tpu.memory_space<hbm>>
        %dma_start3A_95 = tpu.memref_slice %arg3[%mul3A_63] : memref<2000000xi32, #tpu.memory_space<hbm>> -> memref<2000xi32, #tpu.memory_space<hbm>>
        tpu.enqueue_dma source(%dma_start3A_95 : memref<2000xi32, #tpu.memory_space<hbm>>) target(%arg11 : memref<2000xi32, #tpu.memory_space<vmem>>) target_semaphore(%run_scoped3A : memref<!tpu.dma_semaphore, #tpu.memory_space<semaphore_mem>>)
        %dma_wait3A_96 = tpu.memref_slice %arg3[%mul3A_63] : memref<2000000xi32, #tpu.memory_space<hbm>> -> memref<2000xi32, #tpu.memory_space<hbm>>
        %dma_wait3A_97 = tpu.memref_slice %arg3[%mul3A_63] : memref<2000000xi32, #tpu.memory_space<hbm>> -> memref<2000xi32, #tpu.memory_space<hbm>>
        tpu.wait_dma2 semaphore(%run_scoped3A : memref<!tpu.dma_semaphore, #tpu.memory_space<semaphore_mem>>) src(%dma_wait3A_97 : memref<2000xi32, #tpu.memory_space<hbm>>) dst(%arg11 : memref<2000xi32, #tpu.memory_space<vmem>>)
        tpu.yield
      }) : () -> ()
      %dma_start3A = arith.constant 0 : i32
      %dma_start3A_64 = tpu.memref_slice %arg4[%dma_start3A] : memref<50176xf32, #tpu.memory_space<hbm>> -> memref<50176xf32, #tpu.memory_space<hbm>>
      tpu.enqueue_indirect_dma source(%dma_start3A_64 : memref<50176xf32, #tpu.memory_space<hbm>>) target(%arg12 : memref<2000xf32, #tpu.memory_space<vmem>>) offsets(%arg10 : memref<2000xi32, #tpu.memory_space<vmem>>) semaphore(%arg23 : memref<!tpu.dma_semaphore, #tpu.memory_space<semaphore_mem>>)
      %dma_start3A_65 = arith.constant 0 : i32
      %dma_start3A_66 = tpu.memref_slice %arg5[%dma_start3A_65] : memref<50176xf32, #tpu.memory_space<hbm>> -> memref<50176xf32, #tpu.memory_space<hbm>>
      tpu.enqueue_indirect_dma source(%dma_start3A_66 : memref<50176xf32, #tpu.memory_space<hbm>>) target(%arg13 : memref<2000xf32, #tpu.memory_space<vmem>>) offsets(%arg10 : memref<2000xi32, #tpu.memory_space<vmem>>) semaphore(%arg23 : memref<!tpu.dma_semaphore, #tpu.memory_space<semaphore_mem>>)
      %dma_start3A_67 = arith.constant 0 : i32
      %dma_start3A_68 = tpu.memref_slice %arg6[%dma_start3A_67] : memref<50176xf32, #tpu.memory_space<hbm>> -> memref<50176xf32, #tpu.memory_space<hbm>>
      tpu.enqueue_indirect_dma source(%dma_start3A_68 : memref<50176xf32, #tpu.memory_space<hbm>>) target(%arg14 : memref<2000xf32, #tpu.memory_space<vmem>>) offsets(%arg10 : memref<2000xi32, #tpu.memory_space<vmem>>) semaphore(%arg23 : memref<!tpu.dma_semaphore, #tpu.memory_space<semaphore_mem>>)
      %dma_start3A_69 = arith.constant 0 : i32
      %dma_start3A_70 = tpu.memref_slice %arg4[%dma_start3A_69] : memref<50176xf32, #tpu.memory_space<hbm>> -> memref<50176xf32, #tpu.memory_space<hbm>>
      tpu.enqueue_indirect_dma source(%dma_start3A_70 : memref<50176xf32, #tpu.memory_space<hbm>>) target(%arg15 : memref<2000xf32, #tpu.memory_space<vmem>>) offsets(%arg11 : memref<2000xi32, #tpu.memory_space<vmem>>) semaphore(%arg23 : memref<!tpu.dma_semaphore, #tpu.memory_space<semaphore_mem>>)
      %dma_start3A_71 = arith.constant 0 : i32
      %dma_start3A_72 = tpu.memref_slice %arg5[%dma_start3A_71] : memref<50176xf32, #tpu.memory_space<hbm>> -> memref<50176xf32, #tpu.memory_space<hbm>>
      tpu.enqueue_indirect_dma source(%dma_start3A_72 : memref<50176xf32, #tpu.memory_space<hbm>>) target(%arg16 : memref<2000xf32, #tpu.memory_space<vmem>>) offsets(%arg11 : memref<2000xi32, #tpu.memory_space<vmem>>) semaphore(%arg23 : memref<!tpu.dma_semaphore, #tpu.memory_space<semaphore_mem>>)
      %dma_start3A_73 = arith.constant 0 : i32
      %dma_start3A_74 = tpu.memref_slice %arg6[%dma_start3A_73] : memref<50176xf32, #tpu.memory_space<hbm>> -> memref<50176xf32, #tpu.memory_space<hbm>>
      tpu.enqueue_indirect_dma source(%dma_start3A_74 : memref<50176xf32, #tpu.memory_space<hbm>>) target(%arg17 : memref<2000xf32, #tpu.memory_space<vmem>>) offsets(%arg11 : memref<2000xi32, #tpu.memory_space<vmem>>) semaphore(%arg23 : memref<!tpu.dma_semaphore, #tpu.memory_space<semaphore_mem>>)
      %dma_wait3A = arith.constant 0 : i32
      %dma_wait3A_75 = tpu.memref_slice %arg4[%dma_wait3A] : memref<50176xf32, #tpu.memory_space<hbm>> -> memref<50176xf32, #tpu.memory_space<hbm>>
      tpu.wait_indirect_dma semaphore(%arg23 : memref<!tpu.dma_semaphore, #tpu.memory_space<semaphore_mem>>) src(%dma_wait3A_75 : memref<50176xf32, #tpu.memory_space<hbm>>) dst(%arg12 : memref<2000xf32, #tpu.memory_space<vmem>>)
      %dma_wait3A_76 = arith.constant 0 : i32
      %dma_wait3A_77 = tpu.memref_slice %arg5[%dma_wait3A_76] : memref<50176xf32, #tpu.memory_space<hbm>> -> memref<50176xf32, #tpu.memory_space<hbm>>
      tpu.wait_indirect_dma semaphore(%arg23 : memref<!tpu.dma_semaphore, #tpu.memory_space<semaphore_mem>>) src(%dma_wait3A_77 : memref<50176xf32, #tpu.memory_space<hbm>>) dst(%arg13 : memref<2000xf32, #tpu.memory_space<vmem>>)
      %dma_wait3A_78 = arith.constant 0 : i32
      %dma_wait3A_79 = tpu.memref_slice %arg6[%dma_wait3A_78] : memref<50176xf32, #tpu.memory_space<hbm>> -> memref<50176xf32, #tpu.memory_space<hbm>>
      tpu.wait_indirect_dma semaphore(%arg23 : memref<!tpu.dma_semaphore, #tpu.memory_space<semaphore_mem>>) src(%dma_wait3A_79 : memref<50176xf32, #tpu.memory_space<hbm>>) dst(%arg14 : memref<2000xf32, #tpu.memory_space<vmem>>)
      %dma_wait3A_80 = arith.constant 0 : i32
      %dma_wait3A_81 = tpu.memref_slice %arg4[%dma_wait3A_80] : memref<50176xf32, #tpu.memory_space<hbm>> -> memref<50176xf32, #tpu.memory_space<hbm>>
      tpu.wait_indirect_dma semaphore(%arg23 : memref<!tpu.dma_semaphore, #tpu.memory_space<semaphore_mem>>) src(%dma_wait3A_81 : memref<50176xf32, #tpu.memory_space<hbm>>) dst(%arg15 : memref<2000xf32, #tpu.memory_space<vmem>>)
      %dma_wait3A_82 = arith.constant 0 : i32
      %dma_wait3A_83 = tpu.memref_slice %arg5[%dma_wait3A_82] : memref<50176xf32, #tpu.memory_space<hbm>> -> memref<50176xf32, #tpu.memory_space<hbm>>
      tpu.wait_indirect_dma semaphore(%arg23 : memref<!tpu.dma_semaphore, #tpu.memory_space<semaphore_mem>>) src(%dma_wait3A_83 : memref<50176xf32, #tpu.memory_space<hbm>>) dst(%arg16 : memref<2000xf32, #tpu.memory_space<vmem>>)
      %dma_wait3A_84 = arith.constant 0 : i32
      %dma_wait3A_85 = tpu.memref_slice %arg6[%dma_wait3A_84] : memref<50176xf32, #tpu.memory_space<hbm>> -> memref<50176xf32, #tpu.memory_space<hbm>>
      tpu.wait_indirect_dma semaphore(%arg23 : memref<!tpu.dma_semaphore, #tpu.memory_space<semaphore_mem>>) src(%dma_wait3A_85 : memref<50176xf32, #tpu.memory_space<hbm>>) dst(%arg17 : memref<2000xf32, #tpu.memory_space<vmem>>)
      %scan3A_86 = arith.constant 0 : i32
      %scan3A_87 = arith.constant 0 : i32
      %scan3A_88 = arith.constant 125 : i32
      %scan3A_89 = arith.addi %scan3A_87, %scan3A_88 : i32
      %scan3A_90 = arith.constant 1 : i32
      %scan3A_91 = scf.for %scan3A_94 = %scan3A_87 to %scan3A_89 step %scan3A_90 iter_args(%scan3A_95 = %scan3A_86) -> (i32)  : i32 {
        %mul3A_96 = arith.constant 16 : i32
        %mul3A_97 = arith.muli %scan3A_94, %mul3A_96 : i32
        %get3A = arith.index_cast %mul3A_97 : i32 to index
        %get3A_98 = tpu.vector_load %arg12[%get3A] {strides = array<i32>} : memref<2000xf32, #tpu.memory_space<vmem>>, vector<16xf32>,
        %get3A_99 = arith.index_cast %mul3A_97 : i32 to index
        %get3A_100 = tpu.vector_load %arg15[%get3A_99] {strides = array<i32>} : memref<2000xf32, #tpu.memory_space<vmem>>, vector<16xf32>,
        %sub3A_101 = arith.subf %get3A_98, %get3A_100 : vector<16xf32>
        %get3A_102 = arith.index_cast %mul3A_97 : i32 to index
        %get3A_103 = tpu.vector_load %arg13[%get3A_102] {strides = array<i32>} : memref<2000xf32, #tpu.memory_space<vmem>>, vector<16xf32>,
        %get3A_104 = arith.index_cast %mul3A_97 : i32 to index
        %get3A_105 = tpu.vector_load %arg16[%get3A_104] {strides = array<i32>} : memref<2000xf32, #tpu.memory_space<vmem>>, vector<16xf32>,
        %sub3A_106 = arith.subf %get3A_103, %get3A_105 : vector<16xf32>
        %get3A_107 = arith.index_cast %mul3A_97 : i32 to index
        %get3A_108 = tpu.vector_load %arg14[%get3A_107] {strides = array<i32>} : memref<2000xf32, #tpu.memory_space<vmem>>, vector<16xf32>,
        %get3A_109 = arith.index_cast %mul3A_97 : i32 to index
        %get3A_110 = tpu.vector_load %arg17[%get3A_109] {strides = array<i32>} : memref<2000xf32, #tpu.memory_space<vmem>>, vector<16xf32>,
        %sub3A_111 = arith.subf %get3A_108, %get3A_110 : vector<16xf32>
        %mul3A_112 = arith.mulf %sub3A_101, %sub3A_101 : vector<16xf32>
        %mul3A_113 = arith.mulf %sub3A_106, %sub3A_106 : vector<16xf32>
        %add3A_114 = arith.addf %mul3A_112, %mul3A_113 : vector<16xf32>
        %mul3A_115 = arith.mulf %sub3A_111, %sub3A_111 : vector<16xf32>
        %add3A_116 = arith.addf %add3A_114, %mul3A_115 : vector<16xf32>
        %mul3A_117 = arith.constant -1.000000e+01 : f32
        %mul3A_118 = vector.broadcast %mul3A_117 : f32 to vector<16xf32>
        %mul3A_119 = arith.mulf %mul3A_118, %add3A_116 : vector<16xf32>
        %exp3A = math.exp %mul3A_119 : vector<16xf32>
        %swap3A = arith.index_cast %mul3A_97 : i32 to index
        %swap3A_120 = tpu.vector_load %arg18[%swap3A] {strides = array<i32>} : memref<2000xf32, #tpu.memory_space<vmem>>, vector<16xf32>,
        tpu.vector_store %arg18[%swap3A], %exp3A {strides = array<i32>} : memref<2000xf32, #tpu.memory_space<vmem>>, vector<16xf32>,
        %get3A_121 = arith.index_cast %mul3A_97 : i32 to index
        %get3A_122 = tpu.vector_load %arg10[%get3A_121] {strides = array<i32>} : memref<2000xi32, #tpu.memory_space<vmem>>, vector<16xi32>,
        %get3A_123 = arith.index_cast %mul3A_97 : i32 to index
        %get3A_124 = tpu.vector_load %arg11[%get3A_123] {strides = array<i32>} : memref<2000xi32, #tpu.memory_space<vmem>>, vector<16xi32>,
        %shift_left3A = arith.constant 16 : i32
        %shift_left3A_125 = vector.broadcast %shift_left3A : i32 to vector<16xi32>
        %shift_left3A_126 = arith.shli %get3A_124, %shift_left3A_125 : vector<16xi32>
        %or3A = arith.ori %get3A_122, %shift_left3A_126 : vector<16xi32>
        %bitcast3A = vector.bitcast %or3A : vector<16xi32> to vector<16xf32>
        %swap3A_127 = arith.index_cast %mul3A_97 : i32 to index
        %swap3A_128 = tpu.vector_load %arg19[%swap3A_127] {strides = array<i32>} : memref<2000xf32, #tpu.memory_space<vmem>>, vector<16xf32>,
        tpu.vector_store %arg19[%swap3A_127], %bitcast3A {strides = array<i32>} : memref<2000xf32, #tpu.memory_space<vmem>>, vector<16xf32>,
        %scan3A_129 = arith.constant 0 : i32
        scf.yield %scan3A_129 : i32
      }
      %scan3A_92 = arith.constant 125 : i32
      "tpu.region"() ({
        %run_scoped3A = tpu.sem_alloc : memref<!tpu.dma_semaphore, #tpu.memory_space<semaphore_mem>>
        %dma_start3A_94 = tpu.memref_slice %arg7[%mul3A_63] : memref<2000000xf32, #tpu.memory_space<hbm>> -> memref<2000xf32, #tpu.memory_space<hbm>>
        %dma_start3A_95 = tpu.memref_slice %arg7[%mul3A_63] : memref<2000000xf32, #tpu.memory_space<hbm>> -> memref<2000xf32, #tpu.memory_space<hbm>>
        tpu.enqueue_dma source(%arg18 : memref<2000xf32, #tpu.memory_space<vmem>>) target(%dma_start3A_95 : memref<2000xf32, #tpu.memory_space<hbm>>) target_semaphore(%run_scoped3A : memref<!tpu.dma_semaphore, #tpu.memory_space<semaphore_mem>>)
        %dma_wait3A_96 = tpu.memref_slice %arg7[%mul3A_63] : memref<2000000xf32, #tpu.memory_space<hbm>> -> memref<2000xf32, #tpu.memory_space<hbm>>
        %dma_wait3A_97 = tpu.memref_slice %arg7[%mul3A_63] : memref<2000000xf32, #tpu.memory_space<hbm>> -> memref<2000xf32, #tpu.memory_space<hbm>>
        tpu.wait_dma2 semaphore(%run_scoped3A : memref<!tpu.dma_semaphore, #tpu.memory_space<semaphore_mem>>) src(%arg18 : memref<2000xf32, #tpu.memory_space<vmem>>) dst(%dma_wait3A_97 : memref<2000xf32, #tpu.memory_space<hbm>>)
        tpu.yield
      }) : () -> ()
      "tpu.region"() ({
        %run_scoped3A = tpu.sem_alloc : memref<!tpu.dma_semaphore, #tpu.memory_space<semaphore_mem>>
        %dma_start3A_94 = tpu.memref_slice %arg8[%mul3A_63] : memref<2000000xf32, #tpu.memory_space<hbm>> -> memref<2000xf32, #tpu.memory_space<hbm>>
        %dma_start3A_95 = tpu.memref_slice %arg8[%mul3A_63] : memref<2000000xf32, #tpu.memory_space<hbm>> -> memref<2000xf32, #tpu.memory_space<hbm>>
        tpu.enqueue_dma source(%arg19 : memref<2000xf32, #tpu.memory_space<vmem>>) target(%dma_start3A_95 : memref<2000xf32, #tpu.memory_space<hbm>>) target_semaphore(%run_scoped3A : memref<!tpu.dma_semaphore, #tpu.memory_space<semaphore_mem>>)
        %dma_wait3A_96 = tpu.memref_slice %arg8[%mul3A_63] : memref<2000000xf32, #tpu.memory_space<hbm>> -> memref<2000xf32, #tpu.memory_space<hbm>>
        %dma_wait3A_97 = tpu.memref_slice %arg8[%mul3A_63] : memref<2000000xf32, #tpu.memory_space<hbm>> -> memref<2000xf32, #tpu.memory_space<hbm>>
        tpu.wait_dma2 semaphore(%run_scoped3A : memref<!tpu.dma_semaphore, #tpu.memory_space<semaphore_mem>>) src(%arg19 : memref<2000xf32, #tpu.memory_space<vmem>>) dst(%dma_wait3A_97 : memref<2000xf32, #tpu.memory_space<hbm>>)
        tpu.yield
      }) : () -> ()
      "tpu.region"() ({
        %run_scoped3A = tpu.sem_alloc : memref<!tpu.dma_semaphore, #tpu.memory_space<semaphore_mem>>
        %dma_start3A_94 = arith.constant 0 : i32
        %dma_start3A_95 = tpu.memref_slice %arg22[%dma_start3A_94] : memref<50176xf32, #tpu.memory_space<vmem_shared>> -> memref<50176xf32, #tpu.memory_space<vmem_shared>>
        tpu.enqueue_indirect_dma source(%arg20 : memref<2000xf32, #tpu.memory_space<vmem>>) target(%dma_start3A_95 : memref<50176xf32, #tpu.memory_space<vmem_shared>>) offsets(%arg11 : memref<2000xi32, #tpu.memory_space<vmem>>) semaphore(%run_scoped3A : memref<!tpu.dma_semaphore, #tpu.memory_space<semaphore_mem>>) {add = true}
        %dma_wait3A_96 = arith.constant 0 : i32
        %dma_wait3A_97 = tpu.memref_slice %arg22[%dma_wait3A_96] : memref<50176xf32, #tpu.memory_space<vmem_shared>> -> memref<50176xf32, #tpu.memory_space<vmem_shared>>
        tpu.wait_indirect_dma semaphore(%run_scoped3A : memref<!tpu.dma_semaphore, #tpu.memory_space<semaphore_mem>>) src(%arg20 : memref<2000xf32, #tpu.memory_space<vmem>>) dst(%dma_wait3A_97 : memref<50176xf32, #tpu.memory_space<vmem_shared>>)
        tpu.yield
      }) : () -> ()
      %while3A_93 = arith.constant 0 : i32
      scf.yield %while3A_93 : i32
    }
    %while3A_47 = arith.constant 1 : i32
    %while3A_48 = scf.for %while3A_57 = %while3A_44 to %while3A_40 step %while3A_47 iter_args(%while3A_58 = %while3A_46) -> (i32)  : i32 {
      %mul3A_59 = arith.constant 32 : i32
      %mul3A_60 = arith.muli %while3A_57, %mul3A_59 : i32
      %add3A_61 = arith.addi %mul3A_60, %add3A : i32
      %mul3A_62 = arith.constant 2000 : i32
      %mul3A_63 = arith.muli %add3A_61, %mul3A_62 : i32
      "tpu.region"() ({
        %run_scoped3A = tpu.sem_alloc : memref<!tpu.dma_semaphore, #tpu.memory_space<semaphore_mem>>
        %dma_start3A_94 = tpu.memref_slice %arg2[%mul3A_63] : memref<2000000xi32, #tpu.memory_space<hbm>> -> memref<2000xi32, #tpu.memory_space<hbm>>
        %dma_start3A_95 = tpu.memref_slice %arg2[%mul3A_63] : memref<2000000xi32, #tpu.memory_space<hbm>> -> memref<2000xi32, #tpu.memory_space<hbm>>
        tpu.enqueue_dma source(%dma_start3A_95 : memref<2000xi32, #tpu.memory_space<hbm>>) target(%arg10 : memref<2000xi32, #tpu.memory_space<vmem>>) target_semaphore(%run_scoped3A : memref<!tpu.dma_semaphore, #tpu.memory_space<semaphore_mem>>)
        %dma_wait3A_96 = tpu.memref_slice %arg2[%mul3A_63] : memref<2000000xi32, #tpu.memory_space<hbm>> -> memref<2000xi32, #tpu.memory_space<hbm>>
        %dma_wait3A_97 = tpu.memref_slice %arg2[%mul3A_63] : memref<2000000xi32, #tpu.memory_space<hbm>> -> memref<2000xi32, #tpu.memory_space<hbm>>
        tpu.wait_dma2 semaphore(%run_scoped3A : memref<!tpu.dma_semaphore, #tpu.memory_space<semaphore_mem>>) src(%dma_wait3A_97 : memref<2000xi32, #tpu.memory_space<hbm>>) dst(%arg10 : memref<2000xi32, #tpu.memory_space<vmem>>)
        tpu.yield
      }) : () -> ()
      "tpu.region"() ({
        %run_scoped3A = tpu.sem_alloc : memref<!tpu.dma_semaphore, #tpu.memory_space<semaphore_mem>>
        %dma_start3A_94 = tpu.memref_slice %arg3[%mul3A_63] : memref<2000000xi32, #tpu.memory_space<hbm>> -> memref<2000xi32, #tpu.memory_space<hbm>>
        %dma_start3A_95 = tpu.memref_slice %arg3[%mul3A_63] : memref<2000000xi32, #tpu.memory_space<hbm>> -> memref<2000xi32, #tpu.memory_space<hbm>>
        tpu.enqueue_dma source(%dma_start3A_95 : memref<2000xi32, #tpu.memory_space<hbm>>) target(%arg11 : memref<2000xi32, #tpu.memory_space<vmem>>) target_semaphore(%run_scoped3A : memref<!tpu.dma_semaphore, #tpu.memory_space<semaphore_mem>>)
        %dma_wait3A_96 = tpu.memref_slice %arg3[%mul3A_63] : memref<2000000xi32, #tpu.memory_space<hbm>> -> memref<2000xi32, #tpu.memory_space<hbm>>
        %dma_wait3A_97 = tpu.memref_slice %arg3[%mul3A_63] : memref<2000000xi32, #tpu.memory_space<hbm>> -> memref<2000xi32, #tpu.memory_space<hbm>>
        tpu.wait_dma2 semaphore(%run_scoped3A : memref<!tpu.dma_semaphore, #tpu.memory_space<semaphore_mem>>) src(%dma_wait3A_97 : memref<2000xi32, #tpu.memory_space<hbm>>) dst(%arg11 : memref<2000xi32, #tpu.memory_space<vmem>>)
        tpu.yield
      }) : () -> ()
      %dma_start3A = arith.constant 0 : i32
      %dma_start3A_64 = tpu.memref_slice %arg4[%dma_start3A] : memref<50176xf32, #tpu.memory_space<hbm>> -> memref<50176xf32, #tpu.memory_space<hbm>>
      tpu.enqueue_indirect_dma source(%dma_start3A_64 : memref<50176xf32, #tpu.memory_space<hbm>>) target(%arg12 : memref<2000xf32, #tpu.memory_space<vmem>>) offsets(%arg10 : memref<2000xi32, #tpu.memory_space<vmem>>) semaphore(%arg23 : memref<!tpu.dma_semaphore, #tpu.memory_space<semaphore_mem>>)
      %dma_start3A_65 = arith.constant 0 : i32
      %dma_start3A_66 = tpu.memref_slice %arg5[%dma_start3A_65] : memref<50176xf32, #tpu.memory_space<hbm>> -> memref<50176xf32, #tpu.memory_space<hbm>>
      tpu.enqueue_indirect_dma source(%dma_start3A_66 : memref<50176xf32, #tpu.memory_space<hbm>>) target(%arg13 : memref<2000xf32, #tpu.memory_space<vmem>>) offsets(%arg10 : memref<2000xi32, #tpu.memory_space<vmem>>) semaphore(%arg23 : memref<!tpu.dma_semaphore, #tpu.memory_space<semaphore_mem>>)
      %dma_start3A_67 = arith.constant 0 : i32
      %dma_start3A_68 = tpu.memref_slice %arg6[%dma_start3A_67] : memref<50176xf32, #tpu.memory_space<hbm>> -> memref<50176xf32, #tpu.memory_space<hbm>>
      tpu.enqueue_indirect_dma source(%dma_start3A_68 : memref<50176xf32, #tpu.memory_space<hbm>>) target(%arg14 : memref<2000xf32, #tpu.memory_space<vmem>>) offsets(%arg10 : memref<2000xi32, #tpu.memory_space<vmem>>) semaphore(%arg23 : memref<!tpu.dma_semaphore, #tpu.memory_space<semaphore_mem>>)
      %dma_start3A_69 = arith.constant 0 : i32
      %dma_start3A_70 = tpu.memref_slice %arg4[%dma_start3A_69] : memref<50176xf32, #tpu.memory_space<hbm>> -> memref<50176xf32, #tpu.memory_space<hbm>>
      tpu.enqueue_indirect_dma source(%dma_start3A_70 : memref<50176xf32, #tpu.memory_space<hbm>>) target(%arg15 : memref<2000xf32, #tpu.memory_space<vmem>>) offsets(%arg11 : memref<2000xi32, #tpu.memory_space<vmem>>) semaphore(%arg23 : memref<!tpu.dma_semaphore, #tpu.memory_space<semaphore_mem>>)
      %dma_start3A_71 = arith.constant 0 : i32
      %dma_start3A_72 = tpu.memref_slice %arg5[%dma_start3A_71] : memref<50176xf32, #tpu.memory_space<hbm>> -> memref<50176xf32, #tpu.memory_space<hbm>>
      tpu.enqueue_indirect_dma source(%dma_start3A_72 : memref<50176xf32, #tpu.memory_space<hbm>>) target(%arg16 : memref<2000xf32, #tpu.memory_space<vmem>>) offsets(%arg11 : memref<2000xi32, #tpu.memory_space<vmem>>) semaphore(%arg23 : memref<!tpu.dma_semaphore, #tpu.memory_space<semaphore_mem>>)
      %dma_start3A_73 = arith.constant 0 : i32
      %dma_start3A_74 = tpu.memref_slice %arg6[%dma_start3A_73] : memref<50176xf32, #tpu.memory_space<hbm>> -> memref<50176xf32, #tpu.memory_space<hbm>>
      tpu.enqueue_indirect_dma source(%dma_start3A_74 : memref<50176xf32, #tpu.memory_space<hbm>>) target(%arg17 : memref<2000xf32, #tpu.memory_space<vmem>>) offsets(%arg11 : memref<2000xi32, #tpu.memory_space<vmem>>) semaphore(%arg23 : memref<!tpu.dma_semaphore, #tpu.memory_space<semaphore_mem>>)
      %dma_wait3A = arith.constant 0 : i32
      %dma_wait3A_75 = tpu.memref_slice %arg4[%dma_wait3A] : memref<50176xf32, #tpu.memory_space<hbm>> -> memref<50176xf32, #tpu.memory_space<hbm>>
      tpu.wait_indirect_dma semaphore(%arg23 : memref<!tpu.dma_semaphore, #tpu.memory_space<semaphore_mem>>) src(%dma_wait3A_75 : memref<50176xf32, #tpu.memory_space<hbm>>) dst(%arg12 : memref<2000xf32, #tpu.memory_space<vmem>>)
      %dma_wait3A_76 = arith.constant 0 : i32
      %dma_wait3A_77 = tpu.memref_slice %arg5[%dma_wait3A_76] : memref<50176xf32, #tpu.memory_space<hbm>> -> memref<50176xf32, #tpu.memory_space<hbm>>
      tpu.wait_indirect_dma semaphore(%arg23 : memref<!tpu.dma_semaphore, #tpu.memory_space<semaphore_mem>>) src(%dma_wait3A_77 : memref<50176xf32, #tpu.memory_space<hbm>>) dst(%arg13 : memref<2000xf32, #tpu.memory_space<vmem>>)
      %dma_wait3A_78 = arith.constant 0 : i32
      %dma_wait3A_79 = tpu.memref_slice %arg6[%dma_wait3A_78] : memref<50176xf32, #tpu.memory_space<hbm>> -> memref<50176xf32, #tpu.memory_space<hbm>>
      tpu.wait_indirect_dma semaphore(%arg23 : memref<!tpu.dma_semaphore, #tpu.memory_space<semaphore_mem>>) src(%dma_wait3A_79 : memref<50176xf32, #tpu.memory_space<hbm>>) dst(%arg14 : memref<2000xf32, #tpu.memory_space<vmem>>)
      %dma_wait3A_80 = arith.constant 0 : i32
      %dma_wait3A_81 = tpu.memref_slice %arg4[%dma_wait3A_80] : memref<50176xf32, #tpu.memory_space<hbm>> -> memref<50176xf32, #tpu.memory_space<hbm>>
      tpu.wait_indirect_dma semaphore(%arg23 : memref<!tpu.dma_semaphore, #tpu.memory_space<semaphore_mem>>) src(%dma_wait3A_81 : memref<50176xf32, #tpu.memory_space<hbm>>) dst(%arg15 : memref<2000xf32, #tpu.memory_space<vmem>>)
      %dma_wait3A_82 = arith.constant 0 : i32
      %dma_wait3A_83 = tpu.memref_slice %arg5[%dma_wait3A_82] : memref<50176xf32, #tpu.memory_space<hbm>> -> memref<50176xf32, #tpu.memory_space<hbm>>
      tpu.wait_indirect_dma semaphore(%arg23 : memref<!tpu.dma_semaphore, #tpu.memory_space<semaphore_mem>>) src(%dma_wait3A_83 : memref<50176xf32, #tpu.memory_space<hbm>>) dst(%arg16 : memref<2000xf32, #tpu.memory_space<vmem>>)
      %dma_wait3A_84 = arith.constant 0 : i32
      %dma_wait3A_85 = tpu.memref_slice %arg6[%dma_wait3A_84] : memref<50176xf32, #tpu.memory_space<hbm>> -> memref<50176xf32, #tpu.memory_space<hbm>>
      tpu.wait_indirect_dma semaphore(%arg23 : memref<!tpu.dma_semaphore, #tpu.memory_space<semaphore_mem>>) src(%dma_wait3A_85 : memref<50176xf32, #tpu.memory_space<hbm>>) dst(%arg17 : memref<2000xf32, #tpu.memory_space<vmem>>)
      %scan3A_86 = arith.constant 0 : i32
      %scan3A_87 = arith.constant 0 : i32
      %scan3A_88 = arith.constant 125 : i32
      %scan3A_89 = arith.addi %scan3A_87, %scan3A_88 : i32
      %scan3A_90 = arith.constant 1 : i32
      %scan3A_91 = scf.for %scan3A_94 = %scan3A_87 to %scan3A_89 step %scan3A_90 iter_args(%scan3A_95 = %scan3A_86) -> (i32)  : i32 {
        %mul3A_96 = arith.constant 16 : i32
        %mul3A_97 = arith.muli %scan3A_94, %mul3A_96 : i32
        %get3A = arith.index_cast %mul3A_97 : i32 to index
        %get3A_98 = tpu.vector_load %arg12[%get3A] {strides = array<i32>} : memref<2000xf32, #tpu.memory_space<vmem>>, vector<16xf32>,
        %get3A_99 = arith.index_cast %mul3A_97 : i32 to index
        %get3A_100 = tpu.vector_load %arg15[%get3A_99] {strides = array<i32>} : memref<2000xf32, #tpu.memory_space<vmem>>, vector<16xf32>,
        %sub3A_101 = arith.subf %get3A_98, %get3A_100 : vector<16xf32>
        %get3A_102 = arith.index_cast %mul3A_97 : i32 to index
        %get3A_103 = tpu.vector_load %arg13[%get3A_102] {strides = array<i32>} : memref<2000xf32, #tpu.memory_space<vmem>>, vector<16xf32>,
        %get3A_104 = arith.index_cast %mul3A_97 : i32 to index
        %get3A_105 = tpu.vector_load %arg16[%get3A_104] {strides = array<i32>} : memref<2000xf32, #tpu.memory_space<vmem>>, vector<16xf32>,
        %sub3A_106 = arith.subf %get3A_103, %get3A_105 : vector<16xf32>
        %get3A_107 = arith.index_cast %mul3A_97 : i32 to index
        %get3A_108 = tpu.vector_load %arg14[%get3A_107] {strides = array<i32>} : memref<2000xf32, #tpu.memory_space<vmem>>, vector<16xf32>,
        %get3A_109 = arith.index_cast %mul3A_97 : i32 to index
        %get3A_110 = tpu.vector_load %arg17[%get3A_109] {strides = array<i32>} : memref<2000xf32, #tpu.memory_space<vmem>>, vector<16xf32>,
        %sub3A_111 = arith.subf %get3A_108, %get3A_110 : vector<16xf32>
        %mul3A_112 = arith.mulf %sub3A_101, %sub3A_101 : vector<16xf32>
        %mul3A_113 = arith.mulf %sub3A_106, %sub3A_106 : vector<16xf32>
        %add3A_114 = arith.addf %mul3A_112, %mul3A_113 : vector<16xf32>
        %mul3A_115 = arith.mulf %sub3A_111, %sub3A_111 : vector<16xf32>
        %add3A_116 = arith.addf %add3A_114, %mul3A_115 : vector<16xf32>
        %mul3A_117 = arith.constant -1.000000e+01 : f32
        %mul3A_118 = vector.broadcast %mul3A_117 : f32 to vector<16xf32>
        %mul3A_119 = arith.mulf %mul3A_118, %add3A_116 : vector<16xf32>
        %exp3A = math.exp %mul3A_119 : vector<16xf32>
        %swap3A = arith.index_cast %mul3A_97 : i32 to index
        %swap3A_120 = tpu.vector_load %arg18[%swap3A] {strides = array<i32>} : memref<2000xf32, #tpu.memory_space<vmem>>, vector<16xf32>,
        tpu.vector_store %arg18[%swap3A], %exp3A {strides = array<i32>} : memref<2000xf32, #tpu.memory_space<vmem>>, vector<16xf32>,
        %get3A_121 = arith.index_cast %mul3A_97 : i32 to index
        %get3A_122 = tpu.vector_load %arg10[%get3A_121] {strides = array<i32>} : memref<2000xi32, #tpu.memory_space<vmem>>, vector<16xi32>,
        %get3A_123 = arith.index_cast %mul3A_97 : i32 to index
        %get3A_124 = tpu.vector_load %arg11[%get3A_123] {strides = array<i32>} : memref<2000xi32, #tpu.memory_space<vmem>>, vector<16xi32>,
        %shift_left3A = arith.constant 16 : i32
        %shift_left3A_125 = vector.broadcast %shift_left3A : i32 to vector<16xi32>
        %shift_left3A_126 = arith.shli %get3A_124, %shift_left3A_125 : vector<16xi32>
        %or3A = arith.ori %get3A_122, %shift_left3A_126 : vector<16xi32>
        %bitcast3A = vector.bitcast %or3A : vector<16xi32> to vector<16xf32>
        %swap3A_127 = arith.index_cast %mul3A_97 : i32 to index
        %swap3A_128 = tpu.vector_load %arg19[%swap3A_127] {strides = array<i32>} : memref<2000xf32, #tpu.memory_space<vmem>>, vector<16xf32>,
        tpu.vector_store %arg19[%swap3A_127], %bitcast3A {strides = array<i32>} : memref<2000xf32, #tpu.memory_space<vmem>>, vector<16xf32>,
        %scan3A_129 = arith.constant 0 : i32
        scf.yield %scan3A_129 : i32
      }
      %scan3A_92 = arith.constant 125 : i32
      "tpu.region"() ({
        %run_scoped3A = tpu.sem_alloc : memref<!tpu.dma_semaphore, #tpu.memory_space<semaphore_mem>>
        %dma_start3A_94 = tpu.memref_slice %arg7[%mul3A_63] : memref<2000000xf32, #tpu.memory_space<hbm>> -> memref<2000xf32, #tpu.memory_space<hbm>>
        %dma_start3A_95 = tpu.memref_slice %arg7[%mul3A_63] : memref<2000000xf32, #tpu.memory_space<hbm>> -> memref<2000xf32, #tpu.memory_space<hbm>>
        tpu.enqueue_dma source(%arg18 : memref<2000xf32, #tpu.memory_space<vmem>>) target(%dma_start3A_95 : memref<2000xf32, #tpu.memory_space<hbm>>) target_semaphore(%run_scoped3A : memref<!tpu.dma_semaphore, #tpu.memory_space<semaphore_mem>>)
        %dma_wait3A_96 = tpu.memref_slice %arg7[%mul3A_63] : memref<2000000xf32, #tpu.memory_space<hbm>> -> memref<2000xf32, #tpu.memory_space<hbm>>
        %dma_wait3A_97 = tpu.memref_slice %arg7[%mul3A_63] : memref<2000000xf32, #tpu.memory_space<hbm>> -> memref<2000xf32, #tpu.memory_space<hbm>>
        tpu.wait_dma2 semaphore(%run_scoped3A : memref<!tpu.dma_semaphore, #tpu.memory_space<semaphore_mem>>) src(%arg18 : memref<2000xf32, #tpu.memory_space<vmem>>) dst(%dma_wait3A_97 : memref<2000xf32, #tpu.memory_space<hbm>>)
        tpu.yield
      }) : () -> ()
      "tpu.region"() ({
        %run_scoped3A = tpu.sem_alloc : memref<!tpu.dma_semaphore, #tpu.memory_space<semaphore_mem>>
        %dma_start3A_94 = tpu.memref_slice %arg8[%mul3A_63] : memref<2000000xf32, #tpu.memory_space<hbm>> -> memref<2000xf32, #tpu.memory_space<hbm>>
        %dma_start3A_95 = tpu.memref_slice %arg8[%mul3A_63] : memref<2000000xf32, #tpu.memory_space<hbm>> -> memref<2000xf32, #tpu.memory_space<hbm>>
        tpu.enqueue_dma source(%arg19 : memref<2000xf32, #tpu.memory_space<vmem>>) target(%dma_start3A_95 : memref<2000xf32, #tpu.memory_space<hbm>>) target_semaphore(%run_scoped3A : memref<!tpu.dma_semaphore, #tpu.memory_space<semaphore_mem>>)
        %dma_wait3A_96 = tpu.memref_slice %arg8[%mul3A_63] : memref<2000000xf32, #tpu.memory_space<hbm>> -> memref<2000xf32, #tpu.memory_space<hbm>>
        %dma_wait3A_97 = tpu.memref_slice %arg8[%mul3A_63] : memref<2000000xf32, #tpu.memory_space<hbm>> -> memref<2000xf32, #tpu.memory_space<hbm>>
        tpu.wait_dma2 semaphore(%run_scoped3A : memref<!tpu.dma_semaphore, #tpu.memory_space<semaphore_mem>>) src(%arg19 : memref<2000xf32, #tpu.memory_space<vmem>>) dst(%dma_wait3A_97 : memref<2000xf32, #tpu.memory_space<hbm>>)
        tpu.yield
      }) : () -> ()
      "tpu.region"() ({
        %run_scoped3A = tpu.sem_alloc : memref<!tpu.dma_semaphore, #tpu.memory_space<semaphore_mem>>
        %dma_start3A_94 = arith.constant 0 : i32
        %dma_start3A_95 = tpu.memref_slice %arg22[%dma_start3A_94] : memref<50176xf32, #tpu.memory_space<vmem_shared>> -> memref<50176xf32, #tpu.memory_space<vmem_shared>>
        tpu.enqueue_indirect_dma source(%arg20 : memref<2000xf32, #tpu.memory_space<vmem>>) target(%dma_start3A_95 : memref<50176xf32, #tpu.memory_space<vmem_shared>>) offsets(%arg11 : memref<2000xi32, #tpu.memory_space<vmem>>) semaphore(%run_scoped3A : memref<!tpu.dma_semaphore, #tpu.memory_space<semaphore_mem>>) {add = true}
        %dma_wait3A_96 = arith.constant 0 : i32
        %dma_wait3A_97 = tpu.memref_slice %arg22[%dma_wait3A_96] : memref<50176xf32, #tpu.memory_space<vmem_shared>> -> memref<50176xf32, #tpu.memory_space<vmem_shared>>
        tpu.wait_indirect_dma semaphore(%run_scoped3A : memref<!tpu.dma_semaphore, #tpu.memory_space<semaphore_mem>>) src(%arg20 : memref<2000xf32, #tpu.memory_space<vmem>>) dst(%dma_wait3A_97 : memref<50176xf32, #tpu.memory_space<vmem_shared>>)
        tpu.yield
      }) : () -> ()
      %while3A_93 = arith.constant 0 : i32
      scf.yield %while3A_93 : i32
    }
    %barrier3A_49 = arith.constant 0 : index
    tpu.barrier barrier_id(%barrier3A_49)
    %mul3A_50 = arith.constant 3136 : i32
    %mul3A_51 = arith.muli %arg1, %mul3A_50 : i32
    "tpu.region"() ({
      %run_scoped3A = tpu.sem_alloc : memref<!tpu.dma_semaphore, #tpu.memory_space<semaphore_mem>>
      %dma_start3A = tpu.memref_slice %arg22[%mul3A_51] : memref<50176xf32, #tpu.memory_space<vmem_shared>> -> memref<3136xf32, #tpu.memory_space<vmem_shared>>
      %dma_start3A_57 = tpu.memref_slice %arg22[%mul3A_51] : memref<50176xf32, #tpu.memory_space<vmem_shared>> -> memref<3136xf32, #tpu.memory_space<vmem_shared>>
      tpu.enqueue_dma source(%dma_start3A_57 : memref<3136xf32, #tpu.memory_space<vmem_shared>>) target(%arg21 : memref<3136xf32, #tpu.memory_space<vmem>>) target_semaphore(%run_scoped3A : memref<!tpu.dma_semaphore, #tpu.memory_space<semaphore_mem>>)
      %dma_wait3A = tpu.memref_slice %arg22[%mul3A_51] : memref<50176xf32, #tpu.memory_space<vmem_shared>> -> memref<3136xf32, #tpu.memory_space<vmem_shared>>
      %dma_wait3A_58 = tpu.memref_slice %arg22[%mul3A_51] : memref<50176xf32, #tpu.memory_space<vmem_shared>> -> memref<3136xf32, #tpu.memory_space<vmem_shared>>
      tpu.wait_dma2 semaphore(%run_scoped3A : memref<!tpu.dma_semaphore, #tpu.memory_space<semaphore_mem>>) src(%dma_wait3A_58 : memref<3136xf32, #tpu.memory_space<vmem_shared>>) dst(%arg21 : memref<3136xf32, #tpu.memory_space<vmem>>)
      tpu.yield
    }) : () -> ()
    %mul3A_52 = arith.constant 50176 : i32
    %mul3A_53 = arith.muli %arg0, %mul3A_52 : i32
    %mul3A_54 = arith.constant 3136 : i32
    %mul3A_55 = arith.muli %arg1, %mul3A_54 : i32
    %add3A_56 = arith.addi %mul3A_53, %mul3A_55 : i32
    "tpu.region"() ({
      %run_scoped3A = tpu.sem_alloc : memref<!tpu.dma_semaphore, #tpu.memory_space<semaphore_mem>>
      %dma_start3A = tpu.memref_slice %arg9[%add3A_56] : memref<100352xf32, #tpu.memory_space<hbm>> -> memref<3136xf32, #tpu.memory_space<hbm>>
      %dma_start3A_57 = tpu.memref_slice %arg9[%add3A_56] : memref<100352xf32, #tpu.memory_space<hbm>> -> memref<3136xf32, #tpu.memory_space<hbm>>
      tpu.enqueue_dma source(%arg21 : memref<3136xf32, #tpu.memory_space<vmem>>) target(%dma_start3A_57 : memref<3136xf32, #tpu.memory_space<hbm>>) target_semaphore(%run_scoped3A : memref<!tpu.dma_semaphore, #tpu.memory_space<semaphore_mem>>)
      %dma_wait3A = tpu.memref_slice %arg9[%add3A_56] : memref<100352xf32, #tpu.memory_space<hbm>> -> memref<3136xf32, #tpu.memory_space<hbm>>
      %dma_wait3A_58 = tpu.memref_slice %arg9[%add3A_56] : memref<100352xf32, #tpu.memory_space<hbm>> -> memref<3136xf32, #tpu.memory_space<hbm>>
      tpu.wait_dma2 semaphore(%run_scoped3A : memref<!tpu.dma_semaphore, #tpu.memory_space<semaphore_mem>>) src(%arg21 : memref<3136xf32, #tpu.memory_space<vmem>>) dst(%dma_wait3A_58 : memref<3136xf32, #tpu.memory_space<hbm>>)
      tpu.yield
    }) : () -> ()
    return
  }
}

module attributes {stable_mosaic.version = 14 : i64} {
  func.func @_tc1_body(%arg0: i32, %arg1: memref<1000x128xf32, #tpu.memory_space<vmem>>, %arg2: memref<128x32xf32, #tpu.memory_space<vmem>>, %arg3: memref<1x32xf32, #tpu.memory_space<vmem>>, %arg4: memref<32x32xf32, #tpu.memory_space<vmem>>, %arg5: memref<1x32xf32, #tpu.memory_space<vmem>>, %arg6: memref<1000x32xf32, #tpu.memory_space<vmem>>, %arg7: memref<1x32xf32, #tpu.memory_space<vmem>>, %arg8: memref<1x32xf32, #tpu.memory_space<vmem>>) attributes {dimension_semantics = [#tpu.dimension_semantics<arbitrary>], iteration_bounds = array<i64: 50>, scalar_prefetch = 0 : i64, scratch_operands = 0 : i64, tpu.core_type = #tpu.core_type<tc>, window_params = [{transform_indices = @transform_0, window_bounds = array<i64: 1000, 128>}, {pipeline_mode = #tpu.pipeline_mode<synchronous>, transform_indices = @transform_1, window_bounds = array<i64: 128, 32>}, {pipeline_mode = #tpu.pipeline_mode<synchronous>, transform_indices = @transform_2, window_bounds = array<i64: 1, 32>}, {pipeline_mode = #tpu.pipeline_mode<synchronous>, transform_indices = @transform_3, window_bounds = array<i64: 32, 32>}, {pipeline_mode = #tpu.pipeline_mode<synchronous>, transform_indices = @transform_4, window_bounds = array<i64: 1, 32>}, {transform_indices = @transform_5, window_bounds = array<i64: 1000, 32>}, {pipeline_mode = #tpu.pipeline_mode<synchronous>, transform_indices = @transform_6, window_bounds = array<i64: 1, 32>}, {pipeline_mode = #tpu.pipeline_mode<synchronous>, transform_indices = @transform_7, window_bounds = array<i64: 1, 32>}]} {
    %get3A = arith.constant 0 : index
    %get3A_0 = arith.constant 0 : index
    %get3A_1 = vector.load %arg1[%get3A, %get3A_0] : memref<1000x128xf32, #tpu.memory_space<vmem>>, vector<1000x128xf32>
    %get3A_2 = arith.constant 0 : index
    %get3A_3 = arith.constant 0 : index
    %get3A_4 = vector.load %arg2[%get3A_2, %get3A_3] : memref<128x32xf32, #tpu.memory_space<vmem>>, vector<128x32xf32>
    %dot_general3A = arith.constant dense<0.000000e+00> : vector<1000x32xf32>
    %dot_general3A_5 = tpu.matmul %get3A_1, %get3A_4, %dot_general3A {dimension_numbers = #tpu.dot_dimension_numbers<[1], [0], [0], [1], [0, 0, 1, 1], [], []>, transpose_lhs_hint = false} : vector<1000x128xf32>, vector<128x32xf32>, vector<1000x32xf32> -> vector<1000x32xf32>
    %get3A_6 = arith.constant 0 : index
    %get3A_7 = arith.constant 0 : index
    %get3A_8 = vector.load %arg3[%get3A_6, %get3A_7] : memref<1x32xf32, #tpu.memory_space<vmem>>, vector<1x32xf32>
    %add3A = vector.broadcast %get3A_8 : vector<1x32xf32> to vector<1000x32xf32>
    %add3A_9 = arith.addf %dot_general3A_5, %add3A : vector<1000x32xf32>
    %gt3A = arith.constant 0.000000e+00 : f32
    %gt3A_10 = vector.broadcast %gt3A : f32 to vector<1000x32xf32>
    %gt3A_11 = arith.cmpf ogt, %add3A_9, %gt3A_10 : vector<1000x32xf32>
    %exp3A = math.exp %add3A_9 : vector<1000x32xf32>
    %sub3A = arith.constant 1.000000e+00 : f32
    %sub3A_12 = vector.broadcast %sub3A : f32 to vector<1000x32xf32>
    %sub3A_13 = arith.subf %exp3A, %sub3A_12 : vector<1000x32xf32>
    %select_n3A = arith.select %gt3A_11, %add3A_9, %sub3A_13 : vector<1000x32xi1>, vector<1000x32xf32>
    %get3A_14 = arith.constant 0 : index
    %get3A_15 = arith.constant 0 : index
    %get3A_16 = vector.load %arg4[%get3A_14, %get3A_15] : memref<32x32xf32, #tpu.memory_space<vmem>>, vector<32x32xf32>
    %dot_general3A_17 = arith.constant dense<0.000000e+00> : vector<1000x32xf32>
    %dot_general3A_18 = tpu.matmul %select_n3A, %get3A_16, %dot_general3A_17 {dimension_numbers = #tpu.dot_dimension_numbers<[1], [0], [0], [1], [0, 0, 1, 1], [], []>, transpose_lhs_hint = false} : vector<1000x32xf32>, vector<32x32xf32>, vector<1000x32xf32> -> vector<1000x32xf32>
    %get3A_19 = arith.constant 0 : index
    %get3A_20 = arith.constant 0 : index
    %get3A_21 = vector.load %arg5[%get3A_19, %get3A_20] : memref<1x32xf32, #tpu.memory_space<vmem>>, vector<1x32xf32>
    %add3A_22 = vector.broadcast %get3A_21 : vector<1x32xf32> to vector<1000x32xf32>
    %add3A_23 = arith.addf %dot_general3A_18, %add3A_22 : vector<1000x32xf32>
    %gt3A_24 = arith.constant 0.000000e+00 : f32
    %gt3A_25 = vector.broadcast %gt3A_24 : f32 to vector<1000x32xf32>
    %gt3A_26 = arith.cmpf ogt, %add3A_23, %gt3A_25 : vector<1000x32xf32>
    %exp3A_27 = math.exp %add3A_23 : vector<1000x32xf32>
    %sub3A_28 = arith.constant 1.000000e+00 : f32
    %sub3A_29 = vector.broadcast %sub3A_28 : f32 to vector<1000x32xf32>
    %sub3A_30 = arith.subf %exp3A_27, %sub3A_29 : vector<1000x32xf32>
    %select_n3A_31 = arith.select %gt3A_26, %add3A_23, %sub3A_30 : vector<1000x32xi1>, vector<1000x32xf32>
    %swap3A = arith.constant 0 : index
    %swap3A_32 = arith.constant 0 : index
    %swap3A_33 = vector.load %arg6[%swap3A, %swap3A_32] : memref<1000x32xf32, #tpu.memory_space<vmem>>, vector<1000x32xf32>
    tpu.vector_store %arg6[%swap3A, %swap3A_32], %select_n3A_31 {strides = array<i32>} : memref<1000x32xf32, #tpu.memory_space<vmem>>, vector<1000x32xf32>,
    %reduce_sum3A = arith.constant dense<0.000000e+00> : vector<32xf32>
    %reduce_sum3A_34 = vector.multi_reduction <add>, %select_n3A_31, %reduce_sum3A [0] : vector<1000x32xf32> to vector<32xf32>
    %broadcast_in_dim3A = vector.shape_cast %reduce_sum3A_34 : vector<32xf32> to vector<1x32xf32>
    %mul3A = arith.mulf %select_n3A_31, %select_n3A_31 : vector<1000x32xf32>
    %reduce_sum3A_35 = arith.constant dense<0.000000e+00> : vector<32xf32>
    %reduce_sum3A_36 = vector.multi_reduction <add>, %mul3A, %reduce_sum3A_35 [0] : vector<1000x32xf32> to vector<32xf32>
    %broadcast_in_dim3A_37 = vector.shape_cast %reduce_sum3A_36 : vector<32xf32> to vector<1x32xf32>
    %eq3A = arith.constant 0 : i32
    %eq3A_38 = arith.cmpi eq, %arg0, %eq3A : i32
    %convert_element_type3A = arith.extui %eq3A_38 : i1 to i32
    %cond3A = arith.constant 0 : i32
    %cond3A_39 = arith.cmpi ne, %convert_element_type3A, %cond3A : i32
    scf.if %cond3A_39 {
      %swap3A_44 = arith.constant 0 : index
      %swap3A_45 = arith.constant 0 : index
      %swap3A_46 = vector.load %arg7[%swap3A_44, %swap3A_45] : memref<1x32xf32, #tpu.memory_space<vmem>>, vector<1x32xf32>
      tpu.vector_store %arg7[%swap3A_44, %swap3A_45], %broadcast_in_dim3A {strides = array<i32>} : memref<1x32xf32, #tpu.memory_space<vmem>>, vector<1x32xf32>,
      %swap3A_47 = arith.constant 0 : index
      %swap3A_48 = arith.constant 0 : index
      %swap3A_49 = vector.load %arg8[%swap3A_47, %swap3A_48] : memref<1x32xf32, #tpu.memory_space<vmem>>, vector<1x32xf32>
      tpu.vector_store %arg8[%swap3A_47, %swap3A_48], %broadcast_in_dim3A_37 {strides = array<i32>} : memref<1x32xf32, #tpu.memory_space<vmem>>, vector<1x32xf32>,
    } else {
    }
    %ne3A = arith.constant 0 : i32
    %ne3A_40 = arith.cmpi ne, %arg0, %ne3A : i32
    %convert_element_type3A_41 = arith.extui %ne3A_40 : i1 to i32
    %cond3A_42 = arith.constant 0 : i32
    %cond3A_43 = arith.cmpi ne, %convert_element_type3A_41, %cond3A_42 : i32
    scf.if %cond3A_43 {
      %get3A_44 = arith.constant 0 : index
      %get3A_45 = arith.constant 0 : index
      %get3A_46 = vector.load %arg7[%get3A_44, %get3A_45] : memref<1x32xf32, #tpu.memory_space<vmem>>, vector<1x32xf32>
      %add3A_47 = arith.addf %get3A_46, %broadcast_in_dim3A : vector<1x32xf32>
      %swap3A_48 = arith.constant 0 : index
      %swap3A_49 = arith.constant 0 : index
      %swap3A_50 = vector.load %arg7[%swap3A_48, %swap3A_49] : memref<1x32xf32, #tpu.memory_space<vmem>>, vector<1x32xf32>
      tpu.vector_store %arg7[%swap3A_48, %swap3A_49], %add3A_47 {strides = array<i32>} : memref<1x32xf32, #tpu.memory_space<vmem>>, vector<1x32xf32>,
      %get3A_51 = arith.constant 0 : index
      %get3A_52 = arith.constant 0 : index
      %get3A_53 = vector.load %arg8[%get3A_51, %get3A_52] : memref<1x32xf32, #tpu.memory_space<vmem>>, vector<1x32xf32>
      %add3A_54 = arith.addf %get3A_53, %broadcast_in_dim3A_37 : vector<1x32xf32>
      %swap3A_55 = arith.constant 0 : index
      %swap3A_56 = arith.constant 0 : index
      %swap3A_57 = vector.load %arg8[%swap3A_55, %swap3A_56] : memref<1x32xf32, #tpu.memory_space<vmem>>, vector<1x32xf32>
      tpu.vector_store %arg8[%swap3A_55, %swap3A_56], %add3A_54 {strides = array<i32>} : memref<1x32xf32, #tpu.memory_space<vmem>>, vector<1x32xf32>,
    } else {
    }
    return
  }
  func.func @transform_0(%arg0: i32) -> (i32, i32) {
    %c0_i32 = arith.constant 0 : i32
    %c0_i32_0 = arith.constant 0 : i32
    return %arg0, %c0_i32 : i32, i32
  }
  func.func @transform_1(%arg0: i32) -> (i32, i32) {
    %c0_i32 = arith.constant 0 : i32
    %c0_i32_0 = arith.constant 0 : i32
    %c0_i32_1 = arith.constant 0 : i32
    return %c0_i32, %c0_i32_0 : i32, i32
  }
  func.func @transform_2(%arg0: i32) -> (i32, i32) {
    %c0_i32 = arith.constant 0 : i32
    %c0_i32_0 = arith.constant 0 : i32
    %c0_i32_1 = arith.constant 0 : i32
    return %c0_i32, %c0_i32_0 : i32, i32
  }
  func.func @transform_3(%arg0: i32) -> (i32, i32) {
    %c0_i32 = arith.constant 0 : i32
    %c0_i32_0 = arith.constant 0 : i32
    %c0_i32_1 = arith.constant 0 : i32
    return %c0_i32, %c0_i32_0 : i32, i32
  }
  func.func @transform_4(%arg0: i32) -> (i32, i32) {
    %c0_i32 = arith.constant 0 : i32
    %c0_i32_0 = arith.constant 0 : i32
    %c0_i32_1 = arith.constant 0 : i32
    return %c0_i32, %c0_i32_0 : i32, i32
  }
  func.func @transform_5(%arg0: i32) -> (i32, i32) {
    %c0_i32 = arith.constant 0 : i32
    %c0_i32_0 = arith.constant 0 : i32
    return %arg0, %c0_i32 : i32, i32
  }
  func.func @transform_6(%arg0: i32) -> (i32, i32) {
    %c0_i32 = arith.constant 0 : i32
    %c0_i32_0 = arith.constant 0 : i32
    %c0_i32_1 = arith.constant 0 : i32
    return %c0_i32, %c0_i32_0 : i32, i32
  }
  func.func @transform_7(%arg0: i32) -> (i32, i32) {
    %c0_i32 = arith.constant 0 : i32
    %c0_i32_0 = arith.constant 0 : i32
    %c0_i32_1 = arith.constant 0 : i32
    return %c0_i32, %c0_i32_0 : i32, i32
  }
}

module attributes {stable_mosaic.version = 14 : i64} {
  func.func @_tc2_body(%arg0: i32, %arg1: memref<128x32xf32, #tpu.memory_space<vmem>>, %arg2: memref<1x32xf32, #tpu.memory_space<vmem>>, %arg3: memref<1x32xf32, #tpu.memory_space<vmem>>, %arg4: memref<1x32xf32, #tpu.memory_space<vmem>>, %arg5: memref<1x32xf32, #tpu.memory_space<vmem>>, %arg6: memref<32x8xf32, #tpu.memory_space<vmem>>, %arg7: memref<1x8xf32, #tpu.memory_space<vmem>>, %arg8: memref<32x32xf32, #tpu.memory_space<vmem>>, %arg9: memref<1x32xf32, #tpu.memory_space<vmem>>, %arg10: memref<128x32xf32, #tpu.memory_space<vmem>>, %arg11: memref<128x8xf32, #tpu.memory_space<vmem>>, %arg12: memref<32x128xf32, #tpu.memory_space<vmem>>, %arg13: memref<8x128xf32, #tpu.memory_space<vmem>>) attributes {dimension_semantics = [#tpu.dimension_semantics<arbitrary>], iteration_bounds = array<i64: 392>, scalar_prefetch = 0 : i64, scratch_operands = 0 : i64, tpu.core_type = #tpu.core_type<tc>, window_params = [{transform_indices = @transform_0, window_bounds = array<i64: 128, 32>}, {pipeline_mode = #tpu.pipeline_mode<synchronous>, transform_indices = @transform_1, window_bounds = array<i64: 1, 32>}, {pipeline_mode = #tpu.pipeline_mode<synchronous>, transform_indices = @transform_2, window_bounds = array<i64: 1, 32>}, {pipeline_mode = #tpu.pipeline_mode<synchronous>, transform_indices = @transform_3, window_bounds = array<i64: 1, 32>}, {pipeline_mode = #tpu.pipeline_mode<synchronous>, transform_indices = @transform_4, window_bounds = array<i64: 1, 32>}, {pipeline_mode = #tpu.pipeline_mode<synchronous>, transform_indices = @transform_5, window_bounds = array<i64: 32, 8>}, {pipeline_mode = #tpu.pipeline_mode<synchronous>, transform_indices = @transform_6, window_bounds = array<i64: 1, 8>}, {pipeline_mode = #tpu.pipeline_mode<synchronous>, transform_indices = @transform_7, window_bounds = array<i64: 32, 32>}, {pipeline_mode = #tpu.pipeline_mode<synchronous>, transform_indices = @transform_8, window_bounds = array<i64: 1, 32>}, {transform_indices = @transform_9, window_bounds = array<i64: 128, 32>}, {transform_indices = @transform_10, window_bounds = array<i64: 128, 8>}, {transform_indices = @transform_11, window_bounds = array<i64: 32, 128>}, {transform_indices = @transform_12, window_bounds = array<i64: 8, 128>}]} {
    %get3A = arith.constant 0 : index
    %get3A_0 = arith.constant 0 : index
    %get3A_1 = vector.load %arg2[%get3A, %get3A_0] : memref<1x32xf32, #tpu.memory_space<vmem>>, vector<1x32xf32>
    %div3A = arith.constant 5.000000e+04 : f32
    %div3A_2 = vector.broadcast %div3A : f32 to vector<1x32xf32>
    %div3A_3 = arith.divf %get3A_1, %div3A_2 : vector<1x32xf32>
    %get3A_4 = arith.constant 0 : index
    %get3A_5 = arith.constant 0 : index
    %get3A_6 = vector.load %arg3[%get3A_4, %get3A_5] : memref<1x32xf32, #tpu.memory_space<vmem>>, vector<1x32xf32>
    %div3A_7 = arith.constant 5.000000e+04 : f32
    %div3A_8 = vector.broadcast %div3A_7 : f32 to vector<1x32xf32>
    %div3A_9 = arith.divf %get3A_6, %div3A_8 : vector<1x32xf32>
    %mul3A = arith.mulf %div3A_3, %div3A_3 : vector<1x32xf32>
    %sub3A = arith.subf %div3A_9, %mul3A : vector<1x32xf32>
    %add3A = arith.constant 9.99999974E-6 : f32
    %add3A_10 = vector.broadcast %add3A : f32 to vector<1x32xf32>
    %add3A_11 = arith.addf %sub3A, %add3A_10 : vector<1x32xf32>
    %rsqrt3A = math.rsqrt %add3A_11 : vector<1x32xf32>
    %get3A_12 = arith.constant 0 : index
    %get3A_13 = arith.constant 0 : index
    %get3A_14 = vector.load %arg1[%get3A_12, %get3A_13] : memref<128x32xf32, #tpu.memory_space<vmem>>, vector<128x32xf32>
    %sub3A_15 = vector.broadcast %div3A_3 : vector<1x32xf32> to vector<128x32xf32>
    %sub3A_16 = arith.subf %get3A_14, %sub3A_15 : vector<128x32xf32>
    %mul3A_17 = vector.broadcast %rsqrt3A : vector<1x32xf32> to vector<128x32xf32>
    %mul3A_18 = arith.mulf %sub3A_16, %mul3A_17 : vector<128x32xf32>
    %get3A_19 = arith.constant 0 : index
    %get3A_20 = arith.constant 0 : index
    %get3A_21 = vector.load %arg4[%get3A_19, %get3A_20] : memref<1x32xf32, #tpu.memory_space<vmem>>, vector<1x32xf32>
    %mul3A_22 = vector.broadcast %get3A_21 : vector<1x32xf32> to vector<128x32xf32>
    %mul3A_23 = arith.mulf %mul3A_18, %mul3A_22 : vector<128x32xf32>
    %get3A_24 = arith.constant 0 : index
    %get3A_25 = arith.constant 0 : index
    %get3A_26 = vector.load %arg5[%get3A_24, %get3A_25] : memref<1x32xf32, #tpu.memory_space<vmem>>, vector<1x32xf32>
    %add3A_27 = vector.broadcast %get3A_26 : vector<1x32xf32> to vector<128x32xf32>
    %add3A_28 = arith.addf %mul3A_23, %add3A_27 : vector<128x32xf32>
    %swap3A = arith.constant 0 : index
    %swap3A_29 = arith.constant 0 : index
    %swap3A_30 = vector.load %arg10[%swap3A, %swap3A_29] : memref<128x32xf32, #tpu.memory_space<vmem>>, vector<128x32xf32>
    tpu.vector_store %arg10[%swap3A, %swap3A_29], %add3A_28 {strides = array<i32>} : memref<128x32xf32, #tpu.memory_space<vmem>>, vector<128x32xf32>,
    %get3A_31 = arith.constant 0 : index
    %get3A_32 = arith.constant 0 : index
    %get3A_33 = vector.load %arg6[%get3A_31, %get3A_32] : memref<32x8xf32, #tpu.memory_space<vmem>>, vector<32x8xf32>
    %dot_general3A = arith.constant dense<0.000000e+00> : vector<128x8xf32>
    %dot_general3A_34 = tpu.matmul %add3A_28, %get3A_33, %dot_general3A {dimension_numbers = #tpu.dot_dimension_numbers<[1], [0], [0], [1], [0, 0, 1, 1], [], []>, transpose_lhs_hint = false} : vector<128x32xf32>, vector<32x8xf32>, vector<128x8xf32> -> vector<128x8xf32>
    %get3A_35 = arith.constant 0 : index
    %get3A_36 = arith.constant 0 : index
    %get3A_37 = vector.load %arg7[%get3A_35, %get3A_36] : memref<1x8xf32, #tpu.memory_space<vmem>>, vector<1x8xf32>
    %add3A_38 = vector.broadcast %get3A_37 : vector<1x8xf32> to vector<128x8xf32>
    %add3A_39 = arith.addf %dot_general3A_34, %add3A_38 : vector<128x8xf32>
    %swap3A_40 = arith.constant 0 : index
    %swap3A_41 = arith.constant 0 : index
    %swap3A_42 = vector.load %arg11[%swap3A_40, %swap3A_41] : memref<128x8xf32, #tpu.memory_space<vmem>>, vector<128x8xf32>
    tpu.vector_store %arg11[%swap3A_40, %swap3A_41], %add3A_39 {strides = array<i32>} : memref<128x8xf32, #tpu.memory_space<vmem>>, vector<128x8xf32>,
    %get3A_43 = arith.constant 0 : index
    %get3A_44 = arith.constant 0 : index
    %get3A_45 = vector.load %arg8[%get3A_43, %get3A_44] : memref<32x32xf32, #tpu.memory_space<vmem>>, vector<32x32xf32>
    %dot_general3A_46 = arith.constant dense<0.000000e+00> : vector<128x32xf32>
    %dot_general3A_47 = tpu.matmul %add3A_28, %get3A_45, %dot_general3A_46 {dimension_numbers = #tpu.dot_dimension_numbers<[1], [0], [0], [1], [0, 0, 1, 1], [], []>, transpose_lhs_hint = false} : vector<128x32xf32>, vector<32x32xf32>, vector<128x32xf32> -> vector<128x32xf32>
    %get3A_48 = arith.constant 0 : index
    %get3A_49 = arith.constant 0 : index
    %get3A_50 = vector.load %arg9[%get3A_48, %get3A_49] : memref<1x32xf32, #tpu.memory_space<vmem>>, vector<1x32xf32>
    %add3A_51 = vector.broadcast %get3A_50 : vector<1x32xf32> to vector<128x32xf32>
    %add3A_52 = arith.addf %dot_general3A_47, %add3A_51 : vector<128x32xf32>
    %transpose3A = tpu.transpose %add3A_52, [1, 0] : vector<128x32xf32> -> vector<32x128xf32>
    %swap3A_53 = arith.constant 0 : index
    %swap3A_54 = arith.constant 0 : index
    %swap3A_55 = vector.load %arg12[%swap3A_53, %swap3A_54] : memref<32x128xf32, #tpu.memory_space<vmem>>, vector<32x128xf32>
    tpu.vector_store %arg12[%swap3A_53, %swap3A_54], %transpose3A {strides = array<i32>} : memref<32x128xf32, #tpu.memory_space<vmem>>, vector<32x128xf32>,
    %transpose3A_56 = tpu.transpose %add3A_39, [1, 0] : vector<128x8xf32> -> vector<8x128xf32>
    %swap3A_57 = arith.constant 0 : index
    %swap3A_58 = arith.constant 0 : index
    %swap3A_59 = vector.load %arg13[%swap3A_57, %swap3A_58] : memref<8x128xf32, #tpu.memory_space<vmem>>, vector<8x128xf32>
    tpu.vector_store %arg13[%swap3A_57, %swap3A_58], %transpose3A_56 {strides = array<i32>} : memref<8x128xf32, #tpu.memory_space<vmem>>, vector<8x128xf32>,
    return
  }
  func.func @transform_0(%arg0: i32) -> (i32, i32) {
    %c0_i32 = arith.constant 0 : i32
    %c0_i32_0 = arith.constant 0 : i32
    return %arg0, %c0_i32 : i32, i32
  }
  func.func @transform_1(%arg0: i32) -> (i32, i32) {
    %c0_i32 = arith.constant 0 : i32
    %c0_i32_0 = arith.constant 0 : i32
    %c0_i32_1 = arith.constant 0 : i32
    return %c0_i32, %c0_i32_0 : i32, i32
  }
  func.func @transform_2(%arg0: i32) -> (i32, i32) {
    %c0_i32 = arith.constant 0 : i32
    %c0_i32_0 = arith.constant 0 : i32
    %c0_i32_1 = arith.constant 0 : i32
    return %c0_i32, %c0_i32_0 : i32, i32
  }
  func.func @transform_3(%arg0: i32) -> (i32, i32) {
    %c0_i32 = arith.constant 0 : i32
    %c0_i32_0 = arith.constant 0 : i32
    %c0_i32_1 = arith.constant 0 : i32
    return %c0_i32, %c0_i32_0 : i32, i32
  }
  func.func @transform_4(%arg0: i32) -> (i32, i32) {
    %c0_i32 = arith.constant 0 : i32
    %c0_i32_0 = arith.constant 0 : i32
    %c0_i32_1 = arith.constant 0 : i32
    return %c0_i32, %c0_i32_0 : i32, i32
  }
  func.func @transform_5(%arg0: i32) -> (i32, i32) {
    %c0_i32 = arith.constant 0 : i32
    %c0_i32_0 = arith.constant 0 : i32
    %c0_i32_1 = arith.constant 0 : i32
    return %c0_i32, %c0_i32_0 : i32, i32
  }
  func.func @transform_6(%arg0: i32) -> (i32, i32) {
    %c0_i32 = arith.constant 0 : i32
    %c0_i32_0 = arith.constant 0 : i32
    %c0_i32_1 = arith.constant 0 : i32
    return %c0_i32, %c0_i32_0 : i32, i32
  }
  func.func @transform_7(%arg0: i32) -> (i32, i32) {
    %c0_i32 = arith.constant 0 : i32
    %c0_i32_0 = arith.constant 0 : i32
    %c0_i32_1 = arith.constant 0 : i32
    return %c0_i32, %c0_i32_0 : i32, i32
  }
  func.func @transform_8(%arg0: i32) -> (i32, i32) {
    %c0_i32 = arith.constant 0 : i32
    %c0_i32_0 = arith.constant 0 : i32
    %c0_i32_1 = arith.constant 0 : i32
    return %c0_i32, %c0_i32_0 : i32, i32
  }
  func.func @transform_9(%arg0: i32) -> (i32, i32) {
    %c0_i32 = arith.constant 0 : i32
    %c0_i32_0 = arith.constant 0 : i32
    return %arg0, %c0_i32 : i32, i32
  }
  func.func @transform_10(%arg0: i32) -> (i32, i32) {
    %c0_i32 = arith.constant 0 : i32
    %c0_i32_0 = arith.constant 0 : i32
    return %arg0, %c0_i32 : i32, i32
  }
  func.func @transform_11(%arg0: i32) -> (i32, i32) {
    %c0_i32 = arith.constant 0 : i32
    %c0_i32_0 = arith.constant 0 : i32
    return %c0_i32, %arg0 : i32, i32
  }
  func.func @transform_12(%arg0: i32) -> (i32, i32) {
    %c0_i32 = arith.constant 0 : i32
    %c0_i32_0 = arith.constant 0 : i32
    return %c0_i32, %arg0 : i32, i32
  }
}

module attributes {stable_mosaic.version = 14 : i64} {
  func.func @_tcT_body2(%arg0: i32, %arg1: memref<32x128xf32, #tpu.memory_space<vmem>>, %arg2: memref<32x128xf32, #tpu.memory_space<vmem>>, %arg3: memref<128x32xf32, #tpu.memory_space<vmem>>, %arg4: memref<128x32xf32, #tpu.memory_space<vmem>>) attributes {dimension_semantics = [#tpu.dimension_semantics<arbitrary>], iteration_bounds = array<i64: 392>, scalar_prefetch = 0 : i64, scratch_operands = 0 : i64, tpu.core_type = #tpu.core_type<tc>, window_params = [{transform_indices = @transform_0, window_bounds = array<i64: 32, 128>}, {transform_indices = @transform_1, window_bounds = array<i64: 32, 128>}, {transform_indices = @transform_2, window_bounds = array<i64: 128, 32>}, {transform_indices = @transform_3, window_bounds = array<i64: 128, 32>}]} {
    %get3A = arith.constant 0 : index
    %get3A_0 = arith.constant 0 : index
    %get3A_1 = vector.load %arg1[%get3A, %get3A_0] : memref<32x128xf32, #tpu.memory_space<vmem>>, vector<32x128xf32>
    %transpose3A = tpu.transpose %get3A_1, [1, 0] : vector<32x128xf32> -> vector<128x32xf32>
    %swap3A = arith.constant 0 : index
    %swap3A_2 = arith.constant 0 : index
    %swap3A_3 = vector.load %arg3[%swap3A, %swap3A_2] : memref<128x32xf32, #tpu.memory_space<vmem>>, vector<128x32xf32>
    tpu.vector_store %arg3[%swap3A, %swap3A_2], %transpose3A {strides = array<i32>} : memref<128x32xf32, #tpu.memory_space<vmem>>, vector<128x32xf32>,
    %get3A_4 = arith.constant 0 : index
    %get3A_5 = arith.constant 0 : index
    %get3A_6 = vector.load %arg2[%get3A_4, %get3A_5] : memref<32x128xf32, #tpu.memory_space<vmem>>, vector<32x128xf32>
    %transpose3A_7 = tpu.transpose %get3A_6, [1, 0] : vector<32x128xf32> -> vector<128x32xf32>
    %swap3A_8 = arith.constant 0 : index
    %swap3A_9 = arith.constant 0 : index
    %swap3A_10 = vector.load %arg4[%swap3A_8, %swap3A_9] : memref<128x32xf32, #tpu.memory_space<vmem>>, vector<128x32xf32>
    tpu.vector_store %arg4[%swap3A_8, %swap3A_9], %transpose3A_7 {strides = array<i32>} : memref<128x32xf32, #tpu.memory_space<vmem>>, vector<128x32xf32>,
    return
  }
  func.func @transform_0(%arg0: i32) -> (i32, i32) {
    %c0_i32 = arith.constant 0 : i32
    %c0_i32_0 = arith.constant 0 : i32
    return %c0_i32, %arg0 : i32, i32
  }
  func.func @transform_1(%arg0: i32) -> (i32, i32) {
    %c0_i32 = arith.constant 0 : i32
    %c0_i32_0 = arith.constant 0 : i32
    return %c0_i32, %arg0 : i32, i32
  }
  func.func @transform_2(%arg0: i32) -> (i32, i32) {
    %c0_i32 = arith.constant 0 : i32
    %c0_i32_0 = arith.constant 0 : i32
    return %arg0, %c0_i32 : i32, i32
  }
  func.func @transform_3(%arg0: i32) -> (i32, i32) {
    %c0_i32 = arith.constant 0 : i32
    %c0_i32_0 = arith.constant 0 : i32
    return %arg0, %c0_i32 : i32, i32
  }
}

module attributes {stable_mosaic.version = 14 : i64} {
  func.func @_tc3_body(%arg0: i32, %arg1: memref<1000x32xf32, #tpu.memory_space<vmem>>, %arg2: memref<1000x8xf32, #tpu.memory_space<vmem>>, %arg3: memref<1000x32xf32, #tpu.memory_space<vmem>>, %arg4: memref<1000x1xf32, #tpu.memory_space<vmem>>, %arg5: memref<1000x1xf32, #tpu.memory_space<vmem>>, %arg6: memref<1000x32xf32, #tpu.memory_space<vmem>>, %arg7: memref<32x32xf32, #tpu.memory_space<vmem>>, %arg8: memref<32x32xf32, #tpu.memory_space<vmem>>, %arg9: memref<32x32xf32, #tpu.memory_space<vmem>>, %arg10: memref<1x32xf32, #tpu.memory_space<vmem>>, %arg11: memref<32x32xf32, #tpu.memory_space<vmem>>, %arg12: memref<8x32xf32, #tpu.memory_space<vmem>>, %arg13: memref<32x32xf32, #tpu.memory_space<vmem>>, %arg14: memref<1x32xf32, #tpu.memory_space<vmem>>, %arg15: memref<32x32xf32, #tpu.memory_space<vmem>>, %arg16: memref<1x32xf32, #tpu.memory_space<vmem>>, %arg17: memref<1000x32xf32, #tpu.memory_space<vmem>>, %arg18: memref<1x32xf32, #tpu.memory_space<vmem>>, %arg19: memref<1x32xf32, #tpu.memory_space<vmem>>) attributes {dimension_semantics = [#tpu.dimension_semantics<arbitrary>], iteration_bounds = array<i64: 50>, scalar_prefetch = 0 : i64, scratch_operands = 0 : i64, tpu.core_type = #tpu.core_type<tc>, window_params = [{transform_indices = @transform_0, window_bounds = array<i64: 1000, 32>}, {transform_indices = @transform_1, window_bounds = array<i64: 1000, 8>}, {transform_indices = @transform_2, window_bounds = array<i64: 1000, 32>}, {transform_indices = @transform_3, window_bounds = array<i64: 1000, 1>}, {transform_indices = @transform_4, window_bounds = array<i64: 1000, 1>}, {transform_indices = @transform_5, window_bounds = array<i64: 1000, 32>}, {pipeline_mode = #tpu.pipeline_mode<synchronous>, transform_indices = @transform_6, window_bounds = array<i64: 32, 32>}, {pipeline_mode = #tpu.pipeline_mode<synchronous>, transform_indices = @transform_7, window_bounds = array<i64: 32, 32>}, {pipeline_mode = #tpu.pipeline_mode<synchronous>, transform_indices = @transform_8, window_bounds = array<i64: 32, 32>}, {pipeline_mode = #tpu.pipeline_mode<synchronous>, transform_indices = @transform_9, window_bounds = array<i64: 1, 32>}, {pipeline_mode = #tpu.pipeline_mode<synchronous>, transform_indices = @transform_10, window_bounds = array<i64: 32, 32>}, {pipeline_mode = #tpu.pipeline_mode<synchronous>, transform_indices = @transform_11, window_bounds = array<i64: 8, 32>}, {pipeline_mode = #tpu.pipeline_mode<synchronous>, transform_indices = @transform_12, window_bounds = array<i64: 32, 32>}, {pipeline_mode = #tpu.pipeline_mode<synchronous>, transform_indices = @transform_13, window_bounds = array<i64: 1, 32>}, {pipeline_mode = #tpu.pipeline_mode<synchronous>, transform_indices = @transform_14, window_bounds = array<i64: 32, 32>}, {pipeline_mode = #tpu.pipeline_mode<synchronous>, transform_indices = @transform_15, window_bounds = array<i64: 1, 32>}, {transform_indices = @transform_16, window_bounds = array<i64: 1000, 32>}, {pipeline_mode = #tpu.pipeline_mode<synchronous>, transform_indices = @transform_17, window_bounds = array<i64: 1, 32>}, {pipeline_mode = #tpu.pipeline_mode<synchronous>, transform_indices = @transform_18, window_bounds = array<i64: 1, 32>}]} {
    %get3A = arith.constant 0 : index
    %get3A_0 = arith.constant 0 : index
    %get3A_1 = vector.load %arg4[%get3A, %get3A_0] : memref<1000x1xf32, #tpu.memory_space<vmem>>, vector<1000x1xf32>
    %get3A_2 = arith.constant 0 : index
    %get3A_3 = arith.constant 0 : index
    %get3A_4 = vector.load %arg5[%get3A_2, %get3A_3] : memref<1000x1xf32, #tpu.memory_space<vmem>>, vector<1000x1xf32>
    %add3A = arith.addf %get3A_1, %get3A_4 : vector<1000x1xf32>
    %max3A = arith.constant 1.000000e+00 : f32
    %max3A_5 = vector.broadcast %max3A : f32 to vector<1000x1xf32>
    %max3A_6 = arith.maximumf %add3A, %max3A_5 : vector<1000x1xf32>
    %div3A = arith.constant 1.000000e+00 : f32
    %div3A_7 = vector.broadcast %div3A : f32 to vector<1000x1xf32>
    %div3A_8 = arith.divf %div3A_7, %max3A_6 : vector<1000x1xf32>
    %get3A_9 = arith.constant 0 : index
    %get3A_10 = arith.constant 0 : index
    %get3A_11 = vector.load %arg3[%get3A_9, %get3A_10] : memref<1000x32xf32, #tpu.memory_space<vmem>>, vector<1000x32xf32>
    %mul3A = vector.broadcast %div3A_8 : vector<1000x1xf32> to vector<1000x32xf32>
    %mul3A_12 = arith.mulf %get3A_11, %mul3A : vector<1000x32xf32>
    %gt3A = arith.constant 0.000000e+00 : f32
    %gt3A_13 = vector.broadcast %gt3A : f32 to vector<1000x1xf32>
    %gt3A_14 = arith.cmpf ogt, %add3A, %gt3A_13 : vector<1000x1xf32>
    %get3A_15 = arith.constant 0 : index
    %get3A_16 = arith.constant 0 : index
    %get3A_17 = vector.load %arg6[%get3A_15, %get3A_16] : memref<1000x32xf32, #tpu.memory_space<vmem>>, vector<1000x32xf32>
    %jit3A = arith.constant 0.000000e+00 : f32
    %broadcast_in_dim3A = vector.shape_cast %gt3A_14 : vector<1000x1xi1> to vector<1000x1xi1>
    %broadcast_in_dim3A_18 = vector.broadcast %broadcast_in_dim3A : vector<1000x1xi1> to vector<1000x32xi1>
    %broadcast_in_dim3A_19 = vector.broadcast %jit3A : f32 to vector<1000x32xf32>
    %select_n3A = arith.select %broadcast_in_dim3A_18, %get3A_17, %broadcast_in_dim3A_19 : vector<1000x32xi1>, vector<1000x32xf32>
    %get3A_20 = arith.constant 0 : index
    %get3A_21 = arith.constant 0 : index
    %get3A_22 = vector.load %arg1[%get3A_20, %get3A_21] : memref<1000x32xf32, #tpu.memory_space<vmem>>, vector<1000x32xf32>
    %get3A_23 = arith.constant 0 : index
    %get3A_24 = arith.constant 0 : index
    %get3A_25 = vector.load %arg7[%get3A_23, %get3A_24] : memref<32x32xf32, #tpu.memory_space<vmem>>, vector<32x32xf32>
    %dot_general3A = arith.constant dense<0.000000e+00> : vector<1000x32xf32>
    %dot_general3A_26 = tpu.matmul %get3A_22, %get3A_25, %dot_general3A {dimension_numbers = #tpu.dot_dimension_numbers<[1], [0], [0], [1], [0, 0, 1, 1], [], []>, transpose_lhs_hint = false} : vector<1000x32xf32>, vector<32x32xf32>, vector<1000x32xf32> -> vector<1000x32xf32>
    %get3A_27 = arith.constant 0 : index
    %get3A_28 = arith.constant 0 : index
    %get3A_29 = vector.load %arg8[%get3A_27, %get3A_28] : memref<32x32xf32, #tpu.memory_space<vmem>>, vector<32x32xf32>
    %dot_general3A_30 = arith.constant dense<0.000000e+00> : vector<1000x32xf32>
    %dot_general3A_31 = tpu.matmul %mul3A_12, %get3A_29, %dot_general3A_30 {dimension_numbers = #tpu.dot_dimension_numbers<[1], [0], [0], [1], [0, 0, 1, 1], [], []>, transpose_lhs_hint = false} : vector<1000x32xf32>, vector<32x32xf32>, vector<1000x32xf32> -> vector<1000x32xf32>
    %add3A_32 = arith.addf %dot_general3A_26, %dot_general3A_31 : vector<1000x32xf32>
    %get3A_33 = arith.constant 0 : index
    %get3A_34 = arith.constant 0 : index
    %get3A_35 = vector.load %arg9[%get3A_33, %get3A_34] : memref<32x32xf32, #tpu.memory_space<vmem>>, vector<32x32xf32>
    %dot_general3A_36 = arith.constant dense<0.000000e+00> : vector<1000x32xf32>
    %dot_general3A_37 = tpu.matmul %select_n3A, %get3A_35, %dot_general3A_36 {dimension_numbers = #tpu.dot_dimension_numbers<[1], [0], [0], [1], [0, 0, 1, 1], [], []>, transpose_lhs_hint = false} : vector<1000x32xf32>, vector<32x32xf32>, vector<1000x32xf32> -> vector<1000x32xf32>
    %add3A_38 = arith.addf %add3A_32, %dot_general3A_37 : vector<1000x32xf32>
    %get3A_39 = arith.constant 0 : index
    %get3A_40 = arith.constant 0 : index
    %get3A_41 = vector.load %arg10[%get3A_39, %get3A_40] : memref<1x32xf32, #tpu.memory_space<vmem>>, vector<1x32xf32>
    %add3A_42 = vector.broadcast %get3A_41 : vector<1x32xf32> to vector<1000x32xf32>
    %add3A_43 = arith.addf %add3A_38, %add3A_42 : vector<1000x32xf32>
    %get3A_44 = arith.constant 0 : index
    %get3A_45 = arith.constant 0 : index
    %get3A_46 = vector.load %arg11[%get3A_44, %get3A_45] : memref<32x32xf32, #tpu.memory_space<vmem>>, vector<32x32xf32>
    %dot_general3A_47 = arith.constant dense<0.000000e+00> : vector<1000x32xf32>
    %dot_general3A_48 = tpu.matmul %add3A_43, %get3A_46, %dot_general3A_47 {dimension_numbers = #tpu.dot_dimension_numbers<[1], [0], [0], [1], [0, 0, 1, 1], [], []>, transpose_lhs_hint = false} : vector<1000x32xf32>, vector<32x32xf32>, vector<1000x32xf32> -> vector<1000x32xf32>
    %get3A_49 = arith.constant 0 : index
    %get3A_50 = arith.constant 0 : index
    %get3A_51 = vector.load %arg2[%get3A_49, %get3A_50] : memref<1000x8xf32, #tpu.memory_space<vmem>>, vector<1000x8xf32>
    %get3A_52 = arith.constant 0 : index
    %get3A_53 = arith.constant 0 : index
    %get3A_54 = vector.load %arg12[%get3A_52, %get3A_53] : memref<8x32xf32, #tpu.memory_space<vmem>>, vector<8x32xf32>
    %dot_general3A_55 = arith.constant dense<0.000000e+00> : vector<1000x32xf32>
    %dot_general3A_56 = tpu.matmul %get3A_51, %get3A_54, %dot_general3A_55 {dimension_numbers = #tpu.dot_dimension_numbers<[1], [0], [0], [1], [0, 0, 1, 1], [], []>, transpose_lhs_hint = false} : vector<1000x8xf32>, vector<8x32xf32>, vector<1000x32xf32> -> vector<1000x32xf32>
    %add3A_57 = arith.addf %dot_general3A_48, %dot_general3A_56 : vector<1000x32xf32>
    %get3A_58 = arith.constant 0 : index
    %get3A_59 = arith.constant 0 : index
    %get3A_60 = vector.load %arg13[%get3A_58, %get3A_59] : memref<32x32xf32, #tpu.memory_space<vmem>>, vector<32x32xf32>
    %dot_general3A_61 = arith.constant dense<0.000000e+00> : vector<1000x32xf32>
    %dot_general3A_62 = tpu.matmul %get3A_22, %get3A_60, %dot_general3A_61 {dimension_numbers = #tpu.dot_dimension_numbers<[1], [0], [0], [1], [0, 0, 1, 1], [], []>, transpose_lhs_hint = false} : vector<1000x32xf32>, vector<32x32xf32>, vector<1000x32xf32> -> vector<1000x32xf32>
    %add3A_63 = arith.addf %add3A_57, %dot_general3A_62 : vector<1000x32xf32>
    %get3A_64 = arith.constant 0 : index
    %get3A_65 = arith.constant 0 : index
    %get3A_66 = vector.load %arg14[%get3A_64, %get3A_65] : memref<1x32xf32, #tpu.memory_space<vmem>>, vector<1x32xf32>
    %add3A_67 = vector.broadcast %get3A_66 : vector<1x32xf32> to vector<1000x32xf32>
    %add3A_68 = arith.addf %add3A_63, %add3A_67 : vector<1000x32xf32>
    %gt3A_69 = arith.constant 0.000000e+00 : f32
    %gt3A_70 = vector.broadcast %gt3A_69 : f32 to vector<1000x32xf32>
    %gt3A_71 = arith.cmpf ogt, %add3A_68, %gt3A_70 : vector<1000x32xf32>
    %exp3A = math.exp %add3A_68 : vector<1000x32xf32>
    %sub3A = arith.constant 1.000000e+00 : f32
    %sub3A_72 = vector.broadcast %sub3A : f32 to vector<1000x32xf32>
    %sub3A_73 = arith.subf %exp3A, %sub3A_72 : vector<1000x32xf32>
    %select_n3A_74 = arith.select %gt3A_71, %add3A_68, %sub3A_73 : vector<1000x32xi1>, vector<1000x32xf32>
    %get3A_75 = arith.constant 0 : index
    %get3A_76 = arith.constant 0 : index
    %get3A_77 = vector.load %arg15[%get3A_75, %get3A_76] : memref<32x32xf32, #tpu.memory_space<vmem>>, vector<32x32xf32>
    %dot_general3A_78 = arith.constant dense<0.000000e+00> : vector<1000x32xf32>
    %dot_general3A_79 = tpu.matmul %select_n3A_74, %get3A_77, %dot_general3A_78 {dimension_numbers = #tpu.dot_dimension_numbers<[1], [0], [0], [1], [0, 0, 1, 1], [], []>, transpose_lhs_hint = false} : vector<1000x32xf32>, vector<32x32xf32>, vector<1000x32xf32> -> vector<1000x32xf32>
    %get3A_80 = arith.constant 0 : index
    %get3A_81 = arith.constant 0 : index
    %get3A_82 = vector.load %arg16[%get3A_80, %get3A_81] : memref<1x32xf32, #tpu.memory_space<vmem>>, vector<1x32xf32>
    %add3A_83 = vector.broadcast %get3A_82 : vector<1x32xf32> to vector<1000x32xf32>
    %add3A_84 = arith.addf %dot_general3A_79, %add3A_83 : vector<1000x32xf32>
    %gt3A_85 = arith.constant 0.000000e+00 : f32
    %gt3A_86 = vector.broadcast %gt3A_85 : f32 to vector<1000x32xf32>
    %gt3A_87 = arith.cmpf ogt, %add3A_84, %gt3A_86 : vector<1000x32xf32>
    %exp3A_88 = math.exp %add3A_84 : vector<1000x32xf32>
    %sub3A_89 = arith.constant 1.000000e+00 : f32
    %sub3A_90 = vector.broadcast %sub3A_89 : f32 to vector<1000x32xf32>
    %sub3A_91 = arith.subf %exp3A_88, %sub3A_90 : vector<1000x32xf32>
    %select_n3A_92 = arith.select %gt3A_87, %add3A_84, %sub3A_91 : vector<1000x32xi1>, vector<1000x32xf32>
    %swap3A = arith.constant 0 : index
    %swap3A_93 = arith.constant 0 : index
    %swap3A_94 = vector.load %arg17[%swap3A, %swap3A_93] : memref<1000x32xf32, #tpu.memory_space<vmem>>, vector<1000x32xf32>
    tpu.vector_store %arg17[%swap3A, %swap3A_93], %select_n3A_92 {strides = array<i32>} : memref<1000x32xf32, #tpu.memory_space<vmem>>, vector<1000x32xf32>,
    %reduce_sum3A = arith.constant dense<0.000000e+00> : vector<32xf32>
    %reduce_sum3A_95 = vector.multi_reduction <add>, %select_n3A_92, %reduce_sum3A [0] : vector<1000x32xf32> to vector<32xf32>
    %broadcast_in_dim3A_96 = vector.shape_cast %reduce_sum3A_95 : vector<32xf32> to vector<1x32xf32>
    %mul3A_97 = arith.mulf %select_n3A_92, %select_n3A_92 : vector<1000x32xf32>
    %reduce_sum3A_98 = arith.constant dense<0.000000e+00> : vector<32xf32>
    %reduce_sum3A_99 = vector.multi_reduction <add>, %mul3A_97, %reduce_sum3A_98 [0] : vector<1000x32xf32> to vector<32xf32>
    %broadcast_in_dim3A_100 = vector.shape_cast %reduce_sum3A_99 : vector<32xf32> to vector<1x32xf32>
    %eq3A = arith.constant 0 : i32
    %eq3A_101 = arith.cmpi eq, %arg0, %eq3A : i32
    %convert_element_type3A = arith.extui %eq3A_101 : i1 to i32
    %cond3A = arith.constant 0 : i32
    %cond3A_102 = arith.cmpi ne, %convert_element_type3A, %cond3A : i32
    scf.if %cond3A_102 {
      %swap3A_107 = arith.constant 0 : index
      %swap3A_108 = arith.constant 0 : index
      %swap3A_109 = vector.load %arg18[%swap3A_107, %swap3A_108] : memref<1x32xf32, #tpu.memory_space<vmem>>, vector<1x32xf32>
      tpu.vector_store %arg18[%swap3A_107, %swap3A_108], %broadcast_in_dim3A_96 {strides = array<i32>} : memref<1x32xf32, #tpu.memory_space<vmem>>, vector<1x32xf32>,
      %swap3A_110 = arith.constant 0 : index
      %swap3A_111 = arith.constant 0 : index
      %swap3A_112 = vector.load %arg19[%swap3A_110, %swap3A_111] : memref<1x32xf32, #tpu.memory_space<vmem>>, vector<1x32xf32>
      tpu.vector_store %arg19[%swap3A_110, %swap3A_111], %broadcast_in_dim3A_100 {strides = array<i32>} : memref<1x32xf32, #tpu.memory_space<vmem>>, vector<1x32xf32>,
    } else {
    }
    %ne3A = arith.constant 0 : i32
    %ne3A_103 = arith.cmpi ne, %arg0, %ne3A : i32
    %convert_element_type3A_104 = arith.extui %ne3A_103 : i1 to i32
    %cond3A_105 = arith.constant 0 : i32
    %cond3A_106 = arith.cmpi ne, %convert_element_type3A_104, %cond3A_105 : i32
    scf.if %cond3A_106 {
      %get3A_107 = arith.constant 0 : index
      %get3A_108 = arith.constant 0 : index
      %get3A_109 = vector.load %arg18[%get3A_107, %get3A_108] : memref<1x32xf32, #tpu.memory_space<vmem>>, vector<1x32xf32>
      %add3A_110 = arith.addf %get3A_109, %broadcast_in_dim3A_96 : vector<1x32xf32>
      %swap3A_111 = arith.constant 0 : index
      %swap3A_112 = arith.constant 0 : index
      %swap3A_113 = vector.load %arg18[%swap3A_111, %swap3A_112] : memref<1x32xf32, #tpu.memory_space<vmem>>, vector<1x32xf32>
      tpu.vector_store %arg18[%swap3A_111, %swap3A_112], %add3A_110 {strides = array<i32>} : memref<1x32xf32, #tpu.memory_space<vmem>>, vector<1x32xf32>,
      %get3A_114 = arith.constant 0 : index
      %get3A_115 = arith.constant 0 : index
      %get3A_116 = vector.load %arg19[%get3A_114, %get3A_115] : memref<1x32xf32, #tpu.memory_space<vmem>>, vector<1x32xf32>
      %add3A_117 = arith.addf %get3A_116, %broadcast_in_dim3A_100 : vector<1x32xf32>
      %swap3A_118 = arith.constant 0 : index
      %swap3A_119 = arith.constant 0 : index
      %swap3A_120 = vector.load %arg19[%swap3A_118, %swap3A_119] : memref<1x32xf32, #tpu.memory_space<vmem>>, vector<1x32xf32>
      tpu.vector_store %arg19[%swap3A_118, %swap3A_119], %add3A_117 {strides = array<i32>} : memref<1x32xf32, #tpu.memory_space<vmem>>, vector<1x32xf32>,
    } else {
    }
    return
  }
  func.func @transform_0(%arg0: i32) -> (i32, i32) {
    %c0_i32 = arith.constant 0 : i32
    %c0_i32_0 = arith.constant 0 : i32
    return %arg0, %c0_i32 : i32, i32
  }
  func.func @transform_1(%arg0: i32) -> (i32, i32) {
    %c0_i32 = arith.constant 0 : i32
    %c0_i32_0 = arith.constant 0 : i32
    return %arg0, %c0_i32 : i32, i32
  }
  func.func @transform_2(%arg0: i32) -> (i32, i32) {
    %c0_i32 = arith.constant 0 : i32
    %c0_i32_0 = arith.constant 0 : i32
    return %arg0, %c0_i32 : i32, i32
  }
  func.func @transform_3(%arg0: i32) -> (i32, i32) {
    %c0_i32 = arith.constant 0 : i32
    %c0_i32_0 = arith.constant 0 : i32
    return %arg0, %c0_i32 : i32, i32
  }
  func.func @transform_4(%arg0: i32) -> (i32, i32) {
    %c0_i32 = arith.constant 0 : i32
    %c0_i32_0 = arith.constant 0 : i32
    return %arg0, %c0_i32 : i32, i32
  }
  func.func @transform_5(%arg0: i32) -> (i32, i32) {
    %c0_i32 = arith.constant 0 : i32
    %c0_i32_0 = arith.constant 0 : i32
    return %arg0, %c0_i32 : i32, i32
  }
  func.func @transform_6(%arg0: i32) -> (i32, i32) {
    %c0_i32 = arith.constant 0 : i32
    %c0_i32_0 = arith.constant 0 : i32
    %c0_i32_1 = arith.constant 0 : i32
    return %c0_i32, %c0_i32_0 : i32, i32
  }
  func.func @transform_7(%arg0: i32) -> (i32, i32) {
    %c0_i32 = arith.constant 0 : i32
    %c0_i32_0 = arith.constant 0 : i32
    %c0_i32_1 = arith.constant 0 : i32
    return %c0_i32, %c0_i32_0 : i32, i32
  }
  func.func @transform_8(%arg0: i32) -> (i32, i32) {
    %c0_i32 = arith.constant 0 : i32
    %c0_i32_0 = arith.constant 0 : i32
    %c0_i32_1 = arith.constant 0 : i32
    return %c0_i32, %c0_i32_0 : i32, i32
  }
  func.func @transform_9(%arg0: i32) -> (i32, i32) {
    %c0_i32 = arith.constant 0 : i32
    %c0_i32_0 = arith.constant 0 : i32
    %c0_i32_1 = arith.constant 0 : i32
    return %c0_i32, %c0_i32_0 : i32, i32
  }
  func.func @transform_10(%arg0: i32) -> (i32, i32) {
    %c0_i32 = arith.constant 0 : i32
    %c0_i32_0 = arith.constant 0 : i32
    %c0_i32_1 = arith.constant 0 : i32
    return %c0_i32, %c0_i32_0 : i32, i32
  }
  func.func @transform_11(%arg0: i32) -> (i32, i32) {
    %c0_i32 = arith.constant 0 : i32
    %c0_i32_0 = arith.constant 0 : i32
    %c0_i32_1 = arith.constant 0 : i32
    return %c0_i32, %c0_i32_0 : i32, i32
  }
  func.func @transform_12(%arg0: i32) -> (i32, i32) {
    %c0_i32 = arith.constant 0 : i32
    %c0_i32_0 = arith.constant 0 : i32
    %c0_i32_1 = arith.constant 0 : i32
    return %c0_i32, %c0_i32_0 : i32, i32
  }
  func.func @transform_13(%arg0: i32) -> (i32, i32) {
    %c0_i32 = arith.constant 0 : i32
    %c0_i32_0 = arith.constant 0 : i32
    %c0_i32_1 = arith.constant 0 : i32
    return %c0_i32, %c0_i32_0 : i32, i32
  }
  func.func @transform_14(%arg0: i32) -> (i32, i32) {
    %c0_i32 = arith.constant 0 : i32
    %c0_i32_0 = arith.constant 0 : i32
    %c0_i32_1 = arith.constant 0 : i32
    return %c0_i32, %c0_i32_0 : i32, i32
  }
  func.func @transform_15(%arg0: i32) -> (i32, i32) {
    %c0_i32 = arith.constant 0 : i32
    %c0_i32_0 = arith.constant 0 : i32
    %c0_i32_1 = arith.constant 0 : i32
    return %c0_i32, %c0_i32_0 : i32, i32
  }
  func.func @transform_16(%arg0: i32) -> (i32, i32) {
    %c0_i32 = arith.constant 0 : i32
    %c0_i32_0 = arith.constant 0 : i32
    return %arg0, %c0_i32 : i32, i32
  }
  func.func @transform_17(%arg0: i32) -> (i32, i32) {
    %c0_i32 = arith.constant 0 : i32
    %c0_i32_0 = arith.constant 0 : i32
    %c0_i32_1 = arith.constant 0 : i32
    return %c0_i32, %c0_i32_0 : i32, i32
  }
  func.func @transform_18(%arg0: i32) -> (i32, i32) {
    %c0_i32 = arith.constant 0 : i32
    %c0_i32_0 = arith.constant 0 : i32
    %c0_i32_1 = arith.constant 0 : i32
    return %c0_i32, %c0_i32_0 : i32, i32
  }
}

module attributes {stable_mosaic.version = 14 : i64} {
  func.func @_tc4_body(%arg0: i32, %arg1: memref<1000x32xf32, #tpu.memory_space<vmem>>, %arg2: memref<1x32xf32, #tpu.memory_space<vmem>>, %arg3: memref<1x32xf32, #tpu.memory_space<vmem>>, %arg4: memref<1x32xf32, #tpu.memory_space<vmem>>, %arg5: memref<1x32xf32, #tpu.memory_space<vmem>>, %arg6: memref<1000x32xf32, #tpu.memory_space<vmem>>) attributes {dimension_semantics = [#tpu.dimension_semantics<arbitrary>], iteration_bounds = array<i64: 50>, scalar_prefetch = 0 : i64, scratch_operands = 0 : i64, tpu.core_type = #tpu.core_type<tc>, window_params = [{transform_indices = @transform_0, window_bounds = array<i64: 1000, 32>}, {pipeline_mode = #tpu.pipeline_mode<synchronous>, transform_indices = @transform_1, window_bounds = array<i64: 1, 32>}, {pipeline_mode = #tpu.pipeline_mode<synchronous>, transform_indices = @transform_2, window_bounds = array<i64: 1, 32>}, {pipeline_mode = #tpu.pipeline_mode<synchronous>, transform_indices = @transform_3, window_bounds = array<i64: 1, 32>}, {pipeline_mode = #tpu.pipeline_mode<synchronous>, transform_indices = @transform_4, window_bounds = array<i64: 1, 32>}, {transform_indices = @transform_5, window_bounds = array<i64: 1000, 32>}]} {
    %get3A = arith.constant 0 : index
    %get3A_0 = arith.constant 0 : index
    %get3A_1 = vector.load %arg2[%get3A, %get3A_0] : memref<1x32xf32, #tpu.memory_space<vmem>>, vector<1x32xf32>
    %div3A = arith.constant 5.000000e+04 : f32
    %div3A_2 = vector.broadcast %div3A : f32 to vector<1x32xf32>
    %div3A_3 = arith.divf %get3A_1, %div3A_2 : vector<1x32xf32>
    %get3A_4 = arith.constant 0 : index
    %get3A_5 = arith.constant 0 : index
    %get3A_6 = vector.load %arg3[%get3A_4, %get3A_5] : memref<1x32xf32, #tpu.memory_space<vmem>>, vector<1x32xf32>
    %div3A_7 = arith.constant 5.000000e+04 : f32
    %div3A_8 = vector.broadcast %div3A_7 : f32 to vector<1x32xf32>
    %div3A_9 = arith.divf %get3A_6, %div3A_8 : vector<1x32xf32>
    %mul3A = arith.mulf %div3A_3, %div3A_3 : vector<1x32xf32>
    %sub3A = arith.subf %div3A_9, %mul3A : vector<1x32xf32>
    %add3A = arith.constant 9.99999974E-6 : f32
    %add3A_10 = vector.broadcast %add3A : f32 to vector<1x32xf32>
    %add3A_11 = arith.addf %sub3A, %add3A_10 : vector<1x32xf32>
    %rsqrt3A = math.rsqrt %add3A_11 : vector<1x32xf32>
    %get3A_12 = arith.constant 0 : index
    %get3A_13 = arith.constant 0 : index
    %get3A_14 = vector.load %arg1[%get3A_12, %get3A_13] : memref<1000x32xf32, #tpu.memory_space<vmem>>, vector<1000x32xf32>
    %sub3A_15 = vector.broadcast %div3A_3 : vector<1x32xf32> to vector<1000x32xf32>
    %sub3A_16 = arith.subf %get3A_14, %sub3A_15 : vector<1000x32xf32>
    %mul3A_17 = vector.broadcast %rsqrt3A : vector<1x32xf32> to vector<1000x32xf32>
    %mul3A_18 = arith.mulf %sub3A_16, %mul3A_17 : vector<1000x32xf32>
    %get3A_19 = arith.constant 0 : index
    %get3A_20 = arith.constant 0 : index
    %get3A_21 = vector.load %arg4[%get3A_19, %get3A_20] : memref<1x32xf32, #tpu.memory_space<vmem>>, vector<1x32xf32>
    %mul3A_22 = vector.broadcast %get3A_21 : vector<1x32xf32> to vector<1000x32xf32>
    %mul3A_23 = arith.mulf %mul3A_18, %mul3A_22 : vector<1000x32xf32>
    %get3A_24 = arith.constant 0 : index
    %get3A_25 = arith.constant 0 : index
    %get3A_26 = vector.load %arg5[%get3A_24, %get3A_25] : memref<1x32xf32, #tpu.memory_space<vmem>>, vector<1x32xf32>
    %add3A_27 = vector.broadcast %get3A_26 : vector<1x32xf32> to vector<1000x32xf32>
    %add3A_28 = arith.addf %mul3A_23, %add3A_27 : vector<1000x32xf32>
    %swap3A = arith.constant 0 : index
    %swap3A_29 = arith.constant 0 : index
    %swap3A_30 = vector.load %arg6[%swap3A, %swap3A_29] : memref<1000x32xf32, #tpu.memory_space<vmem>>, vector<1000x32xf32>
    tpu.vector_store %arg6[%swap3A, %swap3A_29], %add3A_28 {strides = array<i32>} : memref<1000x32xf32, #tpu.memory_space<vmem>>, vector<1000x32xf32>,
    return
  }
  func.func @transform_0(%arg0: i32) -> (i32, i32) {
    %c0_i32 = arith.constant 0 : i32
    %c0_i32_0 = arith.constant 0 : i32
    return %arg0, %c0_i32 : i32, i32
  }
  func.func @transform_1(%arg0: i32) -> (i32, i32) {
    %c0_i32 = arith.constant 0 : i32
    %c0_i32_0 = arith.constant 0 : i32
    %c0_i32_1 = arith.constant 0 : i32
    return %c0_i32, %c0_i32_0 : i32, i32
  }
  func.func @transform_2(%arg0: i32) -> (i32, i32) {
    %c0_i32 = arith.constant 0 : i32
    %c0_i32_0 = arith.constant 0 : i32
    %c0_i32_1 = arith.constant 0 : i32
    return %c0_i32, %c0_i32_0 : i32, i32
  }
  func.func @transform_3(%arg0: i32) -> (i32, i32) {
    %c0_i32 = arith.constant 0 : i32
    %c0_i32_0 = arith.constant 0 : i32
    %c0_i32_1 = arith.constant 0 : i32
    return %c0_i32, %c0_i32_0 : i32, i32
  }
  func.func @transform_4(%arg0: i32) -> (i32, i32) {
    %c0_i32 = arith.constant 0 : i32
    %c0_i32_0 = arith.constant 0 : i32
    %c0_i32_1 = arith.constant 0 : i32
    return %c0_i32, %c0_i32_0 : i32, i32
  }
  func.func @transform_5(%arg0: i32) -> (i32, i32) {
    %c0_i32 = arith.constant 0 : i32
    %c0_i32_0 = arith.constant 0 : i32
    return %arg0, %c0_i32 : i32, i32
  }
}

</mosaic_0001>

<sc_bundles>
// kernel: kernel.12.cloned.1.call-start
scs
__scs_entry_jumppad:
0x0: {  	(pc) =	sbr.rel $0x88, $3  }
0x1: {  	(tag) =	ssettag $0x0;
	lr =	simm.s32 $0x1  }
0x2: {  	[smem:$0x3F8D] =	sst lr;
	_ =	strace $0xD0000000  }
0x3: {  	_ = 	snop  }
0x4: {  	_ = 	snop  }
0x5: {  	_ = 	snop  }
0x6: {  	_ = 	snop  }
0x7: {  	_ = 	snop  }
__scs_overlays_trampoline_lowered:
0x8: {  	[smem:$0x3F9C] =	sst s0  }
0x9: {  	[smem:$0x3F9D] =	sst s1  }
0xa: {  	[smem:$0x3F9E] =	sst s2  }
0xb: {  	[smem:$0x3F9F] =	sst s3  }
0xc: {  	[smem:$0x3FA0] =	sst s4  }
0xd: {  	[smem:$0x3FA1] =	sst s5  }
0xe: {  	[smem:$0x3FA2] =	sst s6  }
0xf: {  	[smem:$0x3FA3] =	sst s7  }
0x10: {  	[smem:$0x3FA4] =	sst s8  }
0x11: {  	[smem:$0x3FA5] =	sst s9;
	s0 =	simm.s32 @!p0 $0x0  }
0x12: {  	s1 =	sld [smem:$0x3F8B];
	s0 =	simm.s32 @p0 $0x1  }
0x13: {  	[smem:$0x3FA6] =	sst s0;
	s0 =	simm.s32 @!p1 $0x0  }
0x14: {  	s2 =	sld [smem:$0x3F8A];
	s0 =	simm.s32 @p1 $0x1  }
0x15: {  	[smem:$0x3FA7] =	sst s0;
	s0 =	simm.s32 @!p2 $0x0  }
0x16: {  	s3 =	sld [smem:$0x3FDB];
	s0 =	simm.s32 @p2 $0x1  }
0x17: {  	s4 =	simm.s32 $0x1BF5;
	[smem:$0x3FA9] =	sst s0  }
0x18: {  	s0 =	sld [smem:$0x3F8C];
	_ =	swait.ge [sflag:s4], $0x0  }
0x19: {  	s7 =	sld [smem:$0x3F8D]  }
0x1a: {  	s8 =	sadd.s32 $0xFFFFE003, lr  }
0x1b: {  	s9 =	sadd.s32 $0xFFFFFEF7, lr;
	s5 =	simm.s32 $0xFFFFFFFF;
	p2 =	slt.u32 s8, $0xFFFFF086  }
0x1c: {  	p1 =	slt.u32 s9, $0xF7A;
	s5 =	simm.s32 @!p2 $0x0  }
0x1d: {  	s5 =	simm.s32 @p1 $0x1;
	p0 =	seq.s32 s7, s2  }
0x1e: {  	s7 =	smul.u32 @!p0 $0xF7A, s2;
	p2 =	seq.s32 @!p0 s5, $0x0  }
0x1f: {  	s9 =	smul.u32 $0xF7A, s1;
	s8 =	simm.s32 @!p0 $0x1BF5;
	p2 =	por !p2, p0  }
0x20: {  	[sflag:s8] =	ssyncset.s32 @!p0 $0xFFFFF086;
	s6 =	sadd.s32 @!p0 s3, s7;
	s7 =	simm.s32 @!p0 $0x108  }
0x21: {  	s3 =	sadd.s32 s3, s9;
	s6 =	sadd.s32 @!p0 $0x88, s6;
	s7 =	simm.s32 @p2 $0x1082  }
0x22: {  	[simem:s7], [sflag:s8] =	dma.local @!p0 [hbm:s6], $0xF7A  }
0x23: {  	s9 =	sor.u32 $0xD0000000, s2;
	s6 =	simm.s32 $0x108;
	_ =	swait.ge @!p0 [sflag:s8], $0x0  }
0x24: {  	s3 =	sadd.s32 $0x88, s3;
	s6 =	simm.s32 @!p1 $0x1082;
	[sflag:s4] =	ssyncset.s32 $0xFFFFF086  }
0x25: {  	[simem:s6], [sflag:s4] =	dma.local [hbm:s3], $0xF7A  }
0x26: {  	[smem:$0x3F8D] =	sst s1;
	(tag) =	ssettag s2;
	_ =	strace s9  }
0x27: {  	s1 =	sld [smem:$0x3F9D]  }
0x28: {  	s2 =	sld [smem:$0x3F9E]  }
0x29: {  	s4 =	sld [smem:$0x3FA0]  }
0x2a: {  	p0 =	seq.s32 s5, $0x0;
	s5 =	sld [smem:$0x3FA1]  }
0x2b: {  	s6 =	sld [smem:$0x3FA2]  }
0x2c: {  	s7 =	sld [smem:$0x3FA3]  }
0x2d: {  	s3 =	simm.s32 $0x108;
	s8 =	sld [smem:$0x3FA4]  }
0x2e: {  	s3 =	simm.s32 @!p0 $0x1082;
	s9 =	sld [smem:$0x3FA5]  }
0x2f: {  	lr =	sadd.s32 s0, s3;
	s0 =	sld [smem:$0x3F9C]  }
0x30: {  	s3 =	sld [smem:$0x3F9F]  }
0x31: {  	[smem:$0x3FA8] =	sst s10  }
0x32: {  	s10 =	sld [smem:$0x3FA6];
	_ =	sdelay $0x3  }
0x33: {  	p0 =	seq.s32 s10, $0x1;
	s10 =	sld [smem:$0x3FA8];
	_ =	sdelay $0x3  }
0x34: {  	[smem:$0x3FA8] =	sst s10  }
0x35: {  	s10 =	sld [smem:$0x3FA7];
	_ =	sdelay $0x3  }
0x36: {  	p1 =	seq.s32 s10, $0x1;
	s10 =	sld [smem:$0x3FA8];
	_ =	sdelay $0x3  }
0x37: {  	[smem:$0x3FA8] =	sst s10  }
0x38: {  	s10 =	sld [smem:$0x3FA9]  }
0x39: {  	_ = 	snop;
	(pc) =	sbr.ind lr, $3  }
0x3a: {  	_ = 	snop  }
0x3b: {  	_ = 	snop  }
0x3c: {  	p2 =	seq.s32 s10, $0x1;
	s10 =	sld [smem:$0x3FA8]  }
0x3d: {  	_ =	shalt  }
0x3e: {  	_ =	shalt  }
0x3f: {  	_ =	shalt  }
0x40: {  	_ =	shalt  }
0x41: {  	_ =	shalt  }
0x42: {  	_ =	shalt  }
0x43: {  	_ =	shalt  }
0x44: {  	_ =	shalt  }
0x45: {  	_ =	shalt  }
0x46: {  	_ =	shalt  }
0x47: {  	_ =	shalt  }
0x48: {  	_ =	shalt  }
0x49: {  	_ =	shalt  }
0x4a: {  	_ =	shalt  }
0x4b: {  	_ =	shalt  }
0x4c: {  	_ =	shalt  }
0x4d: {  	_ =	shalt  }
0x4e: {  	_ =	shalt  }
0x4f: {  	_ =	shalt  }
0x50: {  	_ =	shalt  }
0x51: {  	_ =	shalt  }
0x52: {  	_ =	shalt  }
0x53: {  	_ =	shalt  }
0x54: {  	_ =	shalt  }
0x55: {  	_ =	shalt  }
0x56: {  	_ =	shalt  }
0x57: {  	_ =	shalt  }
0x58: {  	_ =	shalt  }
0x59: {  	_ =	shalt  }
0x5a: {  	_ =	shalt  }
0x5b: {  	_ =	shalt  }
0x5c: {  	_ =	shalt  }
0x5d: {  	_ =	shalt  }
0x5e: {  	_ =	shalt  }
0x5f: {  	_ =	shalt  }
0x60: {  	_ =	shalt  }
0x61: {  	_ =	shalt  }
0x62: {  	_ =	shalt  }
0x63: {  	_ =	shalt  }
0x64: {  	_ =	shalt  }
0x65: {  	_ =	shalt  }
0x66: {  	_ =	shalt  }
0x67: {  	_ =	shalt  }
0x68: {  	_ =	shalt  }
0x69: {  	_ =	shalt  }
0x6a: {  	_ =	shalt  }
0x6b: {  	_ =	shalt  }
0x6c: {  	_ =	shalt  }
0x6d: {  	_ =	shalt  }
0x6e: {  	_ =	shalt  }
0x6f: {  	_ =	shalt  }
0x70: {  	_ =	shalt  }
0x71: {  	_ =	shalt  }
0x72: {  	_ =	shalt  }
0x73: {  	_ =	shalt  }
0x74: {  	_ =	shalt  }
0x75: {  	_ =	shalt  }
0x76: {  	_ =	shalt  }
0x77: {  	_ =	shalt  }
0x78: {  	_ =	shalt  }
0x79: {  	_ =	shalt  }
0x7a: {  	_ =	shalt  }
0x7b: {  	_ =	shalt  }
0x7c: {  	_ =	shalt  }
0x7d: {  	_ =	shalt  }
0x7e: {  	_ =	shalt  }
0x7f: {  	_ =	shalt  }
0x80: {  	_ =	shalt  }
0x81: {  	_ =	shalt  }
0x82: {  	_ =	shalt  }
0x83: {  	_ =	shalt  }
0x84: {  	_ =	shalt  }
0x85: {  	_ =	shalt  }
0x86: {  	_ =	shalt  }
0x87: {  	_ =	shalt  }
.Lfunc_end0:
.L_simem_size_0:
called_computation.1_lowered:
.L_overlay_start_0:
0x88: {  	s2 =	sld [smem:$0x3FD9]  }
0x89: {  	s3 =	sld [smem:$0x3FFE];
	_ =	sdelay $0x1  }
0x8a: {  	s1 =	srdreg.scid  }
0x8b: {  	s0 =	sand.u32 $0x1, s1  }
0x8c: {  	s16 =	sshll.u32 s0, $0xA;
	s2 =	sadd.s32 s3, s2  }
0x8d: {  	s2 =	sadd.s32 s2, s16  }
0x8e: {  	[smem:$0x3FB4] =	sst s2  }
0x8f: {  	_ = 	snop  }
0x90: {  	(tm) =	ssettm $0x1  }
0x91: {  	s17 =	sld [smem:$0x3FFB];
	_ =	sdelay $0x3  }
0x92: {  	_ =	strace s17  }
0x93: {  	s2 =	sld [smem:$0x3FFC];
	_ =	sdelay $0x3  }
0x94: {  	_ =	strace s2  }
0x95: {  	s2 =	sld [smem:$0x3FFD];
	_ =	sdelay $0x3  }
0x96: {  	_ =	strace s2  }
0x97: {  	_ =	strace $0x8FFFFFFF  }
0x98: {  	s18 =	sld [smem:$0x3FDB];
	_ =	sdelay $0x1  }
0x99: {  	s19 =	simm.s32 $_scs_section_size  }
0x9a: {  	s4 =	simm.s32 $_size__tile_overlayer_lowered;
	s5 =	simm.s32 $_tile_overlayer_lowered  }
0x9b: {  	s22 =	simm.s32 $0x1BFF;
	s21 =	sshll.u32 s5, $0x1;
	s2 =	sadd.s32 s19, s18  }
0x9c: {  	s6 =	simm.s32 $0x0;
	s20 =	sshll.u32 s4, $0x1;
	s4 =	sadd.s32 s21, s2  }
0x9d: {  	[timem:s6], [sflag:s22] =	dma.local [hbm:s4], s20  }
0x9e: {  	_ =	swait.ge [sflag:s22], s20  }
0x9f: {  	s3 =	ssub.s32 $0x0, s20;
	[sflag:s22] =	ssyncset.done $0x0  }
0xa0: {  	[sflag:s22] =	ssyncadd.s32 s3;
	_ =	sdelay $0x1  }
0xa1: {  	s23 =	simm.s32 $0x1B8B  }
0xa2: {  	_ =	swait.ge [sflag:s23], $0x1  }
0xa3: {  	[sflag:s23] =	ssyncset.done $0x0  }
0xa4: {  	s25 =	simm.s32 $0x1B8E;
	s24 =	sld [smem:$0x3FFE];
	[sflag:s23] =	ssyncadd.s32 $0xFFFFFFFF  }
0xa5: {  	s26 =	simm.s32 $execute0_lowered;
	[smem:$0x3FD2] =	sst s25  }
0xa6: {  	s4 =	sshll.u32 s26, $0x1;
	_ =	strace $0x80000049;
	[dreg:$0x1] =	wrdreg $0xFFFFFFFF  }
0xa7: {  	s28 =	simm.s32 $_size_execute0_lowered;
	s2 =	sadd.s32 s2, s4;
	[dreg:$0x0] =	wrdreg $0x0  }
0xa8: {  	s4 =	sshll.u32 s28, $0x1;
	[dreg:$0x2] =	wrdreg s2  }
0xa9: {  	[dreg:$0x3] =	wrdreg s4  }
0xaa: {  	[dreg:$0x4] =	wrdreg $0xC0  }
0xab: {  	_ =	task [dreg:s6], $0x5FFFF  }
0xac: {  	[dreg:$0x1] =	wrdreg $0xFFFFFFFF  }
0xad: {  	[dreg:$0x0] =	wrdreg $0x60  }
0xae: {  	[dreg:$0x2] =	wrdreg s24  }
0xaf: {  	[dreg:$0x3] =	wrdreg $0x9  }
0xb0: {  	_ =	task.clear_ibuf [dreg:s6], $0x4FFFF;
	_ =	strace $0x90000049  }
0xb1: {  	s29 =	simm.s32 $0x9;
	_ =	strace $0x8000004B  }
0xb2: {  	_ =	swait.ge [sflag:s29], $0x1  }
0xb3: {  	[sflag:s29] =	ssyncadd.s32 $0xFFFFFFFF  }
0xb4: {  	_ =	strace $0x9000004B  }
0xb5: {  	_ =	sfence  }
0xb6: {  	s30 =	sld [smem:$0x0];
	_ =	sdelay $0x2  }
0xb7: {  	s31 =	sshll.u32 s1, $0xD;
	s1 =	sshrl.u32 s1, $0x2  }
0xb8: {  	s3 =	sand.u32 $0x4000, s31;
	s1 =	sadd.s32 s1, s30  }
0xb9: {  	s0 =	sor.u32 s3, s0;
	s1 =	sshll.u32 s1, $0x11  }
0xba: {  	s0 =	sor.u32 s1, s0  }
0xbb: {  	s0 =	sadd.s32 $0x8F2B, s0  }
0xbc: {  	[sflag:s0] =	ssyncadd.remote.s32 $0x1  }
0xbd: {  	_ =	sfence.sel $0xFFFF  }
0xbe: {  	[dreg:$0x0] =	wrdreg $0xFFFFFFFF;
	(pc) =	sbr.abs _section_cstart, $3  }
0xbf: {  	[dreg:$0x1] =	wrdreg $0xFFFFFFFF  }
0xc0: {  	_ =	task.clear_ibuf [dreg:s6], $0x2FFFF;
	_ =	strace $0x9FFFFFFF  }
0xc1: {  	(tm) =	ssettm $0x7FFFFFFF  }
tec
execute0_lowered:
.L_overlay_start_1:
0x0: {  	(tag) =	ssettag $0x1  }
0x1: {  	s1 =	srdreg.scid  }
0x2: {  	s0 =	stileid.u32;
	s6 =	rddreg [dreg:$0x0];
	s2 =	simm.s32 $0x0  }
0x3: {  	s14 =	simm.s32 $0x3;
	s15 =	simm.s32 $0x700;
	s16 =	simm.s32 $0x380  }
0x4: {  	s17 =	simm.s32 $0xA80;
	s18 =	simm.s32 $0x1500;
	s19 =	simm.s32 $0x7700  }
0x5: {  	s20 =	simm.s32 $0x13A80;
	s21 =	simm.s32 $0x2;
	s22 =	simm.s32 $0x1  }
0x6: {  	s23 =	simm.s32 $0x0;
	s1 =	sand.u32 $0x1, s1;
	s3 =	sshll.u32 s0, $0x1  }
0x7: {  	[smem:$0x7FF] =	sst s2;
	s5 =	sadd.s32 $0xFD600, s6;
	s7 =	sor.u32 s1, s3  }
0x8: {  	v0 =	vlaneseq.u32;
	_ =	strace $0x8000004A;
	s1 =	ssub.s32 $0x2, s1;
	s4 =	smul.u32 $0x9C4, s7  }
0x9: {  	v2 =	vimm.f32 $0.0e+00;
	v3 =	vimm.f32 $-Inf;
	v4 =	vimm.s32 $0x0;
	s3 =	sadd.s32 $0xC0400, s6;
	s8 =	smul.u32 $0x1880, s7;
	s9 =	sshrl.u32 s1, $0x1  }
.Ltmp0:
0xa: {  	vm2 =	vcmask $0xF0C;
	vm3 =	vcmask $0x1310;
	vm14 =	vcmask $0x3F3C;
	s1 =	ssub.s32 s1, s9;
	s10 =	sshrl.u32 s4, $0x5;
	(pc) =	sbr.rel .LBB2_1-.Ltmp0, $4  }
0xb: {  	vm4 =	vcmask $0x1714;
	vm5 =	vcmask $0x1B18;
	vm6 =	vcmask $0x1F1C;
	s4 =	sadd.s32 $0x83200, s6;
	s12 =	sadd.s32 s8, s6;
	s11 =	smul.u32 $0x64, s10  }
0xc: {  	vm7 =	vcmask $0x2320;
	vm8 =	vcmask $0x2724;
	v0 =	vmul.u32 $0x2, v0;
	s6 =	smul.u32 $0xC400, s7;
	s13 =	smax.u32 s1, $0x1;
	s9 =	sadd.s32 $0x1, s10  }
0xd: {  	vm9 =	vcmask $0x2B28;
	vm10 =	vcmask $0x2F2C;
	vm11 =	vcmask $0x3330;
	s10 =	sadd.s32 $0x2, s10;
	s31 =	sadd.s32 s3, s11;
	s8 =	sadd.s32 s4, s11  }
0xe: {  	vm12 =	vcmask $0x3734;
	vm13 =	vcmask $0x3B38;
	v1 =	vor.u32 $0x1, v0;
	s11 =	sadd.s32 $0x4000, s12;
	s12 =	sadd.s32 $0x35000, s12;
	[dreg:$0x2] =	wrdreg s31  }
.LBB2_25:
0xf: {  	[hbm4b:s11+s2] =	stream.linear.scatter [tilespmem:s19], [sflag:$0x3], $0xC350, $0x38;
	[tilespmem:$0x1FE00] =	vst v63  }
0x10: {  	s23 =	sadd.s32 $0x1, s23;
	_ =	swait.ge [sflag:s14], $0xC350  }
0x11: {  	p0 =	sne.s32 s23, s13;
	[sflag:s14] =	ssyncset.done $0x0  }
.Ltmp1:
0x12: {  	[sflag:s14] =	ssyncadd.s32 $0xFFFF3CB0;
	(pc) =	sbr.rel @!p0 .LBB2_26-.Ltmp1, $4  }
0x13: {  	[hbm4b:s12+s2] =	stream.linear.scatter [tilespmem:s20], [sflag:$0x3], $0xC350, $0x38;
	[tilespmem:$0x1FE00] =	vst v63  }
0x14: {  	_ =	swait.ge [sflag:s14], $0xC350  }
0x15: {  	[sflag:s14] =	ssyncset.done $0x0  }
0x16: {  	[sflag:s14] =	ssyncadd.s32 $0xFFFF3CB0  }
.LBB2_1:
0x17: {  	s24 =	simm.s32 $0x1500;
	s25 =	simm.s32 $0x0  }
.LBB2_2:
0x18: {  	s1 =	smul.u32 $0x380, s25;
	_ =	sdelay $0x1  }
0x19: {  	s1 =	sadd.s32 s6, s1  }
0x1a: {  	s26 =	simm.s32 $0x0;
	s1 =	sshrl.u32 s1, $0x3  }
0x1b: {  	v5 =	vor.u32 s26, v0;
	s1 =	sadd.s32 s5, s1  }
0x1c: {  	v6 =	vor.u32 s26, v1;
	[tilespmem:s26], [sflag:$0x3] =	stream.linear.gather [hbm4b:s1+s26], $0x380, $0x38;
	[tilespmem:$0x1FE00] =	vst v63  }
0x1d: {  	_ =	swait.ge [sflag:s14], $0x380  }
0x1e: {  	[sflag:s14] =	ssyncset.done $0x0  }
0x1f: {  	[sflag:s14] =	ssyncadd.s32 $0xFFFFFC80  }
0x20: {  	v5 =	vld.idx.msk [tilespmem:v5+s2+$0x0], $0xffff  }
0x21: {  	v6 =	vld.idx.msk [tilespmem:v6+s2+$0x0], $0xffff;
	_ =	sdelay $0x1  }
0x22: {  	s30 =	simm.s32 $0x20  }
0x23: {  	v7 =	vor.u32 s30, v0  }
0x24: {  	v8 =	vor.u32 s30, v1  }
0x25: {  	v5 =	vand.u32 $0xFFFF0000, v5;
	v6 =	vshrl.u32 v6, $0x10  }
0x26: {  	v5 =	vor.u32 v5, v6  }
0x27: {  	[tilespmem:s24+$0x0] =	vst v5  }
0x28: {  	v7 =	vld.idx.msk [tilespmem:v7+s2+$0x0], $0xffff  }
0x29: {  	v8 =	vld.idx.msk [tilespmem:v8+s2+$0x0], $0xffff;
	_ =	sdelay $0x1  }
0x2a: {  	s31 =	simm.s32 $0x40  }
0x2b: {  	v5 =	vor.u32 s31, v0  }
0x2c: {  	s26 =	simm.s32 $0x60;
	s1 =	smov.u32 s24;
	v6 =	vor.u32 s31, v1  }
.LBB2_3:
0x2d: {  	p0 =	sne.s32 s26, $0x360;
	v7 =	vand.u32 $0xFFFF0000, v7;
	v8 =	vshrl.u32 v8, $0x10  }
0x2e: {  	s1 =	sadd.s32 $0x10, s1;
	v7 =	vor.u32 v7, v8  }
0x2f: {  	[tilespmem:s1+$0x0] =	vst v7  }
0x30: {  	v7 =	vld.idx.msk [tilespmem:v5+s2+$0x0], $0xffff  }
0x31: {  	v8 =	vld.idx.msk [tilespmem:v6+s2+$0x0], $0xffff  }
.Ltmp2:
0x32: {  	(pc) =	sbr.rel @p0 .LBB2_3-.Ltmp2, $3  }
0x33: {  	_ =	sdelay $0x1  }
0x34: {  	v5 =	vor.u32 s26, v0  }
0x35: {  	v6 =	vor.u32 s26, v1;
	s26 =	sadd.s32 $0x20, s26  }
0x36: {  	_ = 	snop  }
0x37: {  	v7 =	vand.u32 $0xFFFF0000, v7;
	v8 =	vshrl.u32 v8, $0x10  }
0x38: {  	s1 =	sadd.s32 $0x10, s1;
	v7 =	vor.u32 v7, v8  }
0x39: {  	[tilespmem:s1+$0x0] =	vst v7  }
0x3a: {  	v5 =	vld.idx.msk [tilespmem:v5+s2+$0x0], $0xffff  }
0x3b: {  	v6 =	vld.idx.msk [tilespmem:v6+s2+$0x0], $0xffff  }
0x3c: {  	s25 =	sadd.s32 $0x1, s25  }
0x3d: {  	p0 =	sne.s32 s25, $0x38  }
.Ltmp3:
0x3e: {  	_ = 	snop;
	(pc) =	sbr.rel @p0 .LBB2_2-.Ltmp3, $4  }
0x3f: {  	_ = 	snop  }
0x40: {  	v5 =	vand.u32 $0xFFFF0000, v5;
	v6 =	vshrl.u32 v6, $0x10  }
0x41: {  	s1 =	sadd.s32 $0x10, s1;
	v5 =	vor.u32 v5, v6  }
0x42: {  	s24 =	sadd.s32 $0x1C0, s24;
	[tilespmem:s1+$0x0] =	vst v5  }
0x43: {  	s1 =	simm.s32 $0x40;
	s24 =	simm.s32 $0x0  }
.LBB2_6:
0x44: {  	p0 =	sne.s32 s1, $0x30D00;
	[tilespmem:s24+$0x7700] =	vst v2;
	s25 =	smov.u32 s1;
	s1 =	sadd.s32 $0x40, s1  }
.Ltmp4:
0x45: {  	[tilespmem:s24+$0x13A80] =	vst v3;
	(pc) =	sbr.rel @p0 .LBB2_6-.Ltmp4, $2  }
0x46: {  	_ =	sdelay $0x2  }
0x47: {  	s24 =	sshra.s32 s25, $0x2  }
0x48: {  	[tilespmem:s24+$0x7700] =	vst v2  }
0x49: {  	[tilespmem:s24+$0x13A80] =	vst v3;
	s24 =	simm.s32 $0x0;
	s0 =	rddreg [dreg:$0x2]  }
0x4a: {  	[tilespmem:s24], [sflag:$0x3] =	stream.linear.gather [hbm4b:s0+s24], $0x320, $0x38;
	[tilespmem:$0x1FE00] =	vst v63  }
0x4b: {  	_ =	swait.ge [sflag:s14], $0x320  }
0x4c: {  	[sflag:s14] =	ssyncset.done $0x0  }
.Ltmp5:
0x4d: {  	[sflag:s14] =	ssyncadd.s32 $0xFFFFFCE0;
	(pc) =	sbr.rel .LBB2_8-.Ltmp5, $4  }
0x4e: {  	[tilespmem:s15], [sflag:$0x3] =	stream.linear.gather [hbm4b:s8+s24], $0x320, $0x38;
	[tilespmem:$0x1FE00] =	vst v63  }
0x4f: {  	_ =	swait.ge [sflag:s14], $0x320  }
0x50: {  	[sflag:s14] =	ssyncset.done $0x0  }
0x51: {  	s25 =	simm.s32 $0x0;
	[sflag:s14] =	ssyncadd.s32 $0xFFFFFCE0  }
.LBB2_24:
0x52: {  	s25 =	sadd.s32 $0x1, s25  }
0x53: {  	_ =	swait.ge [sflag:s22], $0x320;
	p0 =	sne.s32 s25, $0x4E2  }
.Ltmp6:
0x54: {  	[sflag:s22] =	ssyncset.done $0x0;
	(pc) =	sbr.rel @!p0 .LBB2_25-.Ltmp6, $4  }
0x55: {  	[sflag:s22] =	ssyncadd.s32 $0xFFFFFCE0  }
0x56: {  	_ =	swait.ge [sflag:s22], $0x320  }
0x57: {  	[sflag:s22] =	ssyncset.done $0x0  }
0x58: {  	[sflag:s22] =	ssyncadd.s32 $0xFFFFFCE0  }
.LBB2_8:
0x59: {  	s26 =	sshll.u32 s25, $0x1  }
0x5a: {  	s1 =	sadd.s32 s26, s9  }
0x5b: {  	s28 =	smulhi.u32 $0x68DB8BAD, s1;
	_ =	sdelay $0x1  }
0x5c: {  	s28 =	sshrl.u32 s28, $0xA  }
0x5d: {  	s28 =	smul.u32 $0x9C4, s28;
	_ =	sdelay $0x1  }
0x5e: {  	s1 =	ssub.s32 s1, s28  }
0x5f: {  	s1 =	smul.u32 $0x64, s1;
	_ =	sdelay $0x1  }
0x60: {  	s28 =	sadd.s32 s3, s1  }
0x61: {  	[tilespmem:s16], [sflag:$0x2] =	stream.linear.gather [hbm4b:s28+s24], $0x320, $0x38;
	[tilespmem:$0x1FE00] =	vst v63  }
0x62: {  	s31 =	simm.s32 $0x0;
	s1 =	sadd.s32 s4, s1  }
0x63: {  	[tilespmem:s17], [sflag:$0x2] =	stream.linear.gather [hbm4b:s1+s24], $0x320, $0x38;
	[tilespmem:$0x1FE00] =	vst v63  }
0x64: {  	v6 =	vld [tilespmem:s31+$0x0];
	_ =	sdelay $0x4  }
0x65: {  	v8 =	vshrl.u32 v6, $0x10  }
0x66: {  	(xrf1) =	vunique.msk.u32 $0xffff, v8;
	_ =	sdelay $0x1  }
0x67: {  	s29 =	simm.s32 $0x10;
	v5 =	vshrl.u32 v6, $0x1  }
0x68: {  	v7 =	vld [tilespmem:s29+$0x0];
	v5 =	vand.u32 $0x7FFF, v5;
	_ =	sdelay $0x1  }
0x69: {  	s28 =	simm.s32 $0x20  }
0x6a: {  	v10 =	vld [tilespmem:s28+$0x0];
	_ =	sdelay $0x1  }
0x6b: {  	v9 =	vshrl.u32 v7, $0x1;
	v13 =	vld.idx.msk [tilespmem:v5+s18+$0x0], $0xffff  }
0x6c: {  	v6 =	vand.u32 $0x1, v6;
	v14 =	vand.u32 $0x7FFF, v9  }
0x6d: {  	vm0 =	veq.s32 v6, $0x0;
	v6 =	vshrl.u32 v7, $0x10;
	v7 =	vand.u32 $0x1, v7  }
0x6e: {  	v9 =	vshrl.u32 v10, $0x1;
	vm1 =	veq.s32 v7, $0x0  }
0x6f: {  	vm0 =	vmmov vm0;
	v7 =	vshrl.u32 v10, $0x10;
	v10 =	vand.u32 $0x1, v10  }
0x70: {  	vm0 =	vmmov vm0;
	v16 =	vshll.u32 v13, $0x10;
	v17 =	vand.u32 $0xFFFF0000, v13  }
0x71: {  	vm15 =	veq.s32 v10, $0x0;
	v13 =	vld.idx.msk [tilespmem:v14+s18+$0x0], $0xffff;
	v10 =	vsel vm0, v17, v16;
	_, v14, vm0 =	vpop (xrf1);
	(xrf1) =	vunique.msk.u32 $0xffff, v6;
	_ =	sdelay $0x1  }
0x72: {  	v15 =	vld [tilespmem:s31+$0x700];
	(xrf1) =	vunique.msk.u32 $0xffff, v7;
	_ =	sdelay $0x2  }
0x73: {  	s30 =	simm.s32 $0x30  }
0x74: {  	v12 =	vand.u32 $0x7FFF, v9;
	v14 =	vld [tilespmem:s30+$0x0]  }
0x75: {  	v17 =	vmul.f32 v10, v15;
	v10 =	vld [tilespmem:s30+$0x700]  }
0x76: {  	vm1 =	vmmov vm1  }
0x77: {  	v11 =	vld [tilespmem:s29+$0x700];
	v5 =	vimm.s32 $0x0;
	v15 =	vsel vm0, $0x80000000, v4;
	vm0 =	vmneg vm0  }
0x78: {  	s1 =	simm.s32 $0x100;
	v9 =	vld [tilespmem:s28+$0x700];
	v15 =	vor.u32 v8, v15;
	v16 =	vsel vm0, $0x1, v4;
	vm0 =	vmmov vm1  }
.LBB2_9:
0x79: {  	s0 =	sshra.s32 s1, $0x2;
	p0 =	sne.s32 s1, $0xC40;
	s1 =	sadd.s32 $0x40, s1;
	v18 =	vshrl.u32 v14, $0x10;
	v19 =	vshrl.u32 v14, $0x1;
	v5 =	vor.u32 v16, v5;
	v16 =	vmovc v13;
	v13 =	vld.idx.msk [tilespmem:v12+s18+$0x0], $0xffff;
	v20 =	vmovc v17  }
.Ltmp7:
0x7a: {  	v22 =	vand.u32 $0x1, v14;
	s7 =	smov.u32 s30;
	v12 =	vand.u32 $0x7FFF, v19;
	v14 =	vld [tilespmem:s0+$0x0];
	(xrf1) =	vunique.msk.u32 $0xffff, v18;
	v19 =	vshll.u32 v16, $0x10;
	v21 =	vmovc v10;
	s30 =	smov.u32 s0;
	(pc) =	sbr.rel @p0 .LBB2_9-.Ltmp7, $4  }
0x7b: {  	vm1 =	vmmov vm15;
	v16 =	vand.u32 $0xFFFF0000, v16;
	vm15 =	veq.s32 v22, $0x0;
	v10 =	vld [tilespmem:s30+$0x700]  }
0x7c: {  	v16 =	vsel vm0, v16, v19;
	_, v17, vm0 =	vpop (xrf1);
	[tilespmem:v8+s19+$0x0] =	vst.idx.add.f32.msk $0xffff, v20;
	v8 =	vmov v6;
	v6 =	vmov v7  }
0x7d: {  	v7 =	vmovc v18;
	v17 =	vmul.f32 v16, v11;
	v16 =	vsel vm0, $0x80000000, v4;
	vm0 =	vmneg vm0;
	[tilespmem:s31+$0xE00] =	vst v15;
	v11 =	vmovc v9  }
0x7e: {  	v9 =	vmovc v21;
	v15 =	vor.u32 v8, v16;
	v16 =	vsel vm0, $0x1, v4;
	[tilespmem:s31+$0x1180] =	vst v20;
	vm0 =	vmmov vm1;
	s31 =	smov.u32 s29;
	s29 =	smov.u32 s28;
	s28 =	smov.u32 s7  }
0x7f: {  	v18 =	vshrl.u32 v14, $0x10  }
0x80: {  	v19 =	vshrl.u32 v14, $0x1;
	(xrf1) =	vunique.msk.u32 $0xffff, v18  }
0x81: {  	v19 =	vand.u32 $0x7FFF, v19;
	_ =	sdelay $0x1  }
0x82: {  	v12 =	vld.idx.msk [tilespmem:v12+s18+$0x0], $0xffff  }
0x83: {  	v54 =	vshll.u32 v13, $0x10;
	v55 =	vand.u32 $0xFFFF0000, v13  }
0x84: {  	[tilespmem:v8+s19+$0x0] =	vst.idx.add.f32.msk $0xffff, v17;
	v8 =	vsel vm0, v55, v54;
	_, v13, vm0 =	vpop (xrf1)  }
0x85: {  	vm1 =	vmmov vm15;
	v13 =	vld.idx.msk [tilespmem:v19+s18+$0x0], $0xffff  }
0x86: {  	v56 =	vand.u32 $0x1, v14;
	[tilespmem:s31+$0xE00] =	vst v15;
	vm1 =	vmmov vm1;
	v8 =	vmul.f32 v8, v11  }
0x87: {  	[tilespmem:s31+$0x1180] =	vst v17;
	v57 =	vsel vm0, $0x80000000, v4;
	v58 =	vshll.u32 v12, $0x10;
	v12 =	vand.u32 $0xFFFF0000, v12  }
0x88: {  	vm15 =	veq.s32 v56, $0x0;
	v11 =	vor.u32 v6, v57;
	[tilespmem:v6+s19+$0x0] =	vst.idx.add.f32.msk $0xffff, v8;
	v12 =	vsel vm1, v12, v58  }
0x89: {  	vm15 =	vmmov vm15;
	[tilespmem:s29+$0xE00] =	vst v11;
	v6 =	vmul.f32 v12, v9  }
0x8a: {  	vm15 =	vmmov vm15;
	[tilespmem:s29+$0x1180] =	vst v8;
	_, v59, vm1 =	vpop (xrf1);
	v61 =	vshll.u32 v13, $0x10;
	v62 =	vand.u32 $0xFFFF0000, v13  }
0x8b: {  	vm0 =	vmneg vm0;
	[tilespmem:v7+s19+$0x0] =	vst.idx.add.f32.msk $0xffff, v6;
	v60 =	vsel vm1, $0x80000000, v4;
	v8 =	vsel vm15, v62, v61  }
0x8c: {  	vm1 =	vmneg vm1;
	[tilespmem:s28+$0x1180] =	vst v6;
	v9 =	vor.u32 v7, v60;
	v8 =	vmul.f32 v8, v10  }
0x8d: {  	v5 =	vor.u32 v16, v5;
	v7 =	vsel vm0, $0x1, v4;
	v6 =	vsel vm1, $0x1, v4;
	[tilespmem:s28+$0xE00] =	vst v9;
	_, v63, vm0 =	vpop (xrf1)  }
0x8e: {  	v5 =	vor.u32 v7, v5;
	[tilespmem:v18+s19+$0x0] =	vst.idx.add.f32.msk $0xffff, v8;
	v7 =	vsel vm0, $0x80000000, v4;
	vm0 =	vmneg vm0  }
0x8f: {  	v5 =	vor.u32 v6, v5;
	[tilespmem:s30+$0x1180] =	vst v8;
	v7 =	vor.u32 v18, v7;
	v6 =	vsel vm0, $0x1, v4  }
0x90: {  	s29 =	simm.s32 $0xE40;
	s28 =	simm.s32 $0xFFFFFFF8;
	[tilespmem:s30+$0xE00] =	vst v7;
	v5 =	vor.u32 v6, v5;
	s30 =	simm.s32 $0x11C0  }
.LBB2_11:
0x91: {  	v6 =	vld [tilespmem:s29+$0xFFFFFFC0];
	_ =	sdelay $0x4  }
0x92: {  	v7 =	vand.u32 $0xFFFF, v6;
	_ =	sdelay $0x3  }
0x93: {  	v8 =	vld [tilespmem:s30+$0xFFFFFFC0]  }
0x94: {  	vm0 =	vlt.s32 v6, $0x0;
	v6 =	vld.idx.msk [tilespmem:v7+s20+$0x0], $0xffff;
	_ =	sdelay $0x4  }
0x95: {  	v6 =	vmax.f32 v6, v8  }
0x96: {  	[tilespmem:v7+s20+$0x0] =	vst.idx.msk vm0, v6  }
0x97: {  	v6 =	vld [tilespmem:s29+$0xFFFFFFD0];
	_ =	sdelay $0x4  }
0x98: {  	v7 =	vand.u32 $0xFFFF, v6;
	_ =	sdelay $0x3  }
0x99: {  	v57 =	vld [tilespmem:s30+$0xFFFFFFD0]  }
0x9a: {  	vm0 =	vlt.s32 v6, $0x0;
	v6 =	vld.idx.msk [tilespmem:v7+s20+$0x0], $0xffff;
	_ =	sdelay $0x4  }
0x9b: {  	v6 =	vmax.f32 v6, v57  }
0x9c: {  	[tilespmem:v7+s20+$0x0] =	vst.idx.msk vm0, v6  }
0x9d: {  	v6 =	vld [tilespmem:s29+$0xFFFFFFE0];
	_ =	sdelay $0x4  }
0x9e: {  	v7 =	vand.u32 $0xFFFF, v6;
	_ =	sdelay $0x3  }
0x9f: {  	v58 =	vld [tilespmem:s30+$0xFFFFFFE0]  }
0xa0: {  	vm0 =	vlt.s32 v6, $0x0;
	v6 =	vld.idx.msk [tilespmem:v7+s20+$0x0], $0xffff;
	_ =	sdelay $0x4  }
0xa1: {  	v6 =	vmax.f32 v6, v58  }
0xa2: {  	[tilespmem:v7+s20+$0x0] =	vst.idx.msk vm0, v6  }
0xa3: {  	v6 =	vld [tilespmem:s29+$0xFFFFFFF0];
	_ =	sdelay $0x4  }
0xa4: {  	v7 =	vand.u32 $0xFFFF, v6;
	_ =	sdelay $0x3  }
0xa5: {  	v59 =	vld [tilespmem:s30+$0xFFFFFFF0]  }
0xa6: {  	vm0 =	vlt.s32 v6, $0x0;
	v6 =	vld.idx.msk [tilespmem:v7+s20+$0x0], $0xffff;
	_ =	sdelay $0x4  }
0xa7: {  	v6 =	vmax.f32 v6, v59  }
0xa8: {  	[tilespmem:v7+s20+$0x0] =	vst.idx.msk vm0, v6  }
0xa9: {  	v6 =	vld [tilespmem:s29+$0x0];
	_ =	sdelay $0x4  }
0xaa: {  	v7 =	vand.u32 $0xFFFF, v6;
	_ =	sdelay $0x3  }
0xab: {  	v60 =	vld [tilespmem:s30+$0x0]  }
0xac: {  	vm0 =	vlt.s32 v6, $0x0;
	v6 =	vld.idx.msk [tilespmem:v7+s20+$0x0], $0xffff;
	_ =	sdelay $0x4  }
0xad: {  	v6 =	vmax.f32 v6, v60  }
0xae: {  	[tilespmem:v7+s20+$0x0] =	vst.idx.msk vm0, v6  }
0xaf: {  	v6 =	vld [tilespmem:s29+$0x10];
	_ =	sdelay $0x4  }
0xb0: {  	v7 =	vand.u32 $0xFFFF, v6;
	_ =	sdelay $0x3  }
0xb1: {  	v61 =	vld [tilespmem:s30+$0x10]  }
0xb2: {  	vm0 =	vlt.s32 v6, $0x0;
	v6 =	vld.idx.msk [tilespmem:v7+s20+$0x0], $0xffff;
	_ =	sdelay $0x4  }
0xb3: {  	v6 =	vmax.f32 v6, v61  }
0xb4: {  	[tilespmem:v7+s20+$0x0] =	vst.idx.msk vm0, v6  }
0xb5: {  	v6 =	vld [tilespmem:s29+$0x20];
	_ =	sdelay $0x4  }
0xb6: {  	v7 =	vand.u32 $0xFFFF, v6;
	_ =	sdelay $0x3  }
0xb7: {  	v62 =	vld [tilespmem:s30+$0x20]  }
0xb8: {  	vm0 =	vlt.s32 v6, $0x0;
	v6 =	vld.idx.msk [tilespmem:v7+s20+$0x0], $0xffff;
	_ =	sdelay $0x4  }
0xb9: {  	v6 =	vmax.f32 v6, v62  }
0xba: {  	[tilespmem:v7+s20+$0x0] =	vst.idx.msk vm0, v6  }
0xbb: {  	v6 =	vld [tilespmem:s29+$0x30];
	_ =	sdelay $0x4  }
0xbc: {  	v7 =	vand.u32 $0xFFFF, v6;
	_ =	sdelay $0x3  }
0xbd: {  	v63 =	vld [tilespmem:s30+$0x30]  }
0xbe: {  	s28 =	sadd.s32 $0x8, s28;
	vm0 =	vlt.s32 v6, $0x0;
	v6 =	vld.idx.msk [tilespmem:v7+s20+$0x0], $0xffff  }
0xbf: {  	p0 =	slt.u32 s28, $0x28  }
.Ltmp8:
0xc0: {  	_ = 	snop;
	(pc) =	sbr.rel @p0 .LBB2_11-.Ltmp8, $3  }
0xc1: {  	_ =	sdelay $0x1  }
0xc2: {  	v6 =	vmax.f32 v6, v63  }
0xc3: {  	s29 =	sadd.s32 $0x80, s29;
	s30 =	sadd.s32 $0x80, s30;
	[tilespmem:v7+s20+$0x0] =	vst.idx.msk vm0, v6  }
0xc4: {  	v6 =	vld [tilespmem:$0x1100];
	_ =	sdelay $0x3  }
0xc5: {  	v5 =	vxor.u32 $0x80000000, v5  }
0xc6: {  	(xrf0) =	vmax.scan.msk.u32 $0xffff, v5;
	v7 =	vand.u32 $0xFFFF, v6;
	_ =	sdelay $0x3  }
0xc7: {  	v8 =	vld [tilespmem:$0x1480]  }
0xc8: {  	vm0 =	vlt.s32 v6, $0x0;
	v5 =	vld.idx.msk [tilespmem:v7+s20+$0x0], $0xffff  }
0xc9: {  	v6, _, _ =	vpop (xrf0)  }
0xca: {  	(v2sf) =	vpush v6, $0xF;
	_ =	sdelay $0x2  }
0xcb: {  	v5 =	vmax.f32 v5, v8  }
0xcc: {  	[tilespmem:v7+s20+$0x0] =	vst.idx.msk vm0, v5  }
0xcd: {  	v5 =	vld [tilespmem:$0x1110];
	_ =	sdelay $0x4  }
0xce: {  	v6 =	vand.u32 $0xFFFF, v5;
	_ =	sdelay $0x3  }
0xcf: {  	v7 =	vld [tilespmem:$0x1490]  }
0xd0: {  	vm0 =	vlt.s32 v5, $0x0;
	s0 =	spop (v2sf);
	v5 =	vld.idx.msk [tilespmem:v6+s20+$0x0], $0xffff  }
0xd1: {  	p0 =	slt.u32 s0, $0x80000001  }
.Ltmp9:
0xd2: {  	_ = 	snop;
	(pc) =	sbr.rel @p0 .LBB2_16-.Ltmp9, $3  }
0xd3: {  	_ =	sdelay $0x1  }
0xd4: {  	v5 =	vmax.f32 v5, v7  }
0xd5: {  	s28 =	simm.s32 $0x0;
	[tilespmem:v6+s20+$0x0] =	vst.idx.msk vm0, v5  }
0xd6: {  	s0 =	simm.s32 $0x0  }
0xd7: {  	v5 =	vld [tilespmem:s0+$0xE00];
	_ =	sdelay $0x4  }
0xd8: {  	v5 =	vand.u32 $0xFFFF, v5;
	_ =	sdelay $0x3  }
0xd9: {  	v7 =	vld [tilespmem:s0+$0x1180]  }
0xda: {  	v6 =	vld.idx.msk [tilespmem:v5+s20+$0x0], $0xffff;
	_ =	sdelay $0x4  }
0xdb: {  	v6 =	vmax.f32 v6, v7  }
0xdc: {  	[tilespmem:v5+s20+$0x0] =	vst.idx.msk $0x1, v6  }
0xdd: {  	vm0 =	vcmask $0x704;
	v6 =	vld.idx.msk [tilespmem:v5+s20+$0x0], $0xffff;
	_ =	sdelay $0x4  }
0xde: {  	v6 =	vmax.f32 v6, v7  }
0xdf: {  	[tilespmem:v5+s20+$0x0] =	vst.idx.msk vm0, v6  }
0xe0: {  	vm1 =	vcmask $0xB08;
	v6 =	vld.idx.msk [tilespmem:v5+s20+$0x0], $0xffff;
	_ =	sdelay $0x4  }
0xe1: {  	v6 =	vmax.f32 v6, v7  }
0xe2: {  	[tilespmem:v5+s20+$0x0] =	vst.idx.msk vm1, v6  }
0xe3: {  	v6 =	vld.idx.msk [tilespmem:v5+s20+$0x0], $0xffff;
	_ =	sdelay $0x4  }
0xe4: {  	v6 =	vmax.f32 v6, v7  }
0xe5: {  	[tilespmem:v5+s20+$0x0] =	vst.idx.msk vm2, v6  }
0xe6: {  	v6 =	vld.idx.msk [tilespmem:v5+s20+$0x0], $0xffff;
	_ =	sdelay $0x4  }
0xe7: {  	v6 =	vmax.f32 v6, v7  }
0xe8: {  	[tilespmem:v5+s20+$0x0] =	vst.idx.msk vm3, v6  }
0xe9: {  	v6 =	vld.idx.msk [tilespmem:v5+s20+$0x0], $0xffff;
	_ =	sdelay $0x4  }
0xea: {  	v6 =	vmax.f32 v6, v7  }
0xeb: {  	[tilespmem:v5+s20+$0x0] =	vst.idx.msk vm4, v6  }
0xec: {  	v6 =	vld.idx.msk [tilespmem:v5+s20+$0x0], $0xffff;
	_ =	sdelay $0x4  }
0xed: {  	v6 =	vmax.f32 v6, v7  }
0xee: {  	[tilespmem:v5+s20+$0x0] =	vst.idx.msk vm5, v6  }
0xef: {  	v6 =	vld.idx.msk [tilespmem:v5+s20+$0x0], $0xffff;
	_ =	sdelay $0x4  }
0xf0: {  	v6 =	vmax.f32 v6, v7  }
0xf1: {  	[tilespmem:v5+s20+$0x0] =	vst.idx.msk vm6, v6  }
0xf2: {  	v6 =	vld.idx.msk [tilespmem:v5+s20+$0x0], $0xffff;
	_ =	sdelay $0x4  }
0xf3: {  	v6 =	vmax.f32 v6, v7  }
0xf4: {  	[tilespmem:v5+s20+$0x0] =	vst.idx.msk vm7, v6  }
0xf5: {  	v6 =	vld.idx.msk [tilespmem:v5+s20+$0x0], $0xffff;
	_ =	sdelay $0x4  }
0xf6: {  	v6 =	vmax.f32 v6, v7  }
0xf7: {  	[tilespmem:v5+s20+$0x0] =	vst.idx.msk vm8, v6  }
0xf8: {  	v6 =	vld.idx.msk [tilespmem:v5+s20+$0x0], $0xffff;
	_ =	sdelay $0x4  }
0xf9: {  	v6 =	vmax.f32 v6, v7  }
0xfa: {  	[tilespmem:v5+s20+$0x0] =	vst.idx.msk vm9, v6  }
0xfb: {  	v6 =	vld.idx.msk [tilespmem:v5+s20+$0x0], $0xffff;
	_ =	sdelay $0x4  }
0xfc: {  	v6 =	vmax.f32 v6, v7  }
0xfd: {  	[tilespmem:v5+s20+$0x0] =	vst.idx.msk vm10, v6  }
0xfe: {  	v6 =	vld.idx.msk [tilespmem:v5+s20+$0x0], $0xffff;
	_ =	sdelay $0x4  }
0xff: {  	v6 =	vmax.f32 v6, v7  }
0x100: {  	[tilespmem:v5+s20+$0x0] =	vst.idx.msk vm11, v6  }
0x101: {  	v6 =	vld.idx.msk [tilespmem:v5+s20+$0x0], $0xffff;
	_ =	sdelay $0x4  }
0x102: {  	v6 =	vmax.f32 v6, v7  }
0x103: {  	[tilespmem:v5+s20+$0x0] =	vst.idx.msk vm12, v6  }
0x104: {  	v6 =	vld.idx.msk [tilespmem:v5+s20+$0x0], $0xffff;
	_ =	sdelay $0x4  }
0x105: {  	v6 =	vmax.f32 v6, v7  }
0x106: {  	[tilespmem:v5+s20+$0x0] =	vst.idx.msk vm13, v6  }
0x107: {  	v6 =	vld.idx.msk [tilespmem:v5+s20+$0x0], $0xffff;
	_ =	sdelay $0x4  }
0x108: {  	s29 =	simm.s32 $0x40;
	s30 =	simm.s32 $0x80;
	v6 =	vmax.f32 v6, v7  }
.LBB2_14:
0x109: {  	p0 =	sne.s32 s30, $0xC40  }
0x10a: {  	s0 =	sshra.s32 s29, $0x2;
	[tilespmem:v5+s20+$0x0] =	vst.idx.msk vm14, v6;
	s29 =	smov.u32 s30;
	s30 =	sadd.s32 $0x40, s30  }
0x10b: {  	v5 =	vld [tilespmem:s0+$0xE00];
	_ =	sdelay $0x4  }
0x10c: {  	v5 =	vand.u32 $0xFFFF, v5;
	_ =	sdelay $0x4  }
0x10d: {  	v7 =	vld.idx.msk [tilespmem:v5+s20+$0x0], $0xffff  }
0x10e: {  	v6 =	vld [tilespmem:s0+$0x1180];
	_ =	sdelay $0x4  }
0x10f: {  	v7 =	vmax.f32 v7, v6  }
0x110: {  	[tilespmem:v5+s20+$0x0] =	vst.idx.msk $0x1, v7  }
0x111: {  	v7 =	vld.idx.msk [tilespmem:v5+s20+$0x0], $0xffff;
	_ =	sdelay $0x5  }
0x112: {  	v7 =	vmax.f32 v7, v6  }
0x113: {  	[tilespmem:v5+s20+$0x0] =	vst.idx.msk vm0, v7  }
0x114: {  	v7 =	vld.idx.msk [tilespmem:v5+s20+$0x0], $0xffff;
	_ =	sdelay $0x5  }
0x115: {  	v7 =	vmax.f32 v7, v6  }
0x116: {  	[tilespmem:v5+s20+$0x0] =	vst.idx.msk vm1, v7  }
0x117: {  	v7 =	vld.idx.msk [tilespmem:v5+s20+$0x0], $0xffff;
	_ =	sdelay $0x5  }
0x118: {  	v7 =	vmax.f32 v7, v6  }
0x119: {  	[tilespmem:v5+s20+$0x0] =	vst.idx.msk vm2, v7  }
0x11a: {  	v7 =	vld.idx.msk [tilespmem:v5+s20+$0x0], $0xffff;
	_ =	sdelay $0x5  }
0x11b: {  	v7 =	vmax.f32 v7, v6  }
0x11c: {  	[tilespmem:v5+s20+$0x0] =	vst.idx.msk vm3, v7  }
0x11d: {  	v7 =	vld.idx.msk [tilespmem:v5+s20+$0x0], $0xffff;
	_ =	sdelay $0x5  }
0x11e: {  	v7 =	vmax.f32 v7, v6  }
0x11f: {  	[tilespmem:v5+s20+$0x0] =	vst.idx.msk vm4, v7  }
0x120: {  	v7 =	vld.idx.msk [tilespmem:v5+s20+$0x0], $0xffff;
	_ =	sdelay $0x5  }
0x121: {  	v7 =	vmax.f32 v7, v6  }
0x122: {  	[tilespmem:v5+s20+$0x0] =	vst.idx.msk vm5, v7  }
0x123: {  	v7 =	vld.idx.msk [tilespmem:v5+s20+$0x0], $0xffff;
	_ =	sdelay $0x5  }
0x124: {  	v7 =	vmax.f32 v7, v6  }
0x125: {  	[tilespmem:v5+s20+$0x0] =	vst.idx.msk vm6, v7  }
0x126: {  	v7 =	vld.idx.msk [tilespmem:v5+s20+$0x0], $0xffff;
	_ =	sdelay $0x5  }
0x127: {  	v7 =	vmax.f32 v7, v6  }
0x128: {  	[tilespmem:v5+s20+$0x0] =	vst.idx.msk vm7, v7  }
0x129: {  	v7 =	vld.idx.msk [tilespmem:v5+s20+$0x0], $0xffff;
	_ =	sdelay $0x5  }
0x12a: {  	v7 =	vmax.f32 v7, v6  }
0x12b: {  	[tilespmem:v5+s20+$0x0] =	vst.idx.msk vm8, v7  }
0x12c: {  	v7 =	vld.idx.msk [tilespmem:v5+s20+$0x0], $0xffff;
	_ =	sdelay $0x5  }
0x12d: {  	v7 =	vmax.f32 v7, v6  }
0x12e: {  	[tilespmem:v5+s20+$0x0] =	vst.idx.msk vm9, v7  }
0x12f: {  	v7 =	vld.idx.msk [tilespmem:v5+s20+$0x0], $0xffff;
	_ =	sdelay $0x5  }
0x130: {  	v7 =	vmax.f32 v7, v6  }
0x131: {  	[tilespmem:v5+s20+$0x0] =	vst.idx.msk vm10, v7  }
0x132: {  	v7 =	vld.idx.msk [tilespmem:v5+s20+$0x0], $0xffff;
	_ =	sdelay $0x5  }
0x133: {  	v7 =	vmax.f32 v7, v6  }
0x134: {  	[tilespmem:v5+s20+$0x0] =	vst.idx.msk vm11, v7  }
0x135: {  	v7 =	vld.idx.msk [tilespmem:v5+s20+$0x0], $0xffff;
	_ =	sdelay $0x5  }
0x136: {  	v7 =	vmax.f32 v7, v6  }
0x137: {  	[tilespmem:v5+s20+$0x0] =	vst.idx.msk vm12, v7  }
0x138: {  	v7 =	vld.idx.msk [tilespmem:v5+s20+$0x0], $0xffff;
	_ =	sdelay $0x5  }
0x139: {  	v7 =	vmax.f32 v7, v6  }
0x13a: {  	[tilespmem:v5+s20+$0x0] =	vst.idx.msk vm13, v7  }
0x13b: {  	v7 =	vld.idx.msk [tilespmem:v5+s20+$0x0], $0xffff;
	_ =	sdelay $0x1  }
.Ltmp10:
0x13c: {  	(pc) =	sbr.rel @p0 .LBB2_14-.Ltmp10, $2  }
0x13d: {  	_ =	sdelay $0x2  }
0x13e: {  	v6 =	vmax.f32 v7, v6  }
0x13f: {  	_ =	sdelay $0x4  }
0x140: {  	s0 =	sshra.s32 s29, $0x2;
	[tilespmem:v5+s20+$0x0] =	vst.idx.msk vm14, v6  }
0x141: {  	v5 =	vld [tilespmem:s0+$0xE00];
	_ =	sdelay $0x4  }
0x142: {  	v5 =	vand.u32 $0xFFFF, v5;
	_ =	sdelay $0x3  }
0x143: {  	v7 =	vld [tilespmem:s0+$0x1180]  }
0x144: {  	v6 =	vld.idx.msk [tilespmem:v5+s20+$0x0], $0xffff;
	_ =	sdelay $0x4  }
0x145: {  	v6 =	vmax.f32 v6, v7  }
0x146: {  	[tilespmem:v5+s20+$0x0] =	vst.idx.msk $0x1, v6  }
0x147: {  	v6 =	vld.idx.msk [tilespmem:v5+s20+$0x0], $0xffff;
	_ =	sdelay $0x4  }
0x148: {  	v6 =	vmax.f32 v6, v7  }
0x149: {  	[tilespmem:v5+s20+$0x0] =	vst.idx.msk vm0, v6  }
0x14a: {  	v6 =	vld.idx.msk [tilespmem:v5+s20+$0x0], $0xffff;
	_ =	sdelay $0x4  }
0x14b: {  	v6 =	vmax.f32 v6, v7  }
0x14c: {  	[tilespmem:v5+s20+$0x0] =	vst.idx.msk vm1, v6  }
0x14d: {  	v6 =	vld.idx.msk [tilespmem:v5+s20+$0x0], $0xffff;
	_ =	sdelay $0x4  }
0x14e: {  	v6 =	vmax.f32 v6, v7  }
0x14f: {  	[tilespmem:v5+s20+$0x0] =	vst.idx.msk vm2, v6  }
0x150: {  	v6 =	vld.idx.msk [tilespmem:v5+s20+$0x0], $0xffff;
	_ =	sdelay $0x4  }
0x151: {  	v6 =	vmax.f32 v6, v7  }
0x152: {  	[tilespmem:v5+s20+$0x0] =	vst.idx.msk vm3, v6  }
0x153: {  	v6 =	vld.idx.msk [tilespmem:v5+s20+$0x0], $0xffff;
	_ =	sdelay $0x4  }
0x154: {  	v6 =	vmax.f32 v6, v7  }
0x155: {  	[tilespmem:v5+s20+$0x0] =	vst.idx.msk vm4, v6  }
0x156: {  	v6 =	vld.idx.msk [tilespmem:v5+s20+$0x0], $0xffff;
	_ =	sdelay $0x4  }
0x157: {  	v6 =	vmax.f32 v6, v7  }
0x158: {  	[tilespmem:v5+s20+$0x0] =	vst.idx.msk vm5, v6  }
0x159: {  	v6 =	vld.idx.msk [tilespmem:v5+s20+$0x0], $0xffff;
	_ =	sdelay $0x4  }
0x15a: {  	v6 =	vmax.f32 v6, v7  }
0x15b: {  	[tilespmem:v5+s20+$0x0] =	vst.idx.msk vm6, v6  }
0x15c: {  	v6 =	vld.idx.msk [tilespmem:v5+s20+$0x0], $0xffff;
	_ =	sdelay $0x4  }
0x15d: {  	v6 =	vmax.f32 v6, v7  }
0x15e: {  	[tilespmem:v5+s20+$0x0] =	vst.idx.msk vm7, v6  }
0x15f: {  	v6 =	vld.idx.msk [tilespmem:v5+s20+$0x0], $0xffff;
	_ =	sdelay $0x4  }
0x160: {  	v6 =	vmax.f32 v6, v7  }
0x161: {  	[tilespmem:v5+s20+$0x0] =	vst.idx.msk vm8, v6  }
0x162: {  	v6 =	vld.idx.msk [tilespmem:v5+s20+$0x0], $0xffff;
	_ =	sdelay $0x4  }
0x163: {  	v6 =	vmax.f32 v6, v7  }
0x164: {  	[tilespmem:v5+s20+$0x0] =	vst.idx.msk vm9, v6  }
0x165: {  	v6 =	vld.idx.msk [tilespmem:v5+s20+$0x0], $0xffff;
	_ =	sdelay $0x4  }
0x166: {  	v6 =	vmax.f32 v6, v7  }
0x167: {  	[tilespmem:v5+s20+$0x0] =	vst.idx.msk vm10, v6  }
0x168: {  	v6 =	vld.idx.msk [tilespmem:v5+s20+$0x0], $0xffff;
	_ =	sdelay $0x4  }
0x169: {  	v6 =	vmax.f32 v6, v7  }
0x16a: {  	[tilespmem:v5+s20+$0x0] =	vst.idx.msk vm11, v6  }
0x16b: {  	v6 =	vld.idx.msk [tilespmem:v5+s20+$0x0], $0xffff;
	_ =	sdelay $0x4  }
0x16c: {  	v6 =	vmax.f32 v6, v7  }
0x16d: {  	[tilespmem:v5+s20+$0x0] =	vst.idx.msk vm12, v6  }
0x16e: {  	v6 =	vld.idx.msk [tilespmem:v5+s20+$0x0], $0xffff;
	_ =	sdelay $0x4  }
0x16f: {  	v6 =	vmax.f32 v6, v7  }
0x170: {  	[tilespmem:v5+s20+$0x0] =	vst.idx.msk vm13, v6  }
0x171: {  	v6 =	vld.idx.msk [tilespmem:v5+s20+$0x0], $0xffff;
	_ =	sdelay $0x4  }
0x172: {  	v6 =	vmax.f32 v6, v7  }
0x173: {  	[tilespmem:v5+s20+$0x0] =	vst.idx.msk vm14, v6  }
.LBB2_16:
0x174: {  	s0 =	sadd.s32 s26, s10  }
0x175: {  	s1 =	smulhi.u32 $0x68DB8BAD, s0;
	_ =	sdelay $0x1  }
0x176: {  	s1 =	sshrl.u32 s1, $0xA  }
0x177: {  	s1 =	smul.u32 $0x9C4, s1;
	_ =	sdelay $0x1  }
0x178: {  	s0 =	ssub.s32 s0, s1  }
0x179: {  	s0 =	smul.u32 $0x64, s0;
	_ =	sdelay $0x1  }
0x17a: {  	s31 =	sadd.s32 s3, s0  }
0x17b: {  	[tilespmem:s28], [sflag:$0x1] =	stream.linear.gather [hbm4b:s31+s28], $0x320, $0x38;
	[tilespmem:$0x1FE00] =	vst v63  }
0x17c: {  	s0 =	sadd.s32 s4, s0  }
0x17d: {  	[tilespmem:s15], [sflag:$0x1] =	stream.linear.gather [hbm4b:s0+s28], $0x320, $0x38;
	[tilespmem:$0x1FE00] =	vst v63  }
0x17e: {  	_ =	swait.ge [sflag:s21], $0x320  }
0x17f: {  	[sflag:s21] =	ssyncset.done $0x0  }
0x180: {  	[sflag:s21] =	ssyncadd.s32 $0xFFFFFCE0  }
0x181: {  	_ =	swait.ge [sflag:s21], $0x320  }
0x182: {  	[sflag:s21] =	ssyncset.done $0x0  }
0x183: {  	s30 =	simm.s32 $0x0;
	[sflag:s21] =	ssyncadd.s32 $0xFFFFFCE0  }
0x184: {  	v6 =	vld [tilespmem:s30+$0x380];
	_ =	sdelay $0x4  }
0x185: {  	v8 =	vshrl.u32 v6, $0x10  }
0x186: {  	(xrf1) =	vunique.msk.u32 $0xffff, v8;
	_ =	sdelay $0x1  }
0x187: {  	s28 =	simm.s32 $0x10;
	v5 =	vshrl.u32 v6, $0x1  }
0x188: {  	v7 =	vld [tilespmem:s28+$0x380];
	v5 =	vand.u32 $0x7FFF, v5;
	_ =	sdelay $0x1  }
0x189: {  	s26 =	simm.s32 $0x20  }
0x18a: {  	v10 =	vld [tilespmem:s26+$0x380];
	_ =	sdelay $0x1  }
0x18b: {  	v9 =	vshrl.u32 v7, $0x1;
	v13 =	vld.idx.msk [tilespmem:v5+s18+$0x0], $0xffff  }
0x18c: {  	v6 =	vand.u32 $0x1, v6;
	v14 =	vand.u32 $0x7FFF, v9  }
0x18d: {  	vm0 =	veq.s32 v6, $0x0;
	v6 =	vshrl.u32 v7, $0x10;
	v7 =	vand.u32 $0x1, v7  }
0x18e: {  	v9 =	vshrl.u32 v10, $0x1;
	vm1 =	veq.s32 v7, $0x0  }
0x18f: {  	vm0 =	vmmov vm0;
	v7 =	vshrl.u32 v10, $0x10;
	v10 =	vand.u32 $0x1, v10  }
0x190: {  	vm0 =	vmmov vm0;
	v16 =	vshll.u32 v13, $0x10;
	v17 =	vand.u32 $0xFFFF0000, v13  }
0x191: {  	vm15 =	veq.s32 v10, $0x0;
	v13 =	vld.idx.msk [tilespmem:v14+s18+$0x0], $0xffff;
	v10 =	vsel vm0, v17, v16;
	_, v14, vm0 =	vpop (xrf1);
	(xrf1) =	vunique.msk.u32 $0xffff, v6;
	_ =	sdelay $0x1  }
0x192: {  	v15 =	vld [tilespmem:s30+$0xA80];
	(xrf1) =	vunique.msk.u32 $0xffff, v7;
	_ =	sdelay $0x2  }
0x193: {  	s29 =	simm.s32 $0x30  }
0x194: {  	v12 =	vand.u32 $0x7FFF, v9;
	v14 =	vld [tilespmem:s29+$0x380]  }
0x195: {  	v17 =	vmul.f32 v10, v15;
	v10 =	vld [tilespmem:s29+$0xA80]  }
0x196: {  	vm1 =	vmmov vm1  }
0x197: {  	v11 =	vld [tilespmem:s28+$0xA80];
	v5 =	vimm.s32 $0x0;
	v15 =	vsel vm0, $0x80000000, v4;
	vm0 =	vmneg vm0  }
0x198: {  	s1 =	simm.s32 $0x100;
	v9 =	vld [tilespmem:s26+$0xA80];
	v15 =	vor.u32 v8, v15;
	v16 =	vsel vm0, $0x1, v4;
	vm0 =	vmmov vm1  }
.LBB2_17:
0x199: {  	s0 =	sshra.s32 s1, $0x2;
	p0 =	sne.s32 s1, $0xC40;
	s1 =	sadd.s32 $0x40, s1;
	v18 =	vshrl.u32 v14, $0x10;
	v19 =	vshrl.u32 v14, $0x1;
	v5 =	vor.u32 v16, v5;
	v16 =	vmovc v13;
	v13 =	vld.idx.msk [tilespmem:v12+s18+$0x0], $0xffff;
	v20 =	vmovc v17  }
.Ltmp11:
0x19a: {  	v22 =	vand.u32 $0x1, v14;
	s7 =	smov.u32 s29;
	v12 =	vand.u32 $0x7FFF, v19;
	v14 =	vld [tilespmem:s0+$0x380];
	(xrf1) =	vunique.msk.u32 $0xffff, v18;
	v19 =	vshll.u32 v16, $0x10;
	v21 =	vmovc v10;
	s29 =	smov.u32 s0;
	(pc) =	sbr.rel @p0 .LBB2_17-.Ltmp11, $4  }
0x19b: {  	vm1 =	vmmov vm15;
	v16 =	vand.u32 $0xFFFF0000, v16;
	vm15 =	veq.s32 v22, $0x0;
	v10 =	vld [tilespmem:s29+$0xA80]  }
0x19c: {  	v16 =	vsel vm0, v16, v19;
	_, v17, vm0 =	vpop (xrf1);
	[tilespmem:v8+s19+$0x0] =	vst.idx.add.f32.msk $0xffff, v20;
	v8 =	vmov v6;
	v6 =	vmov v7  }
0x19d: {  	v7 =	vmovc v18;
	v17 =	vmul.f32 v16, v11;
	v16 =	vsel vm0, $0x80000000, v4;
	vm0 =	vmneg vm0;
	[tilespmem:s30+$0xE00] =	vst v15;
	v11 =	vmovc v9  }
0x19e: {  	v9 =	vmovc v21;
	v15 =	vor.u32 v8, v16;
	v16 =	vsel vm0, $0x1, v4;
	[tilespmem:s30+$0x1180] =	vst v20;
	vm0 =	vmmov vm1;
	s30 =	smov.u32 s28;
	s28 =	smov.u32 s26;
	s26 =	smov.u32 s7  }
0x19f: {  	v18 =	vshrl.u32 v14, $0x10  }
0x1a0: {  	v19 =	vshrl.u32 v14, $0x1;
	(xrf1) =	vunique.msk.u32 $0xffff, v18  }
0x1a1: {  	v19 =	vand.u32 $0x7FFF, v19;
	_ =	sdelay $0x1  }
0x1a2: {  	v12 =	vld.idx.msk [tilespmem:v12+s18+$0x0], $0xffff  }
0x1a3: {  	v54 =	vshll.u32 v13, $0x10;
	v55 =	vand.u32 $0xFFFF0000, v13  }
0x1a4: {  	[tilespmem:v8+s19+$0x0] =	vst.idx.add.f32.msk $0xffff, v17;
	v8 =	vsel vm0, v55, v54;
	_, v13, vm0 =	vpop (xrf1)  }
0x1a5: {  	vm1 =	vmmov vm15;
	v13 =	vld.idx.msk [tilespmem:v19+s18+$0x0], $0xffff  }
0x1a6: {  	v56 =	vand.u32 $0x1, v14;
	[tilespmem:s30+$0xE00] =	vst v15;
	vm1 =	vmmov vm1;
	v8 =	vmul.f32 v8, v11  }
0x1a7: {  	[tilespmem:s30+$0x1180] =	vst v17;
	v57 =	vsel vm0, $0x80000000, v4;
	v58 =	vshll.u32 v12, $0x10;
	v12 =	vand.u32 $0xFFFF0000, v12  }
0x1a8: {  	vm15 =	veq.s32 v56, $0x0;
	v11 =	vor.u32 v6, v57;
	[tilespmem:v6+s19+$0x0] =	vst.idx.add.f32.msk $0xffff, v8;
	v12 =	vsel vm1, v12, v58  }
0x1a9: {  	vm15 =	vmmov vm15;
	[tilespmem:s28+$0xE00] =	vst v11;
	v6 =	vmul.f32 v12, v9  }
0x1aa: {  	vm15 =	vmmov vm15;
	[tilespmem:s28+$0x1180] =	vst v8;
	_, v59, vm1 =	vpop (xrf1);
	v61 =	vshll.u32 v13, $0x10;
	v62 =	vand.u32 $0xFFFF0000, v13  }
0x1ab: {  	vm0 =	vmneg vm0;
	[tilespmem:v7+s19+$0x0] =	vst.idx.add.f32.msk $0xffff, v6;
	v60 =	vsel vm1, $0x80000000, v4;
	v8 =	vsel vm15, v62, v61  }
0x1ac: {  	vm1 =	vmneg vm1;
	[tilespmem:s26+$0x1180] =	vst v6;
	v9 =	vor.u32 v7, v60;
	v8 =	vmul.f32 v8, v10  }
0x1ad: {  	v5 =	vor.u32 v16, v5;
	v7 =	vsel vm0, $0x1, v4;
	v6 =	vsel vm1, $0x1, v4;
	[tilespmem:s26+$0xE00] =	vst v9;
	_, v63, vm0 =	vpop (xrf1)  }
0x1ae: {  	v5 =	vor.u32 v7, v5;
	[tilespmem:v18+s19+$0x0] =	vst.idx.add.f32.msk $0xffff, v8;
	v7 =	vsel vm0, $0x80000000, v4;
	vm0 =	vmneg vm0  }
0x1af: {  	v5 =	vor.u32 v6, v5;
	[tilespmem:s29+$0x1180] =	vst v8;
	v7 =	vor.u32 v18, v7;
	v6 =	vsel vm0, $0x1, v4  }
0x1b0: {  	s28 =	simm.s32 $0xE40;
	s26 =	simm.s32 $0xFFFFFFF8;
	[tilespmem:s29+$0xE00] =	vst v7;
	v5 =	vor.u32 v6, v5;
	s29 =	simm.s32 $0x11C0  }
.LBB2_19:
0x1b1: {  	v6 =	vld [tilespmem:s28+$0xFFFFFFC0];
	_ =	sdelay $0x4  }
0x1b2: {  	v7 =	vand.u32 $0xFFFF, v6;
	_ =	sdelay $0x3  }
0x1b3: {  	v8 =	vld [tilespmem:s29+$0xFFFFFFC0]  }
0x1b4: {  	vm0 =	vlt.s32 v6, $0x0;
	v6 =	vld.idx.msk [tilespmem:v7+s20+$0x0], $0xffff;
	_ =	sdelay $0x4  }
0x1b5: {  	v6 =	vmax.f32 v6, v8  }
0x1b6: {  	[tilespmem:v7+s20+$0x0] =	vst.idx.msk vm0, v6  }
0x1b7: {  	v6 =	vld [tilespmem:s28+$0xFFFFFFD0];
	_ =	sdelay $0x4  }
0x1b8: {  	v7 =	vand.u32 $0xFFFF, v6;
	_ =	sdelay $0x3  }
0x1b9: {  	v57 =	vld [tilespmem:s29+$0xFFFFFFD0]  }
0x1ba: {  	vm0 =	vlt.s32 v6, $0x0;
	v6 =	vld.idx.msk [tilespmem:v7+s20+$0x0], $0xffff;
	_ =	sdelay $0x4  }
0x1bb: {  	v6 =	vmax.f32 v6, v57  }
0x1bc: {  	[tilespmem:v7+s20+$0x0] =	vst.idx.msk vm0, v6  }
0x1bd: {  	v6 =	vld [tilespmem:s28+$0xFFFFFFE0];
	_ =	sdelay $0x4  }
0x1be: {  	v7 =	vand.u32 $0xFFFF, v6;
	_ =	sdelay $0x3  }
0x1bf: {  	v58 =	vld [tilespmem:s29+$0xFFFFFFE0]  }
0x1c0: {  	vm0 =	vlt.s32 v6, $0x0;
	v6 =	vld.idx.msk [tilespmem:v7+s20+$0x0], $0xffff;
	_ =	sdelay $0x4  }
0x1c1: {  	v6 =	vmax.f32 v6, v58  }
0x1c2: {  	[tilespmem:v7+s20+$0x0] =	vst.idx.msk vm0, v6  }
0x1c3: {  	v6 =	vld [tilespmem:s28+$0xFFFFFFF0];
	_ =	sdelay $0x4  }
0x1c4: {  	v7 =	vand.u32 $0xFFFF, v6;
	_ =	sdelay $0x3  }
0x1c5: {  	v59 =	vld [tilespmem:s29+$0xFFFFFFF0]  }
0x1c6: {  	vm0 =	vlt.s32 v6, $0x0;
	v6 =	vld.idx.msk [tilespmem:v7+s20+$0x0], $0xffff;
	_ =	sdelay $0x4  }
0x1c7: {  	v6 =	vmax.f32 v6, v59  }
0x1c8: {  	[tilespmem:v7+s20+$0x0] =	vst.idx.msk vm0, v6  }
0x1c9: {  	v6 =	vld [tilespmem:s28+$0x0];
	_ =	sdelay $0x4  }
0x1ca: {  	v7 =	vand.u32 $0xFFFF, v6;
	_ =	sdelay $0x3  }
0x1cb: {  	v60 =	vld [tilespmem:s29+$0x0]  }
0x1cc: {  	vm0 =	vlt.s32 v6, $0x0;
	v6 =	vld.idx.msk [tilespmem:v7+s20+$0x0], $0xffff;
	_ =	sdelay $0x4  }
0x1cd: {  	v6 =	vmax.f32 v6, v60  }
0x1ce: {  	[tilespmem:v7+s20+$0x0] =	vst.idx.msk vm0, v6  }
0x1cf: {  	v6 =	vld [tilespmem:s28+$0x10];
	_ =	sdelay $0x4  }
0x1d0: {  	v7 =	vand.u32 $0xFFFF, v6;
	_ =	sdelay $0x3  }
0x1d1: {  	v61 =	vld [tilespmem:s29+$0x10]  }
0x1d2: {  	vm0 =	vlt.s32 v6, $0x0;
	v6 =	vld.idx.msk [tilespmem:v7+s20+$0x0], $0xffff;
	_ =	sdelay $0x4  }
0x1d3: {  	v6 =	vmax.f32 v6, v61  }
0x1d4: {  	[tilespmem:v7+s20+$0x0] =	vst.idx.msk vm0, v6  }
0x1d5: {  	v6 =	vld [tilespmem:s28+$0x20];
	_ =	sdelay $0x4  }
0x1d6: {  	v7 =	vand.u32 $0xFFFF, v6;
	_ =	sdelay $0x3  }
0x1d7: {  	v62 =	vld [tilespmem:s29+$0x20]  }
0x1d8: {  	vm0 =	vlt.s32 v6, $0x0;
	v6 =	vld.idx.msk [tilespmem:v7+s20+$0x0], $0xffff;
	_ =	sdelay $0x4  }
0x1d9: {  	v6 =	vmax.f32 v6, v62  }
0x1da: {  	[tilespmem:v7+s20+$0x0] =	vst.idx.msk vm0, v6  }
0x1db: {  	v6 =	vld [tilespmem:s28+$0x30];
	_ =	sdelay $0x4  }
0x1dc: {  	v7 =	vand.u32 $0xFFFF, v6;
	_ =	sdelay $0x3  }
0x1dd: {  	v63 =	vld [tilespmem:s29+$0x30]  }
0x1de: {  	s26 =	sadd.s32 $0x8, s26;
	vm0 =	vlt.s32 v6, $0x0;
	v6 =	vld.idx.msk [tilespmem:v7+s20+$0x0], $0xffff  }
0x1df: {  	p0 =	slt.u32 s26, $0x28  }
.Ltmp12:
0x1e0: {  	_ = 	snop;
	(pc) =	sbr.rel @p0 .LBB2_19-.Ltmp12, $3  }
0x1e1: {  	_ =	sdelay $0x1  }
0x1e2: {  	v6 =	vmax.f32 v6, v63  }
0x1e3: {  	s28 =	sadd.s32 $0x80, s28;
	s29 =	sadd.s32 $0x80, s29;
	[tilespmem:v7+s20+$0x0] =	vst.idx.msk vm0, v6  }
0x1e4: {  	v6 =	vld [tilespmem:$0x1100];
	_ =	sdelay $0x3  }
0x1e5: {  	v5 =	vxor.u32 $0x80000000, v5  }
0x1e6: {  	(xrf0) =	vmax.scan.msk.u32 $0xffff, v5;
	v7 =	vand.u32 $0xFFFF, v6;
	_ =	sdelay $0x3  }
0x1e7: {  	v8 =	vld [tilespmem:$0x1480]  }
0x1e8: {  	vm0 =	vlt.s32 v6, $0x0;
	v5 =	vld.idx.msk [tilespmem:v7+s20+$0x0], $0xffff  }
0x1e9: {  	v6, _, _ =	vpop (xrf0)  }
0x1ea: {  	(v2sf) =	vpush v6, $0xF;
	_ =	sdelay $0x2  }
0x1eb: {  	v5 =	vmax.f32 v5, v8  }
0x1ec: {  	[tilespmem:v7+s20+$0x0] =	vst.idx.msk vm0, v5  }
0x1ed: {  	v5 =	vld [tilespmem:$0x1110];
	_ =	sdelay $0x4  }
0x1ee: {  	v6 =	vand.u32 $0xFFFF, v5;
	_ =	sdelay $0x3  }
0x1ef: {  	v7 =	vld [tilespmem:$0x1490]  }
0x1f0: {  	vm0 =	vlt.s32 v5, $0x0;
	s0 =	spop (v2sf);
	v5 =	vld.idx.msk [tilespmem:v6+s20+$0x0], $0xffff  }
0x1f1: {  	p0 =	slt.u32 s0, $0x80000001  }
.Ltmp13:
0x1f2: {  	_ = 	snop;
	(pc) =	sbr.rel @p0 .LBB2_24-.Ltmp13, $3  }
0x1f3: {  	_ =	sdelay $0x1  }
0x1f4: {  	v5 =	vmax.f32 v5, v7  }
0x1f5: {  	vm1 =	vcmask $0xB08;
	[tilespmem:v6+s20+$0x0] =	vst.idx.msk vm0, v5;
	vm0 =	vcmask $0x704  }
0x1f6: {  	s0 =	simm.s32 $0x0  }
0x1f7: {  	v5 =	vld [tilespmem:s0+$0xE00];
	_ =	sdelay $0x4  }
0x1f8: {  	v5 =	vand.u32 $0xFFFF, v5;
	_ =	sdelay $0x3  }
0x1f9: {  	v7 =	vld [tilespmem:s0+$0x1180]  }
0x1fa: {  	v6 =	vld.idx.msk [tilespmem:v5+s20+$0x0], $0xffff;
	_ =	sdelay $0x4  }
0x1fb: {  	v6 =	vmax.f32 v6, v7  }
0x1fc: {  	[tilespmem:v5+s20+$0x0] =	vst.idx.msk $0x1, v6  }
0x1fd: {  	v6 =	vld.idx.msk [tilespmem:v5+s20+$0x0], $0xffff;
	_ =	sdelay $0x4  }
0x1fe: {  	v6 =	vmax.f32 v6, v7  }
0x1ff: {  	[tilespmem:v5+s20+$0x0] =	vst.idx.msk vm0, v6  }
0x200: {  	v6 =	vld.idx.msk [tilespmem:v5+s20+$0x0], $0xffff;
	_ =	sdelay $0x4  }
0x201: {  	v6 =	vmax.f32 v6, v7  }
0x202: {  	[tilespmem:v5+s20+$0x0] =	vst.idx.msk vm1, v6  }
0x203: {  	v6 =	vld.idx.msk [tilespmem:v5+s20+$0x0], $0xffff;
	_ =	sdelay $0x4  }
0x204: {  	v6 =	vmax.f32 v6, v7  }
0x205: {  	[tilespmem:v5+s20+$0x0] =	vst.idx.msk vm2, v6  }
0x206: {  	v6 =	vld.idx.msk [tilespmem:v5+s20+$0x0], $0xffff;
	_ =	sdelay $0x4  }
0x207: {  	v6 =	vmax.f32 v6, v7  }
0x208: {  	[tilespmem:v5+s20+$0x0] =	vst.idx.msk vm3, v6  }
0x209: {  	v6 =	vld.idx.msk [tilespmem:v5+s20+$0x0], $0xffff;
	_ =	sdelay $0x4  }
0x20a: {  	v6 =	vmax.f32 v6, v7  }
0x20b: {  	[tilespmem:v5+s20+$0x0] =	vst.idx.msk vm4, v6  }
0x20c: {  	v6 =	vld.idx.msk [tilespmem:v5+s20+$0x0], $0xffff;
	_ =	sdelay $0x4  }
0x20d: {  	v6 =	vmax.f32 v6, v7  }
0x20e: {  	[tilespmem:v5+s20+$0x0] =	vst.idx.msk vm5, v6  }
0x20f: {  	v6 =	vld.idx.msk [tilespmem:v5+s20+$0x0], $0xffff;
	_ =	sdelay $0x4  }
0x210: {  	v6 =	vmax.f32 v6, v7  }
0x211: {  	[tilespmem:v5+s20+$0x0] =	vst.idx.msk vm6, v6  }
0x212: {  	v6 =	vld.idx.msk [tilespmem:v5+s20+$0x0], $0xffff;
	_ =	sdelay $0x4  }
0x213: {  	v6 =	vmax.f32 v6, v7  }
0x214: {  	[tilespmem:v5+s20+$0x0] =	vst.idx.msk vm7, v6  }
0x215: {  	v6 =	vld.idx.msk [tilespmem:v5+s20+$0x0], $0xffff;
	_ =	sdelay $0x4  }
0x216: {  	v6 =	vmax.f32 v6, v7  }
0x217: {  	[tilespmem:v5+s20+$0x0] =	vst.idx.msk vm8, v6  }
0x218: {  	v6 =	vld.idx.msk [tilespmem:v5+s20+$0x0], $0xffff;
	_ =	sdelay $0x4  }
0x219: {  	v6 =	vmax.f32 v6, v7  }
0x21a: {  	[tilespmem:v5+s20+$0x0] =	vst.idx.msk vm9, v6  }
0x21b: {  	v6 =	vld.idx.msk [tilespmem:v5+s20+$0x0], $0xffff;
	_ =	sdelay $0x4  }
0x21c: {  	v6 =	vmax.f32 v6, v7  }
0x21d: {  	[tilespmem:v5+s20+$0x0] =	vst.idx.msk vm10, v6  }
0x21e: {  	v6 =	vld.idx.msk [tilespmem:v5+s20+$0x0], $0xffff;
	_ =	sdelay $0x4  }
0x21f: {  	v6 =	vmax.f32 v6, v7  }
0x220: {  	[tilespmem:v5+s20+$0x0] =	vst.idx.msk vm11, v6  }
0x221: {  	v6 =	vld.idx.msk [tilespmem:v5+s20+$0x0], $0xffff;
	_ =	sdelay $0x4  }
0x222: {  	v6 =	vmax.f32 v6, v7  }
0x223: {  	[tilespmem:v5+s20+$0x0] =	vst.idx.msk vm12, v6  }
0x224: {  	v6 =	vld.idx.msk [tilespmem:v5+s20+$0x0], $0xffff;
	_ =	sdelay $0x4  }
0x225: {  	v6 =	vmax.f32 v6, v7  }
0x226: {  	[tilespmem:v5+s20+$0x0] =	vst.idx.msk vm13, v6  }
0x227: {  	v6 =	vld.idx.msk [tilespmem:v5+s20+$0x0], $0xffff;
	_ =	sdelay $0x4  }
0x228: {  	s26 =	simm.s32 $0x40;
	s28 =	simm.s32 $0x80;
	v6 =	vmax.f32 v6, v7  }
.LBB2_22:
0x229: {  	p0 =	sne.s32 s28, $0xC40  }
0x22a: {  	s0 =	sshra.s32 s26, $0x2;
	[tilespmem:v5+s20+$0x0] =	vst.idx.msk vm14, v6;
	s26 =	smov.u32 s28;
	s28 =	sadd.s32 $0x40, s28  }
0x22b: {  	v5 =	vld [tilespmem:s0+$0xE00];
	_ =	sdelay $0x4  }
0x22c: {  	v5 =	vand.u32 $0xFFFF, v5;
	_ =	sdelay $0x4  }
0x22d: {  	v7 =	vld.idx.msk [tilespmem:v5+s20+$0x0], $0xffff  }
0x22e: {  	v6 =	vld [tilespmem:s0+$0x1180];
	_ =	sdelay $0x4  }
0x22f: {  	v7 =	vmax.f32 v7, v6  }
0x230: {  	[tilespmem:v5+s20+$0x0] =	vst.idx.msk $0x1, v7  }
0x231: {  	v7 =	vld.idx.msk [tilespmem:v5+s20+$0x0], $0xffff;
	_ =	sdelay $0x5  }
0x232: {  	v7 =	vmax.f32 v7, v6  }
0x233: {  	[tilespmem:v5+s20+$0x0] =	vst.idx.msk vm0, v7  }
0x234: {  	v7 =	vld.idx.msk [tilespmem:v5+s20+$0x0], $0xffff;
	_ =	sdelay $0x5  }
0x235: {  	v7 =	vmax.f32 v7, v6  }
0x236: {  	[tilespmem:v5+s20+$0x0] =	vst.idx.msk vm1, v7  }
0x237: {  	v7 =	vld.idx.msk [tilespmem:v5+s20+$0x0], $0xffff;
	_ =	sdelay $0x5  }
0x238: {  	v7 =	vmax.f32 v7, v6  }
0x239: {  	[tilespmem:v5+s20+$0x0] =	vst.idx.msk vm2, v7  }
0x23a: {  	v7 =	vld.idx.msk [tilespmem:v5+s20+$0x0], $0xffff;
	_ =	sdelay $0x5  }
0x23b: {  	v7 =	vmax.f32 v7, v6  }
0x23c: {  	[tilespmem:v5+s20+$0x0] =	vst.idx.msk vm3, v7  }
0x23d: {  	v7 =	vld.idx.msk [tilespmem:v5+s20+$0x0], $0xffff;
	_ =	sdelay $0x5  }
0x23e: {  	v7 =	vmax.f32 v7, v6  }
0x23f: {  	[tilespmem:v5+s20+$0x0] =	vst.idx.msk vm4, v7  }
0x240: {  	v7 =	vld.idx.msk [tilespmem:v5+s20+$0x0], $0xffff;
	_ =	sdelay $0x5  }
0x241: {  	v7 =	vmax.f32 v7, v6  }
0x242: {  	[tilespmem:v5+s20+$0x0] =	vst.idx.msk vm5, v7  }
0x243: {  	v7 =	vld.idx.msk [tilespmem:v5+s20+$0x0], $0xffff;
	_ =	sdelay $0x5  }
0x244: {  	v7 =	vmax.f32 v7, v6  }
0x245: {  	[tilespmem:v5+s20+$0x0] =	vst.idx.msk vm6, v7  }
0x246: {  	v7 =	vld.idx.msk [tilespmem:v5+s20+$0x0], $0xffff;
	_ =	sdelay $0x5  }
0x247: {  	v7 =	vmax.f32 v7, v6  }
0x248: {  	[tilespmem:v5+s20+$0x0] =	vst.idx.msk vm7, v7  }
0x249: {  	v7 =	vld.idx.msk [tilespmem:v5+s20+$0x0], $0xffff;
	_ =	sdelay $0x5  }
0x24a: {  	v7 =	vmax.f32 v7, v6  }
0x24b: {  	[tilespmem:v5+s20+$0x0] =	vst.idx.msk vm8, v7  }
0x24c: {  	v7 =	vld.idx.msk [tilespmem:v5+s20+$0x0], $0xffff;
	_ =	sdelay $0x5  }
0x24d: {  	v7 =	vmax.f32 v7, v6  }
0x24e: {  	[tilespmem:v5+s20+$0x0] =	vst.idx.msk vm9, v7  }
0x24f: {  	v7 =	vld.idx.msk [tilespmem:v5+s20+$0x0], $0xffff;
	_ =	sdelay $0x5  }
0x250: {  	v7 =	vmax.f32 v7, v6  }
0x251: {  	[tilespmem:v5+s20+$0x0] =	vst.idx.msk vm10, v7  }
0x252: {  	v7 =	vld.idx.msk [tilespmem:v5+s20+$0x0], $0xffff;
	_ =	sdelay $0x5  }
0x253: {  	v7 =	vmax.f32 v7, v6  }
0x254: {  	[tilespmem:v5+s20+$0x0] =	vst.idx.msk vm11, v7  }
0x255: {  	v7 =	vld.idx.msk [tilespmem:v5+s20+$0x0], $0xffff;
	_ =	sdelay $0x5  }
0x256: {  	v7 =	vmax.f32 v7, v6  }
0x257: {  	[tilespmem:v5+s20+$0x0] =	vst.idx.msk vm12, v7  }
0x258: {  	v7 =	vld.idx.msk [tilespmem:v5+s20+$0x0], $0xffff;
	_ =	sdelay $0x5  }
0x259: {  	v7 =	vmax.f32 v7, v6  }
0x25a: {  	[tilespmem:v5+s20+$0x0] =	vst.idx.msk vm13, v7  }
0x25b: {  	v7 =	vld.idx.msk [tilespmem:v5+s20+$0x0], $0xffff;
	_ =	sdelay $0x1  }
.Ltmp14:
0x25c: {  	(pc) =	sbr.rel @p0 .LBB2_22-.Ltmp14, $2  }
0x25d: {  	_ =	sdelay $0x2  }
0x25e: {  	v6 =	vmax.f32 v7, v6  }
0x25f: {  	_ =	sdelay $0x4  }
0x260: {  	s0 =	sshra.s32 s26, $0x2;
	[tilespmem:v5+s20+$0x0] =	vst.idx.msk vm14, v6  }
0x261: {  	v5 =	vld [tilespmem:s0+$0xE00];
	_ =	sdelay $0x4  }
0x262: {  	v5 =	vand.u32 $0xFFFF, v5;
	_ =	sdelay $0x3  }
0x263: {  	v7 =	vld [tilespmem:s0+$0x1180]  }
0x264: {  	v6 =	vld.idx.msk [tilespmem:v5+s20+$0x0], $0xffff;
	_ =	sdelay $0x4  }
0x265: {  	v6 =	vmax.f32 v6, v7  }
0x266: {  	[tilespmem:v5+s20+$0x0] =	vst.idx.msk $0x1, v6  }
0x267: {  	v6 =	vld.idx.msk [tilespmem:v5+s20+$0x0], $0xffff;
	_ =	sdelay $0x4  }
0x268: {  	v6 =	vmax.f32 v6, v7  }
0x269: {  	[tilespmem:v5+s20+$0x0] =	vst.idx.msk vm0, v6  }
0x26a: {  	v6 =	vld.idx.msk [tilespmem:v5+s20+$0x0], $0xffff;
	_ =	sdelay $0x4  }
0x26b: {  	v6 =	vmax.f32 v6, v7  }
0x26c: {  	[tilespmem:v5+s20+$0x0] =	vst.idx.msk vm1, v6  }
0x26d: {  	v6 =	vld.idx.msk [tilespmem:v5+s20+$0x0], $0xffff;
	_ =	sdelay $0x4  }
0x26e: {  	v6 =	vmax.f32 v6, v7  }
0x26f: {  	[tilespmem:v5+s20+$0x0] =	vst.idx.msk vm2, v6  }
0x270: {  	v6 =	vld.idx.msk [tilespmem:v5+s20+$0x0], $0xffff;
	_ =	sdelay $0x4  }
0x271: {  	v6 =	vmax.f32 v6, v7  }
0x272: {  	[tilespmem:v5+s20+$0x0] =	vst.idx.msk vm3, v6  }
0x273: {  	v6 =	vld.idx.msk [tilespmem:v5+s20+$0x0], $0xffff;
	_ =	sdelay $0x4  }
0x274: {  	v6 =	vmax.f32 v6, v7  }
0x275: {  	[tilespmem:v5+s20+$0x0] =	vst.idx.msk vm4, v6  }
0x276: {  	v6 =	vld.idx.msk [tilespmem:v5+s20+$0x0], $0xffff;
	_ =	sdelay $0x4  }
0x277: {  	v6 =	vmax.f32 v6, v7  }
0x278: {  	[tilespmem:v5+s20+$0x0] =	vst.idx.msk vm5, v6  }
0x279: {  	v6 =	vld.idx.msk [tilespmem:v5+s20+$0x0], $0xffff;
	_ =	sdelay $0x4  }
0x27a: {  	v6 =	vmax.f32 v6, v7  }
0x27b: {  	[tilespmem:v5+s20+$0x0] =	vst.idx.msk vm6, v6  }
0x27c: {  	v6 =	vld.idx.msk [tilespmem:v5+s20+$0x0], $0xffff;
	_ =	sdelay $0x4  }
0x27d: {  	v6 =	vmax.f32 v6, v7  }
0x27e: {  	[tilespmem:v5+s20+$0x0] =	vst.idx.msk vm7, v6  }
0x27f: {  	v6 =	vld.idx.msk [tilespmem:v5+s20+$0x0], $0xffff;
	_ =	sdelay $0x4  }
0x280: {  	v6 =	vmax.f32 v6, v7  }
0x281: {  	[tilespmem:v5+s20+$0x0] =	vst.idx.msk vm8, v6  }
0x282: {  	v6 =	vld.idx.msk [tilespmem:v5+s20+$0x0], $0xffff;
	_ =	sdelay $0x4  }
0x283: {  	v6 =	vmax.f32 v6, v7  }
0x284: {  	[tilespmem:v5+s20+$0x0] =	vst.idx.msk vm9, v6  }
0x285: {  	v6 =	vld.idx.msk [tilespmem:v5+s20+$0x0], $0xffff;
	_ =	sdelay $0x4  }
0x286: {  	v6 =	vmax.f32 v6, v7  }
0x287: {  	[tilespmem:v5+s20+$0x0] =	vst.idx.msk vm10, v6  }
0x288: {  	v6 =	vld.idx.msk [tilespmem:v5+s20+$0x0], $0xffff;
	_ =	sdelay $0x4  }
0x289: {  	v6 =	vmax.f32 v6, v7  }
0x28a: {  	[tilespmem:v5+s20+$0x0] =	vst.idx.msk vm11, v6  }
0x28b: {  	v6 =	vld.idx.msk [tilespmem:v5+s20+$0x0], $0xffff;
	_ =	sdelay $0x4  }
0x28c: {  	v6 =	vmax.f32 v6, v7  }
0x28d: {  	[tilespmem:v5+s20+$0x0] =	vst.idx.msk vm12, v6  }
0x28e: {  	v6 =	vld.idx.msk [tilespmem:v5+s20+$0x0], $0xffff;
	_ =	sdelay $0x4  }
0x28f: {  	v6 =	vmax.f32 v6, v7  }
0x290: {  	[tilespmem:v5+s20+$0x0] =	vst.idx.msk vm13, v6  }
0x291: {  	v6 =	vld.idx.msk [tilespmem:v5+s20+$0x0], $0xffff;
	_ =	sdelay $0x1  }
.Ltmp15:
0x292: {  	_ = 	snop;
	(pc) =	sbr.rel .LBB2_24-.Ltmp15, $3  }
0x293: {  	_ =	sdelay $0x1  }
0x294: {  	v6 =	vmax.f32 v6, v7  }
0x295: {  	[tilespmem:v5+s20+$0x0] =	vst.idx.msk vm14, v6  }
.LBB2_26:
0x296: {  	_ =	sfence.sel $0x180000  }
0x297: {  	[bflag:$0x0] =	sbarrier.arrive $0xFFFF  }
0x298: {  	_ =	strace $0x9000004A  }
0x299: {  	s0 =	stileid.u32;
	[bflag:$0x2] =	sbarrier.arrive $0xFFFF  }
0x29a: {  	p0 =	sne.s32 s0, $0x0;
	s0 =	rddreg [dreg:$0x1]  }
0x29b: {  	s0 =	sadd.s32 @!p0 $0x100000, s0  }
0x29c: {  	[sflag:s0] =	ssyncadd.tile.s32 @!p0 $0x1;
	_ =	shalt  }
.Lfunc_end2:
_tile_overlayer_lowered:
.L_overlay_start_2:
0x29d: {  	(tag) =	ssettag $0x2  }
0x29e: {  	s0 =	rddreg [dreg:$0x0];
	s2 =	stileid.u32  }
0x29f: {  	s1 =	rddreg [dreg:$0x1];
	p0 =	sne.s32 s2, $0x0  }
0x2a0: {  	s3 =	rddreg [dreg:$0x2];
	[bflag:$0x3] =	sbarrier.arrive $0xFFFF;
	s2 =	simm.s32 @!p0 $0x1C03  }
0x2a1: {  	[timem:s3], [sflag:s2] =	dma.local @!p0 [hbm:s0], s1  }
0x2a2: {  	s0 =	simm.s32 @!p0 $0x3  }
0x2a3: {  	_ =	swait.ge @!p0 [sflag:s0], s1  }
0x2a4: {  	s1 =	ssub.s32 @!p0 $0x0, s1;
	[sflag:s0] =	ssyncset.done @!p0 $0x0  }
0x2a5: {  	[sflag:s0] =	ssyncadd.s32 @!p0 s1  }
0x2a6: {  	[bflag:$0x3] =	sbarrier.arrive $0xFFFF  }
0x2a7: {  	_ =	shalt  }

// kernel: kernel.9.cloned.1.call-start
scs
__scs_entry_jumppad:
0x0: {  	(pc) =	sbr.rel $0x88, $3  }
0x1: {  	(tag) =	ssettag $0x0;
	lr =	simm.s32 $0x1  }
0x2: {  	[smem:$0x3F8D] =	sst lr;
	_ =	strace $0xD0000000  }
0x3: {  	_ = 	snop  }
0x4: {  	_ = 	snop  }
0x5: {  	_ = 	snop  }
0x6: {  	_ = 	snop  }
0x7: {  	_ = 	snop  }
__scs_overlays_trampoline_lowered:
0x8: {  	[smem:$0x3F9C] =	sst s0  }
0x9: {  	[smem:$0x3F9D] =	sst s1  }
0xa: {  	[smem:$0x3F9E] =	sst s2  }
0xb: {  	[smem:$0x3F9F] =	sst s3  }
0xc: {  	[smem:$0x3FA0] =	sst s4  }
0xd: {  	[smem:$0x3FA1] =	sst s5  }
0xe: {  	[smem:$0x3FA2] =	sst s6  }
0xf: {  	[smem:$0x3FA3] =	sst s7  }
0x10: {  	[smem:$0x3FA4] =	sst s8  }
0x11: {  	[smem:$0x3FA5] =	sst s9;
	s0 =	simm.s32 @!p0 $0x0  }
0x12: {  	s1 =	sld [smem:$0x3F8B];
	s0 =	simm.s32 @p0 $0x1  }
0x13: {  	[smem:$0x3FA6] =	sst s0;
	s0 =	simm.s32 @!p1 $0x0  }
0x14: {  	s2 =	sld [smem:$0x3F8A];
	s0 =	simm.s32 @p1 $0x1  }
0x15: {  	[smem:$0x3FA7] =	sst s0;
	s0 =	simm.s32 @!p2 $0x0  }
0x16: {  	s3 =	sld [smem:$0x3FDB];
	s0 =	simm.s32 @p2 $0x1  }
0x17: {  	s4 =	simm.s32 $0x1BF5;
	[smem:$0x3FA9] =	sst s0  }
0x18: {  	s0 =	sld [smem:$0x3F8C];
	_ =	swait.ge [sflag:s4], $0x0  }
0x19: {  	s7 =	sld [smem:$0x3F8D]  }
0x1a: {  	s8 =	sadd.s32 $0xFFFFE003, lr  }
0x1b: {  	s9 =	sadd.s32 $0xFFFFFEF7, lr;
	s5 =	simm.s32 $0xFFFFFFFF;
	p2 =	slt.u32 s8, $0xFFFFF086  }
0x1c: {  	p1 =	slt.u32 s9, $0xF7A;
	s5 =	simm.s32 @!p2 $0x0  }
0x1d: {  	s5 =	simm.s32 @p1 $0x1;
	p0 =	seq.s32 s7, s2  }
0x1e: {  	s7 =	smul.u32 @!p0 $0xF7A, s2;
	p2 =	seq.s32 @!p0 s5, $0x0  }
0x1f: {  	s9 =	smul.u32 $0xF7A, s1;
	s8 =	simm.s32 @!p0 $0x1BF5;
	p2 =	por !p2, p0  }
0x20: {  	[sflag:s8] =	ssyncset.s32 @!p0 $0xFFFFF086;
	s6 =	sadd.s32 @!p0 s3, s7;
	s7 =	simm.s32 @!p0 $0x108  }
0x21: {  	s3 =	sadd.s32 s3, s9;
	s6 =	sadd.s32 @!p0 $0x88, s6;
	s7 =	simm.s32 @p2 $0x1082  }
0x22: {  	[simem:s7], [sflag:s8] =	dma.local @!p0 [hbm:s6], $0xF7A  }
0x23: {  	s9 =	sor.u32 $0xD0000000, s2;
	s6 =	simm.s32 $0x108;
	_ =	swait.ge @!p0 [sflag:s8], $0x0  }
0x24: {  	s3 =	sadd.s32 $0x88, s3;
	s6 =	simm.s32 @!p1 $0x1082;
	[sflag:s4] =	ssyncset.s32 $0xFFFFF086  }
0x25: {  	[simem:s6], [sflag:s4] =	dma.local [hbm:s3], $0xF7A  }
0x26: {  	[smem:$0x3F8D] =	sst s1;
	(tag) =	ssettag s2;
	_ =	strace s9  }
0x27: {  	s1 =	sld [smem:$0x3F9D]  }
0x28: {  	s2 =	sld [smem:$0x3F9E]  }
0x29: {  	s4 =	sld [smem:$0x3FA0]  }
0x2a: {  	p0 =	seq.s32 s5, $0x0;
	s5 =	sld [smem:$0x3FA1]  }
0x2b: {  	s6 =	sld [smem:$0x3FA2]  }
0x2c: {  	s7 =	sld [smem:$0x3FA3]  }
0x2d: {  	s3 =	simm.s32 $0x108;
	s8 =	sld [smem:$0x3FA4]  }
0x2e: {  	s3 =	simm.s32 @!p0 $0x1082;
	s9 =	sld [smem:$0x3FA5]  }
0x2f: {  	lr =	sadd.s32 s0, s3;
	s0 =	sld [smem:$0x3F9C]  }
0x30: {  	s3 =	sld [smem:$0x3F9F]  }
0x31: {  	[smem:$0x3FA8] =	sst s10  }
0x32: {  	s10 =	sld [smem:$0x3FA6];
	_ =	sdelay $0x3  }
0x33: {  	p0 =	seq.s32 s10, $0x1;
	s10 =	sld [smem:$0x3FA8];
	_ =	sdelay $0x3  }
0x34: {  	[smem:$0x3FA8] =	sst s10  }
0x35: {  	s10 =	sld [smem:$0x3FA7];
	_ =	sdelay $0x3  }
0x36: {  	p1 =	seq.s32 s10, $0x1;
	s10 =	sld [smem:$0x3FA8];
	_ =	sdelay $0x3  }
0x37: {  	[smem:$0x3FA8] =	sst s10  }
0x38: {  	s10 =	sld [smem:$0x3FA9]  }
0x39: {  	_ = 	snop;
	(pc) =	sbr.ind lr, $3  }
0x3a: {  	_ = 	snop  }
0x3b: {  	_ = 	snop  }
0x3c: {  	p2 =	seq.s32 s10, $0x1;
	s10 =	sld [smem:$0x3FA8]  }
0x3d: {  	_ =	shalt  }
0x3e: {  	_ =	shalt  }
0x3f: {  	_ =	shalt  }
0x40: {  	_ =	shalt  }
0x41: {  	_ =	shalt  }
0x42: {  	_ =	shalt  }
0x43: {  	_ =	shalt  }
0x44: {  	_ =	shalt  }
0x45: {  	_ =	shalt  }
0x46: {  	_ =	shalt  }
0x47: {  	_ =	shalt  }
0x48: {  	_ =	shalt  }
0x49: {  	_ =	shalt  }
0x4a: {  	_ =	shalt  }
0x4b: {  	_ =	shalt  }
0x4c: {  	_ =	shalt  }
0x4d: {  	_ =	shalt  }
0x4e: {  	_ =	shalt  }
0x4f: {  	_ =	shalt  }
0x50: {  	_ =	shalt  }
0x51: {  	_ =	shalt  }
0x52: {  	_ =	shalt  }
0x53: {  	_ =	shalt  }
0x54: {  	_ =	shalt  }
0x55: {  	_ =	shalt  }
0x56: {  	_ =	shalt  }
0x57: {  	_ =	shalt  }
0x58: {  	_ =	shalt  }
0x59: {  	_ =	shalt  }
0x5a: {  	_ =	shalt  }
0x5b: {  	_ =	shalt  }
0x5c: {  	_ =	shalt  }
0x5d: {  	_ =	shalt  }
0x5e: {  	_ =	shalt  }
0x5f: {  	_ =	shalt  }
0x60: {  	_ =	shalt  }
0x61: {  	_ =	shalt  }
0x62: {  	_ =	shalt  }
0x63: {  	_ =	shalt  }
0x64: {  	_ =	shalt  }
0x65: {  	_ =	shalt  }
0x66: {  	_ =	shalt  }
0x67: {  	_ =	shalt  }
0x68: {  	_ =	shalt  }
0x69: {  	_ =	shalt  }
0x6a: {  	_ =	shalt  }
0x6b: {  	_ =	shalt  }
0x6c: {  	_ =	shalt  }
0x6d: {  	_ =	shalt  }
0x6e: {  	_ =	shalt  }
0x6f: {  	_ =	shalt  }
0x70: {  	_ =	shalt  }
0x71: {  	_ =	shalt  }
0x72: {  	_ =	shalt  }
0x73: {  	_ =	shalt  }
0x74: {  	_ =	shalt  }
0x75: {  	_ =	shalt  }
0x76: {  	_ =	shalt  }
0x77: {  	_ =	shalt  }
0x78: {  	_ =	shalt  }
0x79: {  	_ =	shalt  }
0x7a: {  	_ =	shalt  }
0x7b: {  	_ =	shalt  }
0x7c: {  	_ =	shalt  }
0x7d: {  	_ =	shalt  }
0x7e: {  	_ =	shalt  }
0x7f: {  	_ =	shalt  }
0x80: {  	_ =	shalt  }
0x81: {  	_ =	shalt  }
0x82: {  	_ =	shalt  }
0x83: {  	_ =	shalt  }
0x84: {  	_ =	shalt  }
0x85: {  	_ =	shalt  }
0x86: {  	_ =	shalt  }
0x87: {  	_ =	shalt  }
.Lfunc_end0:
.L_simem_size_0:
called_computation_lowered:
.L_overlay_start_0:
0x88: {  	s2 =	sld [smem:$0x3FD9]  }
0x89: {  	s3 =	sld [smem:$0x3FFE];
	_ =	sdelay $0x1  }
0x8a: {  	s1 =	srdreg.scid  }
0x8b: {  	s0 =	sand.u32 $0x1, s1  }
0x8c: {  	s17 =	sshll.u32 s0, $0xA;
	s2 =	sadd.s32 s3, s2  }
0x8d: {  	s2 =	sadd.s32 s2, s17  }
0x8e: {  	[smem:$0x3FB4] =	sst s2  }
0x8f: {  	_ = 	snop  }
0x90: {  	s2 =	sld [smem:$0x3FD0];
	(tm) =	ssettm $0x1  }
0x91: {  	s18 =	sld [smem:$0x3FFB];
	_ =	sdelay $0x3  }
0x92: {  	_ =	strace s18  }
0x93: {  	s3 =	sld [smem:$0x3FFC];
	_ =	sdelay $0x3  }
0x94: {  	_ =	strace s3  }
0x95: {  	s3 =	sld [smem:$0x3FFD];
	_ =	sdelay $0x3  }
0x96: {  	_ =	strace s3  }
0x97: {  	_ =	strace $0x8FFFFFFF  }
0x98: {  	s19 =	sld [smem:$0x3FDB];
	_ =	sdelay $0x1  }
0x99: {  	s4 =	simm.s32 $_scs_section_size  }
0x9a: {  	s5 =	simm.s32 $_size__tile_overlayer_lowered;
	s6 =	simm.s32 $_tile_overlayer_lowered  }
0x9b: {  	s22 =	simm.s32 $0x1BFF;
	s21 =	sshll.u32 s6, $0x1;
	s3 =	sadd.s32 s4, s19  }
0x9c: {  	s7 =	simm.s32 $0x0;
	s20 =	sshll.u32 s5, $0x1;
	s5 =	sadd.s32 s21, s3  }
0x9d: {  	[timem:s7], [sflag:s22] =	dma.local [hbm:s5], s20  }
0x9e: {  	_ =	swait.ge [sflag:s22], s20  }
0x9f: {  	s4 =	ssub.s32 $0x0, s20;
	[sflag:s22] =	ssyncset.done $0x0  }
0xa0: {  	[sflag:s22] =	ssyncadd.s32 s4;
	_ =	sdelay $0x1  }
0xa1: {  	s23 =	simm.s32 $0x1B8B  }
0xa2: {  	_ =	swait.ge [sflag:s23], $0x1  }
0xa3: {  	[sflag:s23] =	ssyncset.done $0x0  }
0xa4: {  	s25 =	simm.s32 $0x1B8E;
	s24 =	sld [smem:$0x3FFE];
	[sflag:s23] =	ssyncadd.s32 $0xFFFFFFFF  }
0xa5: {  	s26 =	simm.s32 $execute0_lowered;
	[smem:$0x3FD2] =	sst s25  }
0xa6: {  	s5 =	sshll.u32 s26, $0x1;
	_ =	strace $0x80000046;
	[dreg:$0x1] =	wrdreg $0xFFFFFFFF  }
0xa7: {  	s28 =	simm.s32 $_size_execute0_lowered;
	s3 =	sadd.s32 s3, s5;
	[dreg:$0x0] =	wrdreg $0x0  }
0xa8: {  	s5 =	sshll.u32 s28, $0x1;
	[dreg:$0x2] =	wrdreg s3  }
0xa9: {  	[dreg:$0x3] =	wrdreg s5  }
0xaa: {  	[dreg:$0x4] =	wrdreg $0xC0  }
0xab: {  	_ =	task [dreg:s7], $0x5FFFF  }
0xac: {  	[dreg:$0x1] =	wrdreg $0xFFFFFFFF  }
0xad: {  	[dreg:$0x0] =	wrdreg $0x60  }
0xae: {  	[dreg:$0x2] =	wrdreg s24  }
0xaf: {  	[dreg:$0x3] =	wrdreg s2  }
0xb0: {  	[dreg:$0x4] =	wrdreg $0x64800  }
0xb1: {  	[dreg:$0x5] =	wrdreg $0x9  }
0xb2: {  	_ =	task.clear_ibuf [dreg:s7], $0x6FFFF;
	_ =	strace $0x90000046  }
0xb3: {  	s29 =	simm.s32 $0x9;
	_ =	strace $0x80000048  }
0xb4: {  	_ =	swait.ge [sflag:s29], $0x1  }
0xb5: {  	[sflag:s29] =	ssyncadd.s32 $0xFFFFFFFF  }
0xb6: {  	_ =	strace $0x90000048  }
0xb7: {  	_ =	sfence  }
0xb8: {  	s30 =	sld [smem:$0x0];
	_ =	sdelay $0x2  }
0xb9: {  	s31 =	sshll.u32 s1, $0xD;
	s1 =	sshrl.u32 s1, $0x2  }
0xba: {  	s3 =	sand.u32 $0x4000, s31;
	s1 =	sadd.s32 s1, s30  }
0xbb: {  	s0 =	sor.u32 s3, s0;
	s1 =	sshll.u32 s1, $0x11  }
0xbc: {  	s0 =	sor.u32 s1, s0  }
0xbd: {  	s0 =	sadd.s32 $0x8F2B, s0  }
0xbe: {  	[sflag:s0] =	ssyncadd.remote.s32 $0x1  }
0xbf: {  	_ =	sfence.sel $0xFFFF  }
0xc0: {  	[dreg:$0x0] =	wrdreg $0xFFFFFFFF;
	(pc) =	sbr.abs _section_cstart, $3  }
0xc1: {  	[dreg:$0x1] =	wrdreg $0xFFFFFFFF  }
0xc2: {  	_ =	task.clear_ibuf [dreg:s7], $0x2FFFF;
	_ =	strace $0x9FFFFFFF  }
0xc3: {  	(tm) =	ssettm $0x7FFFFFFF  }
tec
execute0_lowered:
.L_overlay_start_1:
0x0: {  	(tag) =	ssettag $0x1  }
0x1: {  	s0 =	rddreg [dreg:$0x0]  }
0x2: {  	s1 =	rddreg [dreg:$0x1]  }
0x3: {  	s15 =	rddreg [dreg:$0x2]  }
0x4: {  	s2 =	simm.s32 $0x0;
	s4 =	srdreg.scid;
	s14 =	stileid.u32  }
0x5: {  	s17 =	simm.s32 $0x2;
	s18 =	simm.s32 $0x800;
	s19 =	simm.s32 $0x7D0  }
0x6: {  	s20 =	simm.s32 $0x1000;
	s21 =	simm.s32 $0x1800;
	s22 =	simm.s32 $0x2000  }
0x7: {  	s23 =	simm.s32 $0x2800;
	s24 =	simm.s32 $0x3000;
	s28 =	simm.s32 $0x4000  }
0x8: {  	s29 =	simm.s32 $0x4800;
	s30 =	simm.s32 $0x5000;
	[smem:$0x7FF] =	sst s2  }
0x9: {  	s3 =	sadd.s32 $0x41200, s0;
	s5 =	sadd.s32 $0x4000, s0;
	s6 =	sadd.s32 $0x81800, s0  }
0xa: {  	s7 =	sadd.s32 $0x7FE00, s0;
	s8 =	sadd.s32 $0x7E400, s0;
	s4 =	sand.u32 $0x1, s4  }
0xb: {  	s12 =	smul.u32 $0xC40, s14;
	s9 =	sadd.s32 $0x83200, s0;
	s10 =	sadd.s32 $0xC0400, s0  }
0xc: {  	s14 =	sshll.u32 s14, $0x1;
	s11 =	ssub.s32 $0x2, s4;
	s13 =	smul.u32 $0xC400, s4  }
0xd: {  	_ =	strace $0x80000047;
	s25 =	sshrl.u32 s11, $0x1;
	s15 =	sadd.s32 s12, s15  }
0xe: {  	s0 =	ssub.s32 s11, s25;
	s13 =	sadd.s32 s12, s13;
	s11 =	sor.u32 s14, s4  }
0xf: {  	s4 =	simm.s32 $0x5800;
	s25 =	simm.s32 $0x3800;
	[dreg:$0x4] =	wrdreg s15  }
0x10: {  	s26 =	sshrl.u32 s13, $0x3;
	s31 =	ssub.s32 $0x407, s11;
	s0 =	smax.u32 s0, $0x1  }
0x11: {  	s1 =	sadd.s32 s1, s26;
	s14 =	sshrl.u32 s31, $0x5;
	[dreg:$0x6] =	wrdreg s0  }
0x12: {  	v0 =	vimm.f32 $0.0e+00;
	v1 =	vimm.f32 $1.000000000e+00;
	s26 =	simm.s32 $0x1;
	[dreg:$0x5] =	wrdreg s1;
	s1 =	simm.s32 $0x0  }
.LBB2_1:
0x13: {  	[dreg:$0x7] =	wrdreg s1;
	s0 =	simm.s32 $0x0  }
.LBB2_2:
0x14: {  	p0 =	sne.s32 s0, $0x30C0  }
.Ltmp0:
0x15: {  	_ = 	snop;
	(pc) =	sbr.rel @p0 .LBB2_2-.Ltmp0, $3  }
0x16: {  	_ =	sdelay $0x1  }
0x17: {  	s1 =	sshra.s32 s0, $0x2  }
0x18: {  	s0 =	sadd.s32 $0x40, s0;
	[tilespmem:s1+$0x5800] =	vst v0  }
0x19: {  	s0 =	simm.s32 $0x40;
	s1 =	simm.s32 $0x0  }
.LBB2_4:
0x1a: {  	p0 =	sne.s32 s0, $0x1F00;
	[tilespmem:s1+$0x5000] =	vst v1;
	s1 =	smov.u32 s0;
	s0 =	sadd.s32 $0x40, s0  }
.Ltmp1:
0x1b: {  	(pc) =	sbr.rel @p0 .LBB2_4-.Ltmp1, $2  }
0x1c: {  	_ =	sdelay $0x2  }
0x1d: {  	s1 =	sshra.s32 s1, $0x2  }
0x1e: {  	[tilespmem:s1+$0x5000] =	vst v1  }
0x1f: {  	[spmem:s15] =	stream.linear.scatter [tilespmem:s4], [sflag:$0x2], $0xC40, $0x38;
	[tilespmem:$0x70C0] =	vst v63  }
0x20: {  	_ =	swait.ge [sflag:s17], $0xC40  }
0x21: {  	[sflag:s17] =	ssyncset.done $0x0  }
0x22: {  	[sflag:s17] =	ssyncadd.s32 $0xFFFFF3C0  }
0x23: {  	s0 =	simm.s32 $0x0;
	s4 =	simm.s32 $0x0;
	[bflag:$0x0] =	sbarrier.arrive $0xFFFF  }
.LBB2_6:
0x24: {  	s1 =	sshll.u32 s4, $0x5  }
0x25: {  	s1 =	sor.u32 s11, s1  }
0x26: {  	s1 =	smul.u32 $0x7D0, s1;
	_ =	sdelay $0x1  }
0x27: {  	s13 =	sshrl.u32 s1, $0x3  }
0x28: {  	s1 =	sadd.s32 s3, s13  }
0x29: {  	[tilespmem:s0], [sflag:$0x2] =	stream.linear.gather [hbm4b:s1+s0], $0x7D0, $0x38;
	[tilespmem:$0x70C0] =	vst v63  }
0x2a: {  	_ =	swait.ge [sflag:s17], $0x7D0  }
0x2b: {  	[sflag:s17] =	ssyncset.done $0x0  }
0x2c: {  	s16 =	sadd.s32 s5, s13;
	[sflag:s17] =	ssyncadd.s32 $0xFFFFF830  }
0x2d: {  	[tilespmem:s18], [sflag:$0x2] =	stream.linear.gather [hbm4b:s16+s0], $0x7D0, $0x38;
	[tilespmem:$0x70C0] =	vst v63  }
0x2e: {  	_ =	swait.ge [sflag:s17], $0x7D0  }
0x2f: {  	[sflag:s17] =	ssyncset.done $0x0  }
0x30: {  	[sflag:s17] =	ssyncadd.s32 $0xFFFFF830  }
0x31: {  	[tilespmem:s20], [sflag:$0x1] =	stream.indirect.gather [hbm4b:s6+s19], $0x1, s0, s19, $0xb8;
	[tilespmem:$0x70C0] =	vst v63  }
0x32: {  	_ = 	snop  }
0x33: {  	[tilespmem:s21], [sflag:$0x1] =	stream.indirect.gather [hbm4b:s7+s19], $0x1, s0, s19, $0xb8;
	[tilespmem:$0x70C0] =	vst v63  }
0x34: {  	_ = 	snop  }
0x35: {  	[tilespmem:s22], [sflag:$0x1] =	stream.indirect.gather [hbm4b:s8+s19], $0x1, s0, s19, $0xb8;
	[tilespmem:$0x70C0] =	vst v63  }
0x36: {  	_ = 	snop  }
0x37: {  	[tilespmem:s23], [sflag:$0x1] =	stream.indirect.gather [hbm4b:s6+s19], $0x1, s18, s19, $0xb8;
	[tilespmem:$0x70C0] =	vst v63  }
0x38: {  	_ = 	snop  }
0x39: {  	[tilespmem:s24], [sflag:$0x1] =	stream.indirect.gather [hbm4b:s7+s19], $0x1, s18, s19, $0xb8;
	[tilespmem:$0x70C0] =	vst v63  }
0x3a: {  	_ = 	snop  }
0x3b: {  	[tilespmem:s25], [sflag:$0x1] =	stream.indirect.gather [hbm4b:s8+s19], $0x1, s18, s19, $0xb8;
	[tilespmem:$0x70C0] =	vst v63  }
0x3c: {  	_ =	swait.ge [sflag:s26], $0x7D0  }
0x3d: {  	[sflag:s26] =	ssyncset.done $0x0  }
0x3e: {  	[sflag:s26] =	ssyncadd.s32 $0xFFFFF830  }
0x3f: {  	_ =	swait.ge [sflag:s26], $0x7D0  }
0x40: {  	[sflag:s26] =	ssyncset.done $0x0  }
0x41: {  	[sflag:s26] =	ssyncadd.s32 $0xFFFFF830  }
0x42: {  	_ =	swait.ge [sflag:s26], $0x7D0  }
0x43: {  	[sflag:s26] =	ssyncset.done $0x0  }
0x44: {  	[sflag:s26] =	ssyncadd.s32 $0xFFFFF830  }
0x45: {  	_ =	swait.ge [sflag:s26], $0x7D0  }
0x46: {  	[sflag:s26] =	ssyncset.done $0x0  }
0x47: {  	[sflag:s26] =	ssyncadd.s32 $0xFFFFF830  }
0x48: {  	_ =	swait.ge [sflag:s26], $0x7D0  }
0x49: {  	[sflag:s26] =	ssyncset.done $0x0  }
0x4a: {  	[sflag:s26] =	ssyncadd.s32 $0xFFFFF830  }
0x4b: {  	_ =	swait.ge [sflag:s26], $0x7D0  }
0x4c: {  	[sflag:s26] =	ssyncset.done $0x0  }
0x4d: {  	s15 =	simm.s32 $0x0;
	[sflag:s26] =	ssyncadd.s32 $0xFFFFF830  }
0x4e: {  	v2 =	vld [tilespmem:s15+$0x1000]  }
0x4f: {  	v3 =	vld [tilespmem:s15+$0x2800]  }
0x50: {  	v4 =	vld [tilespmem:s15+$0x1800]  }
0x51: {  	v5 =	vld [tilespmem:s15+$0x3000]  }
0x52: {  	v6 =	vld [tilespmem:s15+$0x2000]  }
0x53: {  	v7 =	vld [tilespmem:s15+$0x3800]  }
0x54: {  	v8 =	vld [tilespmem:s15+$0x800]  }
0x55: {  	s16 =	simm.s32 $0x10;
	v9 =	vld [tilespmem:s15+$0x0]  }
0x56: {  	v10 =	vld [tilespmem:s16+$0x1000]  }
0x57: {  	v11 =	vld [tilespmem:s16+$0x2800]  }
0x58: {  	v12 =	vld [tilespmem:s16+$0x1800]  }
0x59: {  	v13 =	vld [tilespmem:s16+$0x3000]  }
0x5a: {  	v14 =	vld [tilespmem:s16+$0x2000]  }
0x5b: {  	v15 =	vld [tilespmem:s16+$0x3800];
	v8 =	vshll.u32 v8, $0x10;
	v2 =	vsub.f32 v2, v3;
	v3 =	vsub.f32 v4, v5  }
0x5c: {  	v16 =	vld [tilespmem:s16+$0x800];
	v4 =	vor.u32 v9, v8  }
0x5d: {  	v5 =	vld [tilespmem:s16+$0x0];
	[tilespmem:s15+$0x4800] =	vst v4;
	v2 =	vmul.f32 v2, v2;
	v4 =	vsub.f32 v6, v7;
	v3 =	vmul.f32 v3, v3  }
0x5e: {  	v8 =	vsub.f32 v12, v13  }
0x5f: {  	v7 =	vsub.f32 v10, v11;
	v2 =	vadd.f32 v3, v2;
	v3 =	vmul.f32 v4, v4  }
0x60: {  	v8 =	vmul.f32 v8, v8  }
0x61: {  	v4 =	vmul.f32 v7, v7;
	v7 =	vsub.f32 v14, v15;
	v2 =	vadd.f32 v3, v2  }
0x62: {  	s12 =	simm.s32 $0x20  }
0x63: {  	v6 =	vld [tilespmem:s12+$0x1000];
	v3 =	vadd.f32 v8, v4;
	v4 =	vmul.f32 v7, v7;
	v7 =	vmul.f32 $-1.000000000e+01, v2  }
0x64: {  	v10 =	vld [tilespmem:s12+$0x1800]  }
0x65: {  	v11 =	vld [tilespmem:s12+$0x3000];
	v7 =	vmul.f32 $1.442695020e+00, v7  }
0x66: {  	v9 =	vld [tilespmem:s12+$0x2800]  }
0x67: {  	v61 =	vld [tilespmem:s12+$0x2000];
	(erf) = vpow2.f32 v7  }
0x68: {  	v62 =	vshll.u32 v16, $0x10;
	v8 =	vld [tilespmem:s12+$0x3800]  }
0x69: {  	v5 =	vor.u32 v5, v62;
	v2 =	vld [tilespmem:s12+$0x800];
	v63 =	vadd.f32 v4, v3  }
0x6a: {  	s31 =	simm.s32 $0x30;
	v3 =	vld [tilespmem:s12+$0x0];
	[tilespmem:s16+$0x4800] =	vst v5;
	v10 =	vsub.f32 v10, v11  }
0x6b: {  	v9 =	vsub.f32 v6, v9;
	v4 =	vld [tilespmem:s31+$0x1000];
	v11 =	vmul.f32 $-1.000000000e+01, v63  }
0x6c: {  	v6 =	vld [tilespmem:s31+$0x2800];
	v10 =	vmul.f32 v10, v10  }
0x6d: {  	s1 =	simm.s32 $0x100;
	v5 =	vld [tilespmem:s31+$0x1800];
	v7 =	vmul.f32 v9, v9;
	v9 =	vsub.f32 v61, v8;
	v8 =	vmul.f32 $1.442695020e+00, v11  }
.LBB2_7:
0x6e: {  	p0 =	sne.s32 s1, $0x1F00;
	v11 =	vld [tilespmem:s31+$0x3000];
	v2 =	vshll.u32 v2, $0x10  }
0x6f: {  	v12 =	vld [tilespmem:s31+$0x2000];
	v7 =	vadd.f32 v10, v7;
	v9 =	vmul.f32 v9, v9;
	(erf) = vpow2.f32 v8  }
0x70: {  	v10 =	vor.u32 v3, v2;
	v8 =	vld [tilespmem:s31+$0x3800];
	v3 =	vpop (erf)  }
.Ltmp2:
0x71: {  	v2 =	vld [tilespmem:s31+$0x800];
	v7 =	vadd.f32 v9, v7;
	[tilespmem:s15+$0x4000] =	vst v3;
	s15 =	smov.u32 s16;
	s16 =	smov.u32 s12;
	(pc) =	sbr.rel @p0 .LBB2_7-.Ltmp2, $4  }
0x72: {  	v9 =	vsub.f32 v4, v6;
	s12 =	smov.u32 s31;
	v3 =	vld [tilespmem:s31+$0x0];
	[tilespmem:s16+$0x4800] =	vst v10;
	s31 =	sshra.s32 s1, $0x2  }
0x73: {  	v4 =	vld [tilespmem:s31+$0x1000];
	v10 =	vsub.f32 v5, v11;
	v11 =	vmul.f32 $-1.000000000e+01, v7  }
0x74: {  	v7 =	vmul.f32 v9, v9;
	v6 =	vld [tilespmem:s31+$0x2800]  }
0x75: {  	s1 =	sadd.s32 $0x40, s1;
	v5 =	vld [tilespmem:s31+$0x1800];
	v9 =	vsub.f32 v12, v8;
	v10 =	vmul.f32 v10, v10;
	v8 =	vmul.f32 $1.442695020e+00, v11  }
0x76: {  	v11 =	vld [tilespmem:s31+$0x3000]  }
0x77: {  	v12 =	vld [tilespmem:s31+$0x2000]  }
0x78: {  	v13 =	vld [tilespmem:s31+$0x3800];
	_ =	sdelay $0x2  }
0x79: {  	v4 =	vsub.f32 v4, v6;
	v5 =	vsub.f32 v5, v11;
	_ =	sdelay $0x1  }
0x7a: {  	v4 =	vmul.f32 v4, v4;
	v57 =	vsub.f32 v12, v13;
	v5 =	vmul.f32 v5, v5  }
0x7b: {  	v7 =	vadd.f32 v10, v7;
	v9 =	vmul.f32 v9, v9  }
0x7c: {  	v58 =	vmul.f32 v57, v57;
	v4 =	vadd.f32 v5, v4  }
0x7d: {  	v59 =	vadd.f32 v9, v7  }
0x7e: {  	v4 =	vadd.f32 v58, v4  }
0x7f: {  	v60 =	vmul.f32 $-1.000000000e+01, v59  }
0x80: {  	v4 =	vmul.f32 $-1.000000000e+01, v4  }
0x81: {  	(erf) = vpow2.f32 v8;
	v5 =	vmul.f32 $1.442695020e+00, v60  }
0x82: {  	v61 =	vpop (erf);
	v4 =	vmul.f32 $1.442695020e+00, v4  }
0x83: {  	v62 =	vld [tilespmem:s31+$0x800];
	[tilespmem:s15+$0x4000] =	vst v61;
	(erf) = vpow2.f32 v5  }
0x84: {  	v63 =	vld [tilespmem:s31+$0x0];
	(erf) = vpow2.f32 v4;
	_ =	sdelay $0x1  }
0x85: {  	v2 =	vshll.u32 v2, $0x10  }
0x86: {  	v2 =	vor.u32 v3, v2  }
0x87: {  	[tilespmem:s12+$0x4800] =	vst v2;
	v2 =	vshll.u32 v62, $0x10  }
0x88: {  	v2 =	vor.u32 v63, v2  }
0x89: {  	v3 =	vpop (erf)  }
0x8a: {  	[tilespmem:s16+$0x4000] =	vst v3  }
0x8b: {  	[tilespmem:s31+$0x4800] =	vst v2;
	v2 =	vpop (erf)  }
0x8c: {  	[tilespmem:s12+$0x4000] =	vst v2;
	v2 =	vpop (erf)  }
0x8d: {  	s1 =	sadd.s32 s9, s13;
	[tilespmem:s31+$0x4000] =	vst v2  }
0x8e: {  	[hbm4b:s1+s2] =	stream.linear.scatter [tilespmem:s28], [sflag:$0x2], $0x7D0, $0x38;
	[tilespmem:$0x70C0] =	vst v63  }
0x8f: {  	_ =	swait.ge [sflag:s17], $0x7D0  }
0x90: {  	[sflag:s17] =	ssyncset.done $0x0  }
0x91: {  	s16 =	sadd.s32 s10, s13;
	[sflag:s17] =	ssyncadd.s32 $0xFFFFF830  }
0x92: {  	[hbm4b:s16+s2] =	stream.linear.scatter [tilespmem:s29], [sflag:$0x2], $0x7D0, $0x38;
	[tilespmem:$0x70C0] =	vst v63  }
0x93: {  	_ =	swait.ge [sflag:s17], $0x7D0  }
0x94: {  	s4 =	sadd.s32 $0x1, s4;
	[sflag:s17] =	ssyncset.done $0x0  }
0x95: {  	p0 =	sne.s32 s4, s14;
	[sflag:s17] =	ssyncadd.s32 $0xFFFFF830  }
.Ltmp3:
0x96: {  	s31 =	rddreg [dreg:$0x2];
	(pc) =	sbr.rel @p0 .LBB2_6-.Ltmp3, $4  }
0x97: {  	[spmem:s31] =	stream.indirect.scatter.add.f32 [tilespmem:s30], [sflag:$0x2], $0x1, s18, s19, $0xb8;
	[tilespmem:$0x70C0] =	vst v63  }
0x98: {  	_ =	swait.ge [sflag:s17], $0x7D0  }
0x99: {  	[sflag:s17] =	ssyncset.done $0x0  }
0x9a: {  	[sflag:s17] =	ssyncadd.s32 $0xFFFFF830  }
0x9b: {  	[bflag:$0x0] =	sbarrier.arrive $0xFFFF  }
0x9c: {  	s4 =	simm.s32 $0x5800;
	s15 =	rddreg [dreg:$0x4]  }
0x9d: {  	[tilespmem:s4], [sflag:$0x2] =	stream.linear.gather [spmem:s15], $0xC40, $0x38;
	[tilespmem:$0x70C0] =	vst v63  }
0x9e: {  	_ =	swait.ge [sflag:s17], $0xC40  }
0x9f: {  	[sflag:s17] =	ssyncset.done $0x0  }
0xa0: {  	s0 =	rddreg [dreg:$0x5];
	[sflag:s17] =	ssyncadd.s32 $0xFFFFF3C0  }
0xa1: {  	[hbm4b:s0+s2] =	stream.linear.scatter [tilespmem:s4], [sflag:$0x2], $0xC40, $0x38;
	[tilespmem:$0x70C0] =	vst v63  }
0xa2: {  	_ =	swait.ge [sflag:s17], $0xC40  }
0xa3: {  	s1 =	rddreg [dreg:$0x7]  }
0xa4: {  	s31 =	rddreg [dreg:$0x6];
	s1 =	sadd.s32 $0x1, s1  }
0xa5: {  	p0 =	sne.s32 s1, s31  }
.Ltmp4:
0xa6: {  	_ = 	snop;
	(pc) =	sbr.rel @p0 .LBB2_1-.Ltmp4, $3  }
0xa7: {  	_ =	sdelay $0x1  }
0xa8: {  	[sflag:s17] =	ssyncset.done $0x0  }
0xa9: {  	[sflag:s17] =	ssyncadd.s32 $0xFFFFF3C0  }
0xaa: {  	_ =	sfence.sel $0x180000  }
0xab: {  	[bflag:$0x0] =	sbarrier.arrive $0xFFFF  }
0xac: {  	_ =	strace $0x90000047  }
0xad: {  	s0 =	stileid.u32;
	[bflag:$0x2] =	sbarrier.arrive $0xFFFF  }
0xae: {  	p0 =	sne.s32 s0, $0x0;
	s0 =	rddreg [dreg:$0x3]  }
0xaf: {  	s0 =	sadd.s32 @!p0 $0x100000, s0  }
0xb0: {  	[sflag:s0] =	ssyncadd.tile.s32 @!p0 $0x1;
	_ =	shalt  }
.Lfunc_end2:
_tile_overlayer_lowered:
.L_overlay_start_2:
0xb1: {  	(tag) =	ssettag $0x2  }
0xb2: {  	s0 =	rddreg [dreg:$0x0];
	s2 =	stileid.u32  }
0xb3: {  	s1 =	rddreg [dreg:$0x1];
	p0 =	sne.s32 s2, $0x0  }
0xb4: {  	s3 =	rddreg [dreg:$0x2];
	[bflag:$0x3] =	sbarrier.arrive $0xFFFF;
	s2 =	simm.s32 @!p0 $0x1C02  }
0xb5: {  	[timem:s3], [sflag:s2] =	dma.local @!p0 [hbm:s0], s1  }
0xb6: {  	s0 =	simm.s32 @!p0 $0x2  }
0xb7: {  	_ =	swait.ge @!p0 [sflag:s0], s1  }
0xb8: {  	s1 =	ssub.s32 @!p0 $0x0, s1;
	[sflag:s0] =	ssyncset.done @!p0 $0x0  }
0xb9: {  	[sflag:s0] =	ssyncadd.s32 @!p0 s1  }
0xba: {  	[bflag:$0x3] =	sbarrier.arrive $0xFFFF  }
0xbb: {  	_ =	shalt  }

</sc_bundles>
